<compile_context>
chip_gen: v7x
topology: tpu7x:2x2x1
jax: 0.10.2.dev20260603
libtpu: 0.0.44.dev20260713+nightly
codegen_flags: <defaults>
</compile_context>

<pallas_src>
import functools

import jax
import jax.numpy as jnp
from jax import lax
from jax.experimental import pallas as pl
from jax.experimental.pallas import tpu as pltpu
from jax.experimental.pallas import tpu_sc as plsc

D = 256
T = 512
B = 8
MAX_MEL = 2000
M_PAD = 2048
N_BINS = 256
EMB_REP = 64
_EPS = 1e-5



def _fused_body(x_ref, maskf_ref, *refs):
    (table_ref, logd_ref, pitch_ref, energy_ref, dur_ref,
     g_ref, melmask_ref, mellen_ref) = refs[32:]
    ptab_ref, etab_ref = refs[30], refs[31]
    x = x_ref[...]
    maskf = maskf_ref[...]
    n = B * T
    rows = lax.broadcasted_iota(jnp.int32, (n, 1), 0)
    tmod = rows & (T - 1)
    first_row = tmod == 0
    last_row = tmod == (T - 1)
    z = jnp.zeros((1, D), jnp.float32)
    ones_col = jnp.ones((D, 1), jnp.float32)

    def ln(v, g, b):
        mu = jnp.mean(v, axis=-1, keepdims=True)
        c = v - mu
        var = jnp.mean(c * c, axis=-1, keepdims=True)
        return c * lax.rsqrt(var + _EPS) * g + b

    def conv3(v, w3_ref, b):
        down = jnp.concatenate([z, v[:n - 1]], axis=0)
        up = jnp.concatenate([v[1:], z], axis=0)
        down = jnp.where(first_row, 0.0, down)
        up = jnp.where(last_row, 0.0, up)
        acc = jnp.dot(down, w3_ref[0], preferred_element_type=jnp.float32)
        acc += jnp.dot(v, w3_ref[1], preferred_element_type=jnp.float32)
        acc += jnp.dot(up, w3_ref[2], preferred_element_type=jnp.float32)
        return acc + b

    outs = []
    for p in range(3):
        (w1, b1, g1, bb1, w2, b2, g2, bb2, wl, bl) = refs[10 * p:10 * (p + 1)]
        h = jax.nn.relu(conv3(x, w1, b1[...]))
        h = ln(h, g1[...], bb1[...])
        h = jax.nn.relu(conv3(h, w2, b2[...]))
        h = ln(h, g2[...], bb2[...])
        o = jnp.dot(h, wl[...], preferred_element_type=jnp.float32)
        o = (o + bl[...]) * (1.0 - maskf)
        outs.append(o)
    logd_ref[...] = outs[0]
    pitch_ref[...] = outs[1]
    energy_ref[...] = outs[2]

    dur_f = jnp.maximum(jnp.round(jnp.exp(outs[0]) - 1.0), 0.0)
    dur_ref[...] = dur_f.astype(jnp.int32)

    it = lax.broadcasted_iota(jnp.int32, (T, T), 0)
    js = lax.broadcasted_iota(jnp.int32, (T, T), 1)
    tri = (js <= it).astype(jnp.float32)
    frames = lax.broadcasted_iota(jnp.int32, (1, M_PAD), 1).astype(jnp.float32)
    mrep = lax.broadcasted_iota(jnp.int32, (1, M_PAD), 1) & (EMB_REP - 1)
    lanes = lax.broadcasted_iota(jnp.int32, (1, N_BINS), 1)
    ones_row = jnp.ones((1, T), jnp.float32)
    ptab = ptab_ref[...]
    etab = etab_ref[...]

    for b in range(B):
        sl = slice(b * T, (b + 1) * T)
        cum = jnp.dot(tri, dur_f[sl], preferred_element_type=jnp.float32)
        cum_last = cum[T - 1:T, :]
        mel_len = jnp.minimum(cum_last, float(MAX_MEL))
        mellen_ref[b:b + 1, :] = mel_len.astype(jnp.int32)

        cmp = (cum <= frames).astype(jnp.float32)
        tid = jnp.dot(ones_row, cmp, preferred_element_type=jnp.float32)
        valid = frames < mel_len
        g = jnp.where(valid, tid + float(b * T),
                      float(B * T + b * EMB_REP) + mrep.astype(jnp.float32))
        gi = g.astype(jnp.int32)
        for q in range(4):
            g_ref[4 * b + q:4 * b + q + 1, :] = (
                gi[:, q * _W_OFF:q * _W_OFF + _IDX_PAD])
        melmask_ref[b:b + 1, :] = (frames >= mel_len).astype(
            jnp.int32)[:, :MAX_MEL]

        p_idx = jnp.clip(jnp.mean(outs[1][sl]).astype(jnp.int32), 0, N_BINS - 1)
        e_idx = jnp.clip(jnp.mean(outs[2][sl]).astype(jnp.int32), 0, N_BINS - 1)
        oh_p = (lanes == p_idx).astype(jnp.float32)
        oh_e = (lanes == e_idx).astype(jnp.float32)
        emb = (jnp.dot(oh_p, ptab, preferred_element_type=jnp.float32)
               + jnp.dot(oh_e, etab, preferred_element_type=jnp.float32))
        table_ref[sl, :] = x[sl] + emb
        table_ref[n + b * EMB_REP:n + (b + 1) * EMB_REP, :] = (
            jnp.broadcast_to(emb, (EMB_REP, D)))


_PKEYS = ('w1', 'b1', 'g1', 'bb1', 'w2', 'b2', 'g2', 'bb2', 'wl', 'bl')


def _fused(x2d, maskf2d, pflat, ptab, etab):
    n = B * T
    return pl.pallas_call(
        _fused_body,
        out_shape=[
            jax.ShapeDtypeStruct((n + B * EMB_REP, D), jnp.float32),
            jax.ShapeDtypeStruct((n, 1), jnp.float32),
            jax.ShapeDtypeStruct((n, 1), jnp.float32),
            jax.ShapeDtypeStruct((n, 1), jnp.float32),
            jax.ShapeDtypeStruct((n, 1), jnp.int32),
            jax.ShapeDtypeStruct((32, _IDX_PAD), jnp.int32),
            jax.ShapeDtypeStruct((B, MAX_MEL), jnp.int32),
            jax.ShapeDtypeStruct((B, 1), jnp.int32),
        ],
    )(x2d, maskf2d, *pflat, ptab, etab)



_N_OUT = B * MAX_MEL
_W_OFF = 496
_IDX_PAD = 512
_CHUNK = 64
_NCHUNK = _IDX_PAD // _CHUNK


def _sc_gather(table2, gpad):
    mesh = plsc.VectorSubcoreMesh(core_axis_name="c", subcore_axis_name="s")

    @functools.partial(
        pl.kernel,
        mesh=mesh,
        out_type=jax.ShapeDtypeStruct((_N_OUT, D), jnp.float32),
        scratch_types=[
            pltpu.VMEM((_IDX_PAD,), jnp.int32),
            pltpu.VMEM((_CHUNK, D), jnp.float32),
            pltpu.VMEM((_CHUNK, D), jnp.float32),
            pltpu.SemaphoreType.DMA,
            pltpu.SemaphoreType.DMA,
            pltpu.SemaphoreType.DMA,
            pltpu.SemaphoreType.DMA,
        ],
    )
    def k(table_hbm, idx_hbm, out_hbm, idx_v, buf0, buf1,
          gsem0, gsem1, wsem0, wsem1):
        wid = lax.axis_index("s") * 2 + lax.axis_index("c")
        base = (wid >> 2) * MAX_MEL + (wid & 3) * _W_OFF
        pltpu.sync_copy(idx_hbm.at[wid], idx_v)
        bufs = (buf0, buf1)
        gsems = (gsem0, gsem1)
        wsems = (wsem0, wsem1)
        gps = [None, None]
        wps = [None, None]
        gps[0] = pltpu.async_copy(
            table_hbm.at[idx_v.at[pl.ds(0, _CHUNK)]], bufs[0], gsems[0])
        for c in range(1, _NCHUNK):
            s = c & 1
            p = (c - 1) & 1
            if wps[s] is not None:
                wps[s].wait()
            gps[s] = pltpu.async_copy(
                table_hbm.at[idx_v.at[pl.ds(c * _CHUNK, _CHUNK)]],
                bufs[s], gsems[s])
            gps[p].wait()
            wps[p] = pltpu.async_copy(
                bufs[p], out_hbm.at[pl.ds(base + (c - 1) * _CHUNK, _CHUNK)],
                wsems[p])
        last = (_NCHUNK - 1) & 1
        gps[last].wait()
        wps[last] = pltpu.async_copy(
            bufs[last],
            out_hbm.at[pl.ds(base + (_NCHUNK - 1) * _CHUNK, _CHUNK)],
            wsems[last])
        wps[0].wait()
        wps[1].wait()

    return k(table2, gpad)



def kernel(x, mask, dur_params, pitch_params, energy_params, pitch_table, energy_table):
    maskf2d = mask.astype(jnp.float32).reshape(B * T, 1)
    pflat = []
    for prm in (dur_params, pitch_params, energy_params):
        for k in _PKEYS:
            v = prm[k]
            if k == 'bl':
                v = v.reshape(1, 1)
            elif v.ndim == 1:
                v = v.reshape(1, D)
            pflat.append(v)

    table, logd, pitch, energy, dur_i, g, melmask_i, mellen_i = _fused(
        x.reshape(B * T, D), maskf2d, pflat, pitch_table, energy_table)

    out = _sc_gather(table, g)
    xe = out.reshape(B, MAX_MEL, D)

    return (xe, pitch.reshape(B, T), energy.reshape(B, T),
            logd.reshape(B, T), dur_i.reshape(B, T),
            mellen_i.reshape(B), melmask_i.astype(bool))

# --- scband reference (transcript-rebuilt; emitter-appended) ---
"""Pipeline reference for scband-variance-adaptor-onnx-45904610460076 (READ-ONLY COPY).

The authoritative reference and input builder live on the scoring server;
editing this copy changes nothing except your own understanding.
"""

import jax, jax.numpy as jnp
import numpy as np

D_MODEL = 256
FILTER = 256
KERNEL = 3
MAX_MEL = 2000
N_BINS = 256
B = 8
T = 512


def _conv1d(x, w, b):
    # x: [B, T, Cin], w: [K, Cin, Cout]
    out = jax.lax.conv_general_dilated(
        x, w, window_strides=(1,), padding='SAME',
        dimension_numbers=('NWC', 'WIO', 'NWC'))
    return out + b


def _layer_norm(x, g, b, eps=1e-5):
    mu = jnp.mean(x, axis=-1, keepdims=True)
    var = jnp.mean((x - mu) ** 2, axis=-1, keepdims=True)
    return (x - mu) / jnp.sqrt(var + eps) * g + b


def _variance_predictor(x, mask, p):
    # FastSpeech2 VariancePredictor: Conv1d -> ReLU -> LN -> Conv1d -> ReLU -> LN -> Linear(1), masked fill 0
    h = jax.nn.relu(_conv1d(x, p['w1'], p['b1']))
    h = _layer_norm(h, p['g1'], p['bb1'])
    h = jax.nn.relu(_conv1d(h, p['w2'], p['b2']))
    h = _layer_norm(h, p['g2'], p['bb2'])
    out = jnp.squeeze(h @ p['wl'] + p['bl'], axis=-1)  # [B, T]
    return jnp.where(mask, 0.0, out)


def _length_regulator(x, dur):
    # ONNX-friendly expansion: fixed output length MAX_MEL, frame->phoneme
    # assignment built from cumulative durations, realized as a dense matmul.
    cum = jnp.cumsum(dur, axis=1)          # [B, T]
    cum_prev = cum - dur                   # [B, T]
    mel_len = jnp.minimum(cum[:, -1], MAX_MEL)
    frames = jnp.arange(MAX_MEL)[None, :, None]                 # [1, M, 1]
    m = (frames >= cum_prev[:, None, :]) & (frames < cum[:, None, :])  # [B, M, T]
    out = jnp.einsum('bmt,btd->bmd', m.astype(x.dtype), x)      # [B, M, d]
    return out, mel_len


def _forward(x, mask, dp, pp, ep, pitch_table, energy_table,
             p_control=1.0, e_control=1.0, d_control=1.0):
    log_d = _variance_predictor(x, mask, dp)
    dur = jnp.maximum(jnp.round((jnp.exp(log_d) - 1.0) * d_control), 0.0).astype(jnp.int32)
    pitch = _variance_predictor(x, mask, pp)
    energy = _variance_predictor(x, mask, ep)
    xe, mel_len = _length_regulator(x, dur)
    mel_mask = jnp.arange(MAX_MEL)[None, :] >= mel_len[:, None]
    # frame_level: mean-pooled prediction -> bucket index -> embedding lookup, broadcast add
    p_idx = jnp.clip(jnp.mean(pitch, axis=1).astype(jnp.int32), 0, N_BINS - 1)  # [B]
    xe = xe + pitch_table[p_idx][:, None, :]
    e_idx = jnp.clip(jnp.mean(energy, axis=1).astype(jnp.int32), 0, N_BINS - 1)
    xe = xe + energy_table[e_idx][:, None, :]
    return xe, pitch, energy, log_d, dur, mel_len, mel_mask


def _vp_params(key):
    ks = jax.random.split(key, 3)
    s = 0.05
    return {
        'w1': jax.random.normal(ks[0], (KERNEL, D_MODEL, FILTER), dtype=jnp.float32) * s,
        'b1': jnp.zeros((FILTER,), jnp.float32),
        'g1': jnp.ones((FILTER,), jnp.float32),
        'bb1': jnp.zeros((FILTER,), jnp.float32),
        'w2': jax.random.normal(ks[1], (KERNEL, FILTER, FILTER), dtype=jnp.float32) * s,
        'b2': jnp.zeros((FILTER,), jnp.float32),
        'g2': jnp.ones((FILTER,), jnp.float32),
        'bb2': jnp.zeros((FILTER,), jnp.float32),
        'wl': jax.random.normal(ks[2], (FILTER, 1), dtype=jnp.float32) * s,
        'bl': jnp.zeros((1,), jnp.float32),
    }


def setup_inputs(seed: int = 0) -> dict:
    key = jax.random.key(seed)
    k1, k2, k3, k4, k5, k6 = jax.random.split(key, 6)
    x = jax.random.normal(k1, (B, T, D_MODEL), dtype=jnp.float32)
    mask = jnp.zeros((B, T), dtype=bool)
    return {
        'x': x,
        'mask': mask,
        'dur_params': _vp_params(k2),
        'pitch_params': _vp_params(k3),
        'energy_params': _vp_params(k4),
        'pitch_table': jax.random.normal(k5, (N_BINS, D_MODEL), dtype=jnp.float32) * 0.05,
        'energy_table': jax.random.normal(k6, (N_BINS, D_MODEL), dtype=jnp.float32) * 0.05,
    }


def reference(x, mask, dur_params, pitch_params, energy_params, pitch_table, energy_table):
    return _forward(x, mask, dur_params, pitch_params, energy_params, pitch_table, energy_table)

if __name__ == "__main__":
    import jax
    _d = setup_inputs()
    print(jax.jit(kernel)(*tuple(_d.values())))

</pallas_src>

<mosaic_0001>
#map = affine_map<(d0, d1) -> (0, 0)>
module attributes {stable_mosaic.version = 14 : i64} {
  func.func @k(%arg0: i32, %arg1: i32, %arg2: memref<4608x256xf32, #tpu.memory_space<hbm>>, %arg3: memref<32x512xi32, #tpu.memory_space<hbm>>, %arg4: memref<16000x256xf32, #tpu.memory_space<hbm>>, %arg5: memref<512xi32, #tpu.memory_space<vmem>>, %arg6: memref<64x256xf32, #tpu.memory_space<vmem>>, %arg7: memref<64x256xf32, #tpu.memory_space<vmem>>, %arg8: memref<!tpu.dma_semaphore, #tpu.memory_space<semaphore_mem>>, %arg9: memref<!tpu.dma_semaphore, #tpu.memory_space<semaphore_mem>>, %arg10: memref<!tpu.dma_semaphore, #tpu.memory_space<semaphore_mem>>, %arg11: memref<!tpu.dma_semaphore, #tpu.memory_space<semaphore_mem>>) attributes {dimension_semantics = [#tpu.dimension_semantics<core_parallel>, #tpu.dimension_semantics<subcore_parallel>], iteration_bounds = array<i64: 2, 16>, scalar_prefetch = 0 : i64, scratch_operands = 7 : i64, tpu.core_type = #tpu.core_type<sc_vector_subcore>, window_params = [{transform_indices = #map}, {transform_indices = #map}, {transform_indices = #map}]} {
    %mul3A = arith.constant 2 : i32
    %mul3A_0 = arith.muli %arg1, %mul3A : i32
    %add3A = arith.addi %mul3A_0, %arg0 : i32
    %shift_right_arithmetic3A = arith.constant 2 : i32
    %shift_right_arithmetic3A_1 = arith.shrsi %add3A, %shift_right_arithmetic3A : i32
    %mul3A_2 = arith.constant 2000 : i32
    %mul3A_3 = arith.muli %shift_right_arithmetic3A_1, %mul3A_2 : i32
    %and3A = arith.constant 3 : i32
    %and3A_4 = arith.andi %add3A, %and3A : i32
    %mul3A_5 = arith.constant 496 : i32
    %mul3A_6 = arith.muli %and3A_4, %mul3A_5 : i32
    %add3A_7 = arith.addi %mul3A_3, %mul3A_6 : i32
    "tpu.region"() ({
      %run_scoped3A = tpu.sem_alloc : memref<!tpu.dma_semaphore, #tpu.memory_space<semaphore_mem>>
      %dma_start3A_166 = arith.constant 0 : i32
      %dma_start3A_167 = tpu.memref_slice %arg3[%add3A, %dma_start3A_166] : memref<32x512xi32, #tpu.memory_space<hbm>> -> memref<1x512xi32, #tpu.memory_space<hbm>>
      %dma_start3A_168 = tpu.memref_squeeze %dma_start3A_167 : memref<1x512xi32, #tpu.memory_space<hbm>> -> memref<512xi32, #tpu.memory_space<hbm>>
      %dma_start3A_169 = arith.constant 0 : i32
      %dma_start3A_170 = tpu.memref_slice %arg3[%add3A, %dma_start3A_169] : memref<32x512xi32, #tpu.memory_space<hbm>> -> memref<1x512xi32, #tpu.memory_space<hbm>>
      %dma_start3A_171 = tpu.memref_squeeze %dma_start3A_170 : memref<1x512xi32, #tpu.memory_space<hbm>> -> memref<512xi32, #tpu.memory_space<hbm>>
      tpu.enqueue_dma source(%dma_start3A_171 : memref<512xi32, #tpu.memory_space<hbm>>) target(%arg5 : memref<512xi32, #tpu.memory_space<vmem>>) target_semaphore(%run_scoped3A : memref<!tpu.dma_semaphore, #tpu.memory_space<semaphore_mem>>)
      %dma_wait3A_172 = arith.constant 0 : i32
      %dma_wait3A_173 = tpu.memref_slice %arg3[%add3A, %dma_wait3A_172] : memref<32x512xi32, #tpu.memory_space<hbm>> -> memref<1x512xi32, #tpu.memory_space<hbm>>
      %dma_wait3A_174 = tpu.memref_squeeze %dma_wait3A_173 : memref<1x512xi32, #tpu.memory_space<hbm>> -> memref<512xi32, #tpu.memory_space<hbm>>
      %dma_wait3A_175 = arith.constant 0 : i32
      %dma_wait3A_176 = tpu.memref_slice %arg3[%add3A, %dma_wait3A_175] : memref<32x512xi32, #tpu.memory_space<hbm>> -> memref<1x512xi32, #tpu.memory_space<hbm>>
      %dma_wait3A_177 = tpu.memref_squeeze %dma_wait3A_176 : memref<1x512xi32, #tpu.memory_space<hbm>> -> memref<512xi32, #tpu.memory_space<hbm>>
      tpu.wait_dma2 semaphore(%run_scoped3A : memref<!tpu.dma_semaphore, #tpu.memory_space<semaphore_mem>>) src(%dma_wait3A_177 : memref<512xi32, #tpu.memory_space<hbm>>) dst(%arg5 : memref<512xi32, #tpu.memory_space<vmem>>)
      tpu.yield
    }) : () -> ()
    %dma_start3A = arith.constant 0 : i32
    %dma_start3A_8 = tpu.memref_slice %arg5[%dma_start3A] : memref<512xi32, #tpu.memory_space<vmem>> -> memref<64xi32, #tpu.memory_space<vmem>>
    %dma_start3A_9 = arith.constant 0 : i32
    %dma_start3A_10 = arith.constant 0 : i32
    %dma_start3A_11 = tpu.memref_slice %arg2[%dma_start3A_9, %dma_start3A_10] : memref<4608x256xf32, #tpu.memory_space<hbm>> -> memref<4608x256xf32, #tpu.memory_space<hbm>>
    tpu.enqueue_indirect_dma source(%dma_start3A_11 : memref<4608x256xf32, #tpu.memory_space<hbm>>) target(%arg6 : memref<64x256xf32, #tpu.memory_space<vmem>>) offsets(%dma_start3A_8 : memref<64xi32, #tpu.memory_space<vmem>>) semaphore(%arg8 : memref<!tpu.dma_semaphore, #tpu.memory_space<semaphore_mem>>)
    %dma_start3A_12 = arith.constant 64 : i32
    %dma_start3A_13 = tpu.memref_slice %arg5[%dma_start3A_12] : memref<512xi32, #tpu.memory_space<vmem>> -> memref<64xi32, #tpu.memory_space<vmem>>
    %dma_start3A_14 = arith.constant 0 : i32
    %dma_start3A_15 = arith.constant 0 : i32
    %dma_start3A_16 = tpu.memref_slice %arg2[%dma_start3A_14, %dma_start3A_15] : memref<4608x256xf32, #tpu.memory_space<hbm>> -> memref<4608x256xf32, #tpu.memory_space<hbm>>
    tpu.enqueue_indirect_dma source(%dma_start3A_16 : memref<4608x256xf32, #tpu.memory_space<hbm>>) target(%arg7 : memref<64x256xf32, #tpu.memory_space<vmem>>) offsets(%dma_start3A_13 : memref<64xi32, #tpu.memory_space<vmem>>) semaphore(%arg9 : memref<!tpu.dma_semaphore, #tpu.memory_space<semaphore_mem>>)
    %dma_wait3A = arith.constant 0 : i32
    %dma_wait3A_17 = tpu.memref_slice %arg5[%dma_wait3A] : memref<512xi32, #tpu.memory_space<vmem>> -> memref<64xi32, #tpu.memory_space<vmem>>
    %dma_wait3A_18 = arith.constant 0 : i32
    %dma_wait3A_19 = arith.constant 0 : i32
    %dma_wait3A_20 = tpu.memref_slice %arg2[%dma_wait3A_18, %dma_wait3A_19] : memref<4608x256xf32, #tpu.memory_space<hbm>> -> memref<4608x256xf32, #tpu.memory_space<hbm>>
    tpu.wait_indirect_dma semaphore(%arg8 : memref<!tpu.dma_semaphore, #tpu.memory_space<semaphore_mem>>) src(%dma_wait3A_20 : memref<4608x256xf32, #tpu.memory_space<hbm>>) dst(%arg6 : memref<64x256xf32, #tpu.memory_space<vmem>>)
    %add3A_21 = arith.constant 0 : i32
    %add3A_22 = arith.addi %add3A_7, %add3A_21 : i32
    %dma_start3A_23 = arith.constant 0 : i32
    %dma_start3A_24 = tpu.memref_slice %arg4[%add3A_22, %dma_start3A_23] : memref<16000x256xf32, #tpu.memory_space<hbm>> -> memref<64x256xf32, #tpu.memory_space<hbm>>
    %dma_start3A_25 = arith.constant 0 : i32
    %dma_start3A_26 = tpu.memref_slice %arg4[%add3A_22, %dma_start3A_25] : memref<16000x256xf32, #tpu.memory_space<hbm>> -> memref<64x256xf32, #tpu.memory_space<hbm>>
    tpu.enqueue_dma source(%arg6 : memref<64x256xf32, #tpu.memory_space<vmem>>) target(%dma_start3A_26 : memref<64x256xf32, #tpu.memory_space<hbm>>) target_semaphore(%arg10 : memref<!tpu.dma_semaphore, #tpu.memory_space<semaphore_mem>>)
    %dma_wait3A_27 = arith.constant 0 : i32
    %dma_wait3A_28 = tpu.memref_slice %arg4[%add3A_22, %dma_wait3A_27] : memref<16000x256xf32, #tpu.memory_space<hbm>> -> memref<64x256xf32, #tpu.memory_space<hbm>>
    %dma_wait3A_29 = arith.constant 0 : i32
    %dma_wait3A_30 = tpu.memref_slice %arg4[%add3A_22, %dma_wait3A_29] : memref<16000x256xf32, #tpu.memory_space<hbm>> -> memref<64x256xf32, #tpu.memory_space<hbm>>
    tpu.wait_dma2 semaphore(%arg10 : memref<!tpu.dma_semaphore, #tpu.memory_space<semaphore_mem>>) src(%arg6 : memref<64x256xf32, #tpu.memory_space<vmem>>) dst(%dma_wait3A_30 : memref<64x256xf32, #tpu.memory_space<hbm>>)
    %dma_start3A_31 = arith.constant 128 : i32
    %dma_start3A_32 = tpu.memref_slice %arg5[%dma_start3A_31] : memref<512xi32, #tpu.memory_space<vmem>> -> memref<64xi32, #tpu.memory_space<vmem>>
    %dma_start3A_33 = arith.constant 0 : i32
    %dma_start3A_34 = arith.constant 0 : i32
    %dma_start3A_35 = tpu.memref_slice %arg2[%dma_start3A_33, %dma_start3A_34] : memref<4608x256xf32, #tpu.memory_space<hbm>> -> memref<4608x256xf32, #tpu.memory_space<hbm>>
    tpu.enqueue_indirect_dma source(%dma_start3A_35 : memref<4608x256xf32, #tpu.memory_space<hbm>>) target(%arg6 : memref<64x256xf32, #tpu.memory_space<vmem>>) offsets(%dma_start3A_32 : memref<64xi32, #tpu.memory_space<vmem>>) semaphore(%arg8 : memref<!tpu.dma_semaphore, #tpu.memory_space<semaphore_mem>>)
    %dma_wait3A_36 = arith.constant 64 : i32
    %dma_wait3A_37 = tpu.memref_slice %arg5[%dma_wait3A_36] : memref<512xi32, #tpu.memory_space<vmem>> -> memref<64xi32, #tpu.memory_space<vmem>>
    %dma_wait3A_38 = arith.constant 0 : i32
    %dma_wait3A_39 = arith.constant 0 : i32
    %dma_wait3A_40 = tpu.memref_slice %arg2[%dma_wait3A_38, %dma_wait3A_39] : memref<4608x256xf32, #tpu.memory_space<hbm>> -> memref<4608x256xf32, #tpu.memory_space<hbm>>
    tpu.wait_indirect_dma semaphore(%arg9 : memref<!tpu.dma_semaphore, #tpu.memory_space<semaphore_mem>>) src(%dma_wait3A_40 : memref<4608x256xf32, #tpu.memory_space<hbm>>) dst(%arg7 : memref<64x256xf32, #tpu.memory_space<vmem>>)
    %add3A_41 = arith.constant 64 : i32
    %add3A_42 = arith.addi %add3A_7, %add3A_41 : i32
    %dma_start3A_43 = arith.constant 0 : i32
    %dma_start3A_44 = tpu.memref_slice %arg4[%add3A_42, %dma_start3A_43] : memref<16000x256xf32, #tpu.memory_space<hbm>> -> memref<64x256xf32, #tpu.memory_space<hbm>>
    %dma_start3A_45 = arith.constant 0 : i32
    %dma_start3A_46 = tpu.memref_slice %arg4[%add3A_42, %dma_start3A_45] : memref<16000x256xf32, #tpu.memory_space<hbm>> -> memref<64x256xf32, #tpu.memory_space<hbm>>
    tpu.enqueue_dma source(%arg7 : memref<64x256xf32, #tpu.memory_space<vmem>>) target(%dma_start3A_46 : memref<64x256xf32, #tpu.memory_space<hbm>>) target_semaphore(%arg11 : memref<!tpu.dma_semaphore, #tpu.memory_space<semaphore_mem>>)
    %dma_wait3A_47 = arith.constant 0 : i32
    %dma_wait3A_48 = tpu.memref_slice %arg4[%add3A_42, %dma_wait3A_47] : memref<16000x256xf32, #tpu.memory_space<hbm>> -> memref<64x256xf32, #tpu.memory_space<hbm>>
    %dma_wait3A_49 = arith.constant 0 : i32
    %dma_wait3A_50 = tpu.memref_slice %arg4[%add3A_42, %dma_wait3A_49] : memref<16000x256xf32, #tpu.memory_space<hbm>> -> memref<64x256xf32, #tpu.memory_space<hbm>>
    tpu.wait_dma2 semaphore(%arg11 : memref<!tpu.dma_semaphore, #tpu.memory_space<semaphore_mem>>) src(%arg7 : memref<64x256xf32, #tpu.memory_space<vmem>>) dst(%dma_wait3A_50 : memref<64x256xf32, #tpu.memory_space<hbm>>)
    %dma_start3A_51 = arith.constant 192 : i32
    %dma_start3A_52 = tpu.memref_slice %arg5[%dma_start3A_51] : memref<512xi32, #tpu.memory_space<vmem>> -> memref<64xi32, #tpu.memory_space<vmem>>
    %dma_start3A_53 = arith.constant 0 : i32
    %dma_start3A_54 = arith.constant 0 : i32
    %dma_start3A_55 = tpu.memref_slice %arg2[%dma_start3A_53, %dma_start3A_54] : memref<4608x256xf32, #tpu.memory_space<hbm>> -> memref<4608x256xf32, #tpu.memory_space<hbm>>
    tpu.enqueue_indirect_dma source(%dma_start3A_55 : memref<4608x256xf32, #tpu.memory_space<hbm>>) target(%arg7 : memref<64x256xf32, #tpu.memory_space<vmem>>) offsets(%dma_start3A_52 : memref<64xi32, #tpu.memory_space<vmem>>) semaphore(%arg9 : memref<!tpu.dma_semaphore, #tpu.memory_space<semaphore_mem>>)
    %dma_wait3A_56 = arith.constant 128 : i32
    %dma_wait3A_57 = tpu.memref_slice %arg5[%dma_wait3A_56] : memref<512xi32, #tpu.memory_space<vmem>> -> memref<64xi32, #tpu.memory_space<vmem>>
    %dma_wait3A_58 = arith.constant 0 : i32
    %dma_wait3A_59 = arith.constant 0 : i32
    %dma_wait3A_60 = tpu.memref_slice %arg2[%dma_wait3A_58, %dma_wait3A_59] : memref<4608x256xf32, #tpu.memory_space<hbm>> -> memref<4608x256xf32, #tpu.memory_space<hbm>>
    tpu.wait_indirect_dma semaphore(%arg8 : memref<!tpu.dma_semaphore, #tpu.memory_space<semaphore_mem>>) src(%dma_wait3A_60 : memref<4608x256xf32, #tpu.memory_space<hbm>>) dst(%arg6 : memref<64x256xf32, #tpu.memory_space<vmem>>)
    %add3A_61 = arith.constant 128 : i32
    %add3A_62 = arith.addi %add3A_7, %add3A_61 : i32
    %dma_start3A_63 = arith.constant 0 : i32
    %dma_start3A_64 = tpu.memref_slice %arg4[%add3A_62, %dma_start3A_63] : memref<16000x256xf32, #tpu.memory_space<hbm>> -> memref<64x256xf32, #tpu.memory_space<hbm>>
    %dma_start3A_65 = arith.constant 0 : i32
    %dma_start3A_66 = tpu.memref_slice %arg4[%add3A_62, %dma_start3A_65] : memref<16000x256xf32, #tpu.memory_space<hbm>> -> memref<64x256xf32, #tpu.memory_space<hbm>>
    tpu.enqueue_dma source(%arg6 : memref<64x256xf32, #tpu.memory_space<vmem>>) target(%dma_start3A_66 : memref<64x256xf32, #tpu.memory_space<hbm>>) target_semaphore(%arg10 : memref<!tpu.dma_semaphore, #tpu.memory_space<semaphore_mem>>)
    %dma_wait3A_67 = arith.constant 0 : i32
    %dma_wait3A_68 = tpu.memref_slice %arg4[%add3A_62, %dma_wait3A_67] : memref<16000x256xf32, #tpu.memory_space<hbm>> -> memref<64x256xf32, #tpu.memory_space<hbm>>
    %dma_wait3A_69 = arith.constant 0 : i32
    %dma_wait3A_70 = tpu.memref_slice %arg4[%add3A_62, %dma_wait3A_69] : memref<16000x256xf32, #tpu.memory_space<hbm>> -> memref<64x256xf32, #tpu.memory_space<hbm>>
    tpu.wait_dma2 semaphore(%arg10 : memref<!tpu.dma_semaphore, #tpu.memory_space<semaphore_mem>>) src(%arg6 : memref<64x256xf32, #tpu.memory_space<vmem>>) dst(%dma_wait3A_70 : memref<64x256xf32, #tpu.memory_space<hbm>>)
    %dma_start3A_71 = arith.constant 256 : i32
    %dma_start3A_72 = tpu.memref_slice %arg5[%dma_start3A_71] : memref<512xi32, #tpu.memory_space<vmem>> -> memref<64xi32, #tpu.memory_space<vmem>>
    %dma_start3A_73 = arith.constant 0 : i32
    %dma_start3A_74 = arith.constant 0 : i32
    %dma_start3A_75 = tpu.memref_slice %arg2[%dma_start3A_73, %dma_start3A_74] : memref<4608x256xf32, #tpu.memory_space<hbm>> -> memref<4608x256xf32, #tpu.memory_space<hbm>>
    tpu.enqueue_indirect_dma source(%dma_start3A_75 : memref<4608x256xf32, #tpu.memory_space<hbm>>) target(%arg6 : memref<64x256xf32, #tpu.memory_space<vmem>>) offsets(%dma_start3A_72 : memref<64xi32, #tpu.memory_space<vmem>>) semaphore(%arg8 : memref<!tpu.dma_semaphore, #tpu.memory_space<semaphore_mem>>)
    %dma_wait3A_76 = arith.constant 192 : i32
    %dma_wait3A_77 = tpu.memref_slice %arg5[%dma_wait3A_76] : memref<512xi32, #tpu.memory_space<vmem>> -> memref<64xi32, #tpu.memory_space<vmem>>
    %dma_wait3A_78 = arith.constant 0 : i32
    %dma_wait3A_79 = arith.constant 0 : i32
    %dma_wait3A_80 = tpu.memref_slice %arg2[%dma_wait3A_78, %dma_wait3A_79] : memref<4608x256xf32, #tpu.memory_space<hbm>> -> memref<4608x256xf32, #tpu.memory_space<hbm>>
    tpu.wait_indirect_dma semaphore(%arg9 : memref<!tpu.dma_semaphore, #tpu.memory_space<semaphore_mem>>) src(%dma_wait3A_80 : memref<4608x256xf32, #tpu.memory_space<hbm>>) dst(%arg7 : memref<64x256xf32, #tpu.memory_space<vmem>>)
    %add3A_81 = arith.constant 192 : i32
    %add3A_82 = arith.addi %add3A_7, %add3A_81 : i32
    %dma_start3A_83 = arith.constant 0 : i32
    %dma_start3A_84 = tpu.memref_slice %arg4[%add3A_82, %dma_start3A_83] : memref<16000x256xf32, #tpu.memory_space<hbm>> -> memref<64x256xf32, #tpu.memory_space<hbm>>
    %dma_start3A_85 = arith.constant 0 : i32
    %dma_start3A_86 = tpu.memref_slice %arg4[%add3A_82, %dma_start3A_85] : memref<16000x256xf32, #tpu.memory_space<hbm>> -> memref<64x256xf32, #tpu.memory_space<hbm>>
    tpu.enqueue_dma source(%arg7 : memref<64x256xf32, #tpu.memory_space<vmem>>) target(%dma_start3A_86 : memref<64x256xf32, #tpu.memory_space<hbm>>) target_semaphore(%arg11 : memref<!tpu.dma_semaphore, #tpu.memory_space<semaphore_mem>>)
    %dma_wait3A_87 = arith.constant 0 : i32
    %dma_wait3A_88 = tpu.memref_slice %arg4[%add3A_82, %dma_wait3A_87] : memref<16000x256xf32, #tpu.memory_space<hbm>> -> memref<64x256xf32, #tpu.memory_space<hbm>>
    %dma_wait3A_89 = arith.constant 0 : i32
    %dma_wait3A_90 = tpu.memref_slice %arg4[%add3A_82, %dma_wait3A_89] : memref<16000x256xf32, #tpu.memory_space<hbm>> -> memref<64x256xf32, #tpu.memory_space<hbm>>
    tpu.wait_dma2 semaphore(%arg11 : memref<!tpu.dma_semaphore, #tpu.memory_space<semaphore_mem>>) src(%arg7 : memref<64x256xf32, #tpu.memory_space<vmem>>) dst(%dma_wait3A_90 : memref<64x256xf32, #tpu.memory_space<hbm>>)
    %dma_start3A_91 = arith.constant 320 : i32
    %dma_start3A_92 = tpu.memref_slice %arg5[%dma_start3A_91] : memref<512xi32, #tpu.memory_space<vmem>> -> memref<64xi32, #tpu.memory_space<vmem>>
    %dma_start3A_93 = arith.constant 0 : i32
    %dma_start3A_94 = arith.constant 0 : i32
    %dma_start3A_95 = tpu.memref_slice %arg2[%dma_start3A_93, %dma_start3A_94] : memref<4608x256xf32, #tpu.memory_space<hbm>> -> memref<4608x256xf32, #tpu.memory_space<hbm>>
    tpu.enqueue_indirect_dma source(%dma_start3A_95 : memref<4608x256xf32, #tpu.memory_space<hbm>>) target(%arg7 : memref<64x256xf32, #tpu.memory_space<vmem>>) offsets(%dma_start3A_92 : memref<64xi32, #tpu.memory_space<vmem>>) semaphore(%arg9 : memref<!tpu.dma_semaphore, #tpu.memory_space<semaphore_mem>>)
    %dma_wait3A_96 = arith.constant 256 : i32
    %dma_wait3A_97 = tpu.memref_slice %arg5[%dma_wait3A_96] : memref<512xi32, #tpu.memory_space<vmem>> -> memref<64xi32, #tpu.memory_space<vmem>>
    %dma_wait3A_98 = arith.constant 0 : i32
    %dma_wait3A_99 = arith.constant 0 : i32
    %dma_wait3A_100 = tpu.memref_slice %arg2[%dma_wait3A_98, %dma_wait3A_99] : memref<4608x256xf32, #tpu.memory_space<hbm>> -> memref<4608x256xf32, #tpu.memory_space<hbm>>
    tpu.wait_indirect_dma semaphore(%arg8 : memref<!tpu.dma_semaphore, #tpu.memory_space<semaphore_mem>>) src(%dma_wait3A_100 : memref<4608x256xf32, #tpu.memory_space<hbm>>) dst(%arg6 : memref<64x256xf32, #tpu.memory_space<vmem>>)
    %add3A_101 = arith.constant 256 : i32
    %add3A_102 = arith.addi %add3A_7, %add3A_101 : i32
    %dma_start3A_103 = arith.constant 0 : i32
    %dma_start3A_104 = tpu.memref_slice %arg4[%add3A_102, %dma_start3A_103] : memref<16000x256xf32, #tpu.memory_space<hbm>> -> memref<64x256xf32, #tpu.memory_space<hbm>>
    %dma_start3A_105 = arith.constant 0 : i32
    %dma_start3A_106 = tpu.memref_slice %arg4[%add3A_102, %dma_start3A_105] : memref<16000x256xf32, #tpu.memory_space<hbm>> -> memref<64x256xf32, #tpu.memory_space<hbm>>
    tpu.enqueue_dma source(%arg6 : memref<64x256xf32, #tpu.memory_space<vmem>>) target(%dma_start3A_106 : memref<64x256xf32, #tpu.memory_space<hbm>>) target_semaphore(%arg10 : memref<!tpu.dma_semaphore, #tpu.memory_space<semaphore_mem>>)
    %dma_wait3A_107 = arith.constant 0 : i32
    %dma_wait3A_108 = tpu.memref_slice %arg4[%add3A_102, %dma_wait3A_107] : memref<16000x256xf32, #tpu.memory_space<hbm>> -> memref<64x256xf32, #tpu.memory_space<hbm>>
    %dma_wait3A_109 = arith.constant 0 : i32
    %dma_wait3A_110 = tpu.memref_slice %arg4[%add3A_102, %dma_wait3A_109] : memref<16000x256xf32, #tpu.memory_space<hbm>> -> memref<64x256xf32, #tpu.memory_space<hbm>>
    tpu.wait_dma2 semaphore(%arg10 : memref<!tpu.dma_semaphore, #tpu.memory_space<semaphore_mem>>) src(%arg6 : memref<64x256xf32, #tpu.memory_space<vmem>>) dst(%dma_wait3A_110 : memref<64x256xf32, #tpu.memory_space<hbm>>)
    %dma_start3A_111 = arith.constant 384 : i32
    %dma_start3A_112 = tpu.memref_slice %arg5[%dma_start3A_111] : memref<512xi32, #tpu.memory_space<vmem>> -> memref<64xi32, #tpu.memory_space<vmem>>
    %dma_start3A_113 = arith.constant 0 : i32
    %dma_start3A_114 = arith.constant 0 : i32
    %dma_start3A_115 = tpu.memref_slice %arg2[%dma_start3A_113, %dma_start3A_114] : memref<4608x256xf32, #tpu.memory_space<hbm>> -> memref<4608x256xf32, #tpu.memory_space<hbm>>
    tpu.enqueue_indirect_dma source(%dma_start3A_115 : memref<4608x256xf32, #tpu.memory_space<hbm>>) target(%arg6 : memref<64x256xf32, #tpu.memory_space<vmem>>) offsets(%dma_start3A_112 : memref<64xi32, #tpu.memory_space<vmem>>) semaphore(%arg8 : memref<!tpu.dma_semaphore, #tpu.memory_space<semaphore_mem>>)
    %dma_wait3A_116 = arith.constant 320 : i32
    %dma_wait3A_117 = tpu.memref_slice %arg5[%dma_wait3A_116] : memref<512xi32, #tpu.memory_space<vmem>> -> memref<64xi32, #tpu.memory_space<vmem>>
    %dma_wait3A_118 = arith.constant 0 : i32
    %dma_wait3A_119 = arith.constant 0 : i32
    %dma_wait3A_120 = tpu.memref_slice %arg2[%dma_wait3A_118, %dma_wait3A_119] : memref<4608x256xf32, #tpu.memory_space<hbm>> -> memref<4608x256xf32, #tpu.memory_space<hbm>>
    tpu.wait_indirect_dma semaphore(%arg9 : memref<!tpu.dma_semaphore, #tpu.memory_space<semaphore_mem>>) src(%dma_wait3A_120 : memref<4608x256xf32, #tpu.memory_space<hbm>>) dst(%arg7 : memref<64x256xf32, #tpu.memory_space<vmem>>)
    %add3A_121 = arith.constant 320 : i32
    %add3A_122 = arith.addi %add3A_7, %add3A_121 : i32
    %dma_start3A_123 = arith.constant 0 : i32
    %dma_start3A_124 = tpu.memref_slice %arg4[%add3A_122, %dma_start3A_123] : memref<16000x256xf32, #tpu.memory_space<hbm>> -> memref<64x256xf32, #tpu.memory_space<hbm>>
    %dma_start3A_125 = arith.constant 0 : i32
    %dma_start3A_126 = tpu.memref_slice %arg4[%add3A_122, %dma_start3A_125] : memref<16000x256xf32, #tpu.memory_space<hbm>> -> memref<64x256xf32, #tpu.memory_space<hbm>>
    tpu.enqueue_dma source(%arg7 : memref<64x256xf32, #tpu.memory_space<vmem>>) target(%dma_start3A_126 : memref<64x256xf32, #tpu.memory_space<hbm>>) target_semaphore(%arg11 : memref<!tpu.dma_semaphore, #tpu.memory_space<semaphore_mem>>)
    %dma_wait3A_127 = arith.constant 0 : i32
    %dma_wait3A_128 = tpu.memref_slice %arg4[%add3A_122, %dma_wait3A_127] : memref<16000x256xf32, #tpu.memory_space<hbm>> -> memref<64x256xf32, #tpu.memory_space<hbm>>
    %dma_wait3A_129 = arith.constant 0 : i32
    %dma_wait3A_130 = tpu.memref_slice %arg4[%add3A_122, %dma_wait3A_129] : memref<16000x256xf32, #tpu.memory_space<hbm>> -> memref<64x256xf32, #tpu.memory_space<hbm>>
    tpu.wait_dma2 semaphore(%arg11 : memref<!tpu.dma_semaphore, #tpu.memory_space<semaphore_mem>>) src(%arg7 : memref<64x256xf32, #tpu.memory_space<vmem>>) dst(%dma_wait3A_130 : memref<64x256xf32, #tpu.memory_space<hbm>>)
    %dma_start3A_131 = arith.constant 448 : i32
    %dma_start3A_132 = tpu.memref_slice %arg5[%dma_start3A_131] : memref<512xi32, #tpu.memory_space<vmem>> -> memref<64xi32, #tpu.memory_space<vmem>>
    %dma_start3A_133 = arith.constant 0 : i32
    %dma_start3A_134 = arith.constant 0 : i32
    %dma_start3A_135 = tpu.memref_slice %arg2[%dma_start3A_133, %dma_start3A_134] : memref<4608x256xf32, #tpu.memory_space<hbm>> -> memref<4608x256xf32, #tpu.memory_space<hbm>>
    tpu.enqueue_indirect_dma source(%dma_start3A_135 : memref<4608x256xf32, #tpu.memory_space<hbm>>) target(%arg7 : memref<64x256xf32, #tpu.memory_space<vmem>>) offsets(%dma_start3A_132 : memref<64xi32, #tpu.memory_space<vmem>>) semaphore(%arg9 : memref<!tpu.dma_semaphore, #tpu.memory_space<semaphore_mem>>)
    %dma_wait3A_136 = arith.constant 384 : i32
    %dma_wait3A_137 = tpu.memref_slice %arg5[%dma_wait3A_136] : memref<512xi32, #tpu.memory_space<vmem>> -> memref<64xi32, #tpu.memory_space<vmem>>
    %dma_wait3A_138 = arith.constant 0 : i32
    %dma_wait3A_139 = arith.constant 0 : i32
    %dma_wait3A_140 = tpu.memref_slice %arg2[%dma_wait3A_138, %dma_wait3A_139] : memref<4608x256xf32, #tpu.memory_space<hbm>> -> memref<4608x256xf32, #tpu.memory_space<hbm>>
    tpu.wait_indirect_dma semaphore(%arg8 : memref<!tpu.dma_semaphore, #tpu.memory_space<semaphore_mem>>) src(%dma_wait3A_140 : memref<4608x256xf32, #tpu.memory_space<hbm>>) dst(%arg6 : memref<64x256xf32, #tpu.memory_space<vmem>>)
    %add3A_141 = arith.constant 384 : i32
    %add3A_142 = arith.addi %add3A_7, %add3A_141 : i32
    %dma_start3A_143 = arith.constant 0 : i32
    %dma_start3A_144 = tpu.memref_slice %arg4[%add3A_142, %dma_start3A_143] : memref<16000x256xf32, #tpu.memory_space<hbm>> -> memref<64x256xf32, #tpu.memory_space<hbm>>
    %dma_start3A_145 = arith.constant 0 : i32
    %dma_start3A_146 = tpu.memref_slice %arg4[%add3A_142, %dma_start3A_145] : memref<16000x256xf32, #tpu.memory_space<hbm>> -> memref<64x256xf32, #tpu.memory_space<hbm>>
    tpu.enqueue_dma source(%arg6 : memref<64x256xf32, #tpu.memory_space<vmem>>) target(%dma_start3A_146 : memref<64x256xf32, #tpu.memory_space<hbm>>) target_semaphore(%arg10 : memref<!tpu.dma_semaphore, #tpu.memory_space<semaphore_mem>>)
    %dma_wait3A_147 = arith.constant 448 : i32
    %dma_wait3A_148 = tpu.memref_slice %arg5[%dma_wait3A_147] : memref<512xi32, #tpu.memory_space<vmem>> -> memref<64xi32, #tpu.memory_space<vmem>>
    %dma_wait3A_149 = arith.constant 0 : i32
    %dma_wait3A_150 = arith.constant 0 : i32
    %dma_wait3A_151 = tpu.memref_slice %arg2[%dma_wait3A_149, %dma_wait3A_150] : memref<4608x256xf32, #tpu.memory_space<hbm>> -> memref<4608x256xf32, #tpu.memory_space<hbm>>
    tpu.wait_indirect_dma semaphore(%arg9 : memref<!tpu.dma_semaphore, #tpu.memory_space<semaphore_mem>>) src(%dma_wait3A_151 : memref<4608x256xf32, #tpu.memory_space<hbm>>) dst(%arg7 : memref<64x256xf32, #tpu.memory_space<vmem>>)
    %add3A_152 = arith.constant 448 : i32
    %add3A_153 = arith.addi %add3A_7, %add3A_152 : i32
    %dma_start3A_154 = arith.constant 0 : i32
    %dma_start3A_155 = tpu.memref_slice %arg4[%add3A_153, %dma_start3A_154] : memref<16000x256xf32, #tpu.memory_space<hbm>> -> memref<64x256xf32, #tpu.memory_space<hbm>>
    %dma_start3A_156 = arith.constant 0 : i32
    %dma_start3A_157 = tpu.memref_slice %arg4[%add3A_153, %dma_start3A_156] : memref<16000x256xf32, #tpu.memory_space<hbm>> -> memref<64x256xf32, #tpu.memory_space<hbm>>
    tpu.enqueue_dma source(%arg7 : memref<64x256xf32, #tpu.memory_space<vmem>>) target(%dma_start3A_157 : memref<64x256xf32, #tpu.memory_space<hbm>>) target_semaphore(%arg11 : memref<!tpu.dma_semaphore, #tpu.memory_space<semaphore_mem>>)
    %dma_wait3A_158 = arith.constant 0 : i32
    %dma_wait3A_159 = tpu.memref_slice %arg4[%add3A_142, %dma_wait3A_158] : memref<16000x256xf32, #tpu.memory_space<hbm>> -> memref<64x256xf32, #tpu.memory_space<hbm>>
    %dma_wait3A_160 = arith.constant 0 : i32
    %dma_wait3A_161 = tpu.memref_slice %arg4[%add3A_142, %dma_wait3A_160] : memref<16000x256xf32, #tpu.memory_space<hbm>> -> memref<64x256xf32, #tpu.memory_space<hbm>>
    tpu.wait_dma2 semaphore(%arg10 : memref<!tpu.dma_semaphore, #tpu.memory_space<semaphore_mem>>) src(%arg6 : memref<64x256xf32, #tpu.memory_space<vmem>>) dst(%dma_wait3A_161 : memref<64x256xf32, #tpu.memory_space<hbm>>)
    %dma_wait3A_162 = arith.constant 0 : i32
    %dma_wait3A_163 = tpu.memref_slice %arg4[%add3A_153, %dma_wait3A_162] : memref<16000x256xf32, #tpu.memory_space<hbm>> -> memref<64x256xf32, #tpu.memory_space<hbm>>
    %dma_wait3A_164 = arith.constant 0 : i32
    %dma_wait3A_165 = tpu.memref_slice %arg4[%add3A_153, %dma_wait3A_164] : memref<16000x256xf32, #tpu.memory_space<hbm>> -> memref<64x256xf32, #tpu.memory_space<hbm>>
    tpu.wait_dma2 semaphore(%arg11 : memref<!tpu.dma_semaphore, #tpu.memory_space<semaphore_mem>>) src(%arg7 : memref<64x256xf32, #tpu.memory_space<vmem>>) dst(%dma_wait3A_165 : memref<64x256xf32, #tpu.memory_space<hbm>>)
    return
  }
}

module attributes {stable_mosaic.version = 14 : i64} {
  func.func @_fused_body(%arg0: memref<4096x256xf32, #tpu.memory_space<vmem>>, %arg1: memref<4096x1xf32, #tpu.memory_space<vmem>>, %arg2: memref<3x256x256xf32, #tpu.memory_space<vmem>>, %arg3: memref<1x256xf32, #tpu.memory_space<vmem>>, %arg4: memref<1x256xf32, #tpu.memory_space<vmem>>, %arg5: memref<1x256xf32, #tpu.memory_space<vmem>>, %arg6: memref<3x256x256xf32, #tpu.memory_space<vmem>>, %arg7: memref<1x256xf32, #tpu.memory_space<vmem>>, %arg8: memref<1x256xf32, #tpu.memory_space<vmem>>, %arg9: memref<1x256xf32, #tpu.memory_space<vmem>>, %arg10: memref<256x1xf32, #tpu.memory_space<vmem>>, %arg11: memref<1x1xf32, #tpu.memory_space<vmem>>, %arg12: memref<3x256x256xf32, #tpu.memory_space<vmem>>, %arg13: memref<1x256xf32, #tpu.memory_space<vmem>>, %arg14: memref<1x256xf32, #tpu.memory_space<vmem>>, %arg15: memref<1x256xf32, #tpu.memory_space<vmem>>, %arg16: memref<3x256x256xf32, #tpu.memory_space<vmem>>, %arg17: memref<1x256xf32, #tpu.memory_space<vmem>>, %arg18: memref<1x256xf32, #tpu.memory_space<vmem>>, %arg19: memref<1x256xf32, #tpu.memory_space<vmem>>, %arg20: memref<256x1xf32, #tpu.memory_space<vmem>>, %arg21: memref<1x1xf32, #tpu.memory_space<vmem>>, %arg22: memref<3x256x256xf32, #tpu.memory_space<vmem>>, %arg23: memref<1x256xf32, #tpu.memory_space<vmem>>, %arg24: memref<1x256xf32, #tpu.memory_space<vmem>>, %arg25: memref<1x256xf32, #tpu.memory_space<vmem>>, %arg26: memref<3x256x256xf32, #tpu.memory_space<vmem>>, %arg27: memref<1x256xf32, #tpu.memory_space<vmem>>, %arg28: memref<1x256xf32, #tpu.memory_space<vmem>>, %arg29: memref<1x256xf32, #tpu.memory_space<vmem>>, %arg30: memref<256x1xf32, #tpu.memory_space<vmem>>, %arg31: memref<1x1xf32, #tpu.memory_space<vmem>>, %arg32: memref<256x256xf32, #tpu.memory_space<vmem>>, %arg33: memref<256x256xf32, #tpu.memory_space<vmem>>, %arg34: memref<4608x256xf32, #tpu.memory_space<vmem>>, %arg35: memref<4096x1xf32, #tpu.memory_space<vmem>>, %arg36: memref<4096x1xf32, #tpu.memory_space<vmem>>, %arg37: memref<4096x1xf32, #tpu.memory_space<vmem>>, %arg38: memref<4096x1xi32, #tpu.memory_space<vmem>>, %arg39: memref<32x512xi32, #tpu.memory_space<vmem>>, %arg40: memref<8x2000xi32, #tpu.memory_space<vmem>>, %arg41: memref<8x1xi32, #tpu.memory_space<vmem>>) attributes {dimension_semantics = [], scalar_prefetch = 0 : i64, scratch_operands = 0 : i64, tpu.core_type = #tpu.core_type<tc>} {
    %get3A = arith.constant 0 : index
    %get3A_0 = arith.constant 0 : index
    %get3A_1 = vector.load %arg0[%get3A, %get3A_0] : memref<4096x256xf32, #tpu.memory_space<vmem>>, vector<4096x256xf32>
    %get3A_2 = arith.constant 0 : index
    %get3A_3 = arith.constant 0 : index
    %get3A_4 = vector.load %arg1[%get3A_2, %get3A_3] : memref<4096x1xf32, #tpu.memory_space<vmem>>, vector<4096x1xf32>
    %iota3A = tpu.iota {dimensions = array<i32: 0>} : vector<4096x1xi32>
    %and3A = arith.constant 511 : i32
    %and3A_5 = vector.broadcast %and3A : i32 to vector<4096x1xi32>
    %and3A_6 = arith.andi %iota3A, %and3A_5 : vector<4096x1xi32>
    %eq3A = arith.constant 0 : i32
    %eq3A_7 = vector.broadcast %eq3A : i32 to vector<4096x1xi32>
    %eq3A_8 = arith.cmpi eq, %and3A_6, %eq3A_7 : vector<4096x1xi32>
    %eq3A_9 = arith.constant 511 : i32
    %eq3A_10 = vector.broadcast %eq3A_9 : i32 to vector<4096x1xi32>
    %eq3A_11 = arith.cmpi eq, %and3A_6, %eq3A_10 : vector<4096x1xi32>
    %broadcast_in_dim3A = arith.constant 0.000000e+00 : f32
    %broadcast_in_dim3A_12 = vector.broadcast %broadcast_in_dim3A : f32 to vector<1x256xf32>
    %get3A_13 = arith.constant 0 : index
    %get3A_14 = arith.constant 0 : index
    %get3A_15 = vector.load %arg3[%get3A_13, %get3A_14] : memref<1x256xf32, #tpu.memory_space<vmem>>, vector<1x256xf32>
    %slice3A = vector.extract_strided_slice %get3A_1 {offsets = [0, 0], sizes = [4095, 256], strides = [1, 1]} : vector<4096x256xf32> to vector<4095x256xf32>
    %concatenate3A = tpu.concatenate %broadcast_in_dim3A_12, %slice3A in 0 : vector<1x256xf32>, vector<4095x256xf32> -> vector<4096x256xf32>
    %slice3A_16 = vector.extract_strided_slice %get3A_1 {offsets = [1, 0], sizes = [4095, 256], strides = [1, 1]} : vector<4096x256xf32> to vector<4095x256xf32>
    %concatenate3A_17 = tpu.concatenate %slice3A_16, %broadcast_in_dim3A_12 in 0 : vector<4095x256xf32>, vector<1x256xf32> -> vector<4096x256xf32>
    %jit3A = arith.constant 0.000000e+00 : f32
    %broadcast_in_dim3A_18 = vector.shape_cast %eq3A_8 : vector<4096x1xi1> to vector<4096x1xi1>
    %broadcast_in_dim3A_19 = vector.broadcast %broadcast_in_dim3A_18 : vector<4096x1xi1> to vector<4096x256xi1>
    %broadcast_in_dim3A_20 = vector.broadcast %jit3A : f32 to vector<4096x256xf32>
    %select_n3A = arith.select %broadcast_in_dim3A_19, %broadcast_in_dim3A_20, %concatenate3A : vector<4096x256xi1>, vector<4096x256xf32>
    %jit3A_21 = arith.constant 0.000000e+00 : f32
    %broadcast_in_dim3A_22 = vector.shape_cast %eq3A_11 : vector<4096x1xi1> to vector<4096x1xi1>
    %broadcast_in_dim3A_23 = vector.broadcast %broadcast_in_dim3A_22 : vector<4096x1xi1> to vector<4096x256xi1>
    %broadcast_in_dim3A_24 = vector.broadcast %jit3A_21 : f32 to vector<4096x256xf32>
    %select_n3A_25 = arith.select %broadcast_in_dim3A_23, %broadcast_in_dim3A_24, %concatenate3A_17 : vector<4096x256xi1>, vector<4096x256xf32>
    %get3A_26 = arith.constant 0 : index
    %get3A_27 = arith.constant 0 : index
    %get3A_28 = arith.constant 0 : index
    %get3A_29 = vector.load %arg2[%get3A_26, %get3A_27, %get3A_28] : memref<3x256x256xf32, #tpu.memory_space<vmem>>, vector<1x256x256xf32>
    %get3A_30 = vector.shape_cast %get3A_29 : vector<1x256x256xf32> to vector<256x256xf32>
    %dot_general3A = arith.constant dense<0.000000e+00> : vector<4096x256xf32>
    %dot_general3A_31 = tpu.matmul %select_n3A, %get3A_30, %dot_general3A {dimension_numbers = #tpu.dot_dimension_numbers<[1], [0], [0], [1], [0, 0, 1, 1], [], []>, transpose_lhs_hint = false} : vector<4096x256xf32>, vector<256x256xf32>, vector<4096x256xf32> -> vector<4096x256xf32>
    %get3A_32 = arith.constant 1 : index
    %get3A_33 = arith.constant 0 : index
    %get3A_34 = arith.constant 0 : index
    %get3A_35 = vector.load %arg2[%get3A_32, %get3A_33, %get3A_34] : memref<3x256x256xf32, #tpu.memory_space<vmem>>, vector<1x256x256xf32>
    %get3A_36 = vector.shape_cast %get3A_35 : vector<1x256x256xf32> to vector<256x256xf32>
    %dot_general3A_37 = arith.constant dense<0.000000e+00> : vector<4096x256xf32>
    %dot_general3A_38 = tpu.matmul %get3A_1, %get3A_36, %dot_general3A_37 {dimension_numbers = #tpu.dot_dimension_numbers<[1], [0], [0], [1], [0, 0, 1, 1], [], []>, transpose_lhs_hint = false} : vector<4096x256xf32>, vector<256x256xf32>, vector<4096x256xf32> -> vector<4096x256xf32>
    %add3A = arith.addf %dot_general3A_31, %dot_general3A_38 : vector<4096x256xf32>
    %get3A_39 = arith.constant 2 : index
    %get3A_40 = arith.constant 0 : index
    %get3A_41 = arith.constant 0 : index
    %get3A_42 = vector.load %arg2[%get3A_39, %get3A_40, %get3A_41] : memref<3x256x256xf32, #tpu.memory_space<vmem>>, vector<1x256x256xf32>
    %get3A_43 = vector.shape_cast %get3A_42 : vector<1x256x256xf32> to vector<256x256xf32>
    %dot_general3A_44 = arith.constant dense<0.000000e+00> : vector<4096x256xf32>
    %dot_general3A_45 = tpu.matmul %select_n3A_25, %get3A_43, %dot_general3A_44 {dimension_numbers = #tpu.dot_dimension_numbers<[1], [0], [0], [1], [0, 0, 1, 1], [], []>, transpose_lhs_hint = false} : vector<4096x256xf32>, vector<256x256xf32>, vector<4096x256xf32> -> vector<4096x256xf32>
    %add3A_46 = arith.addf %add3A, %dot_general3A_45 : vector<4096x256xf32>
    %add3A_47 = vector.broadcast %get3A_15 : vector<1x256xf32> to vector<4096x256xf32>
    %add3A_48 = arith.addf %add3A_46, %add3A_47 : vector<4096x256xf32>
    %max3A = arith.constant 0.000000e+00 : f32
    %max3A_49 = vector.broadcast %max3A : f32 to vector<4096x256xf32>
    %max3A_50 = arith.maximumf %add3A_48, %max3A_49 : vector<4096x256xf32>
    %get3A_51 = arith.constant 0 : index
    %get3A_52 = arith.constant 0 : index
    %get3A_53 = vector.load %arg4[%get3A_51, %get3A_52] : memref<1x256xf32, #tpu.memory_space<vmem>>, vector<1x256xf32>
    %get3A_54 = arith.constant 0 : index
    %get3A_55 = arith.constant 0 : index
    %get3A_56 = vector.load %arg5[%get3A_54, %get3A_55] : memref<1x256xf32, #tpu.memory_space<vmem>>, vector<1x256xf32>
    %reduce_sum3A = arith.constant dense<0.000000e+00> : vector<4096xf32>
    %reduce_sum3A_57 = vector.multi_reduction <add>, %max3A_50, %reduce_sum3A [1] : vector<4096x256xf32> to vector<4096xf32>
    %broadcast_in_dim3A_58 = vector.shape_cast %reduce_sum3A_57 : vector<4096xf32> to vector<4096x1xf32>
    %div3A = arith.constant 2.560000e+02 : f32
    %div3A_59 = vector.broadcast %div3A : f32 to vector<4096x1xf32>
    %div3A_60 = arith.divf %broadcast_in_dim3A_58, %div3A_59 : vector<4096x1xf32>
    %sub3A = vector.broadcast %div3A_60 : vector<4096x1xf32> to vector<4096x256xf32>
    %sub3A_61 = arith.subf %max3A_50, %sub3A : vector<4096x256xf32>
    %mul3A = arith.mulf %sub3A_61, %sub3A_61 : vector<4096x256xf32>
    %reduce_sum3A_62 = arith.constant dense<0.000000e+00> : vector<4096xf32>
    %reduce_sum3A_63 = vector.multi_reduction <add>, %mul3A, %reduce_sum3A_62 [1] : vector<4096x256xf32> to vector<4096xf32>
    %broadcast_in_dim3A_64 = vector.shape_cast %reduce_sum3A_63 : vector<4096xf32> to vector<4096x1xf32>
    %div3A_65 = arith.constant 2.560000e+02 : f32
    %div3A_66 = vector.broadcast %div3A_65 : f32 to vector<4096x1xf32>
    %div3A_67 = arith.divf %broadcast_in_dim3A_64, %div3A_66 : vector<4096x1xf32>
    %add3A_68 = arith.constant 9.99999974E-6 : f32
    %add3A_69 = vector.broadcast %add3A_68 : f32 to vector<4096x1xf32>
    %add3A_70 = arith.addf %div3A_67, %add3A_69 : vector<4096x1xf32>
    %rsqrt3A = math.rsqrt %add3A_70 : vector<4096x1xf32>
    %mul3A_71 = vector.broadcast %rsqrt3A : vector<4096x1xf32> to vector<4096x256xf32>
    %mul3A_72 = arith.mulf %sub3A_61, %mul3A_71 : vector<4096x256xf32>
    %mul3A_73 = vector.broadcast %get3A_53 : vector<1x256xf32> to vector<4096x256xf32>
    %mul3A_74 = arith.mulf %mul3A_72, %mul3A_73 : vector<4096x256xf32>
    %add3A_75 = vector.broadcast %get3A_56 : vector<1x256xf32> to vector<4096x256xf32>
    %add3A_76 = arith.addf %mul3A_74, %add3A_75 : vector<4096x256xf32>
    %get3A_77 = arith.constant 0 : index
    %get3A_78 = arith.constant 0 : index
    %get3A_79 = vector.load %arg7[%get3A_77, %get3A_78] : memref<1x256xf32, #tpu.memory_space<vmem>>, vector<1x256xf32>
    %slice3A_80 = vector.extract_strided_slice %add3A_76 {offsets = [0, 0], sizes = [4095, 256], strides = [1, 1]} : vector<4096x256xf32> to vector<4095x256xf32>
    %concatenate3A_81 = tpu.concatenate %broadcast_in_dim3A_12, %slice3A_80 in 0 : vector<1x256xf32>, vector<4095x256xf32> -> vector<4096x256xf32>
    %slice3A_82 = vector.extract_strided_slice %add3A_76 {offsets = [1, 0], sizes = [4095, 256], strides = [1, 1]} : vector<4096x256xf32> to vector<4095x256xf32>
    %concatenate3A_83 = tpu.concatenate %slice3A_82, %broadcast_in_dim3A_12 in 0 : vector<4095x256xf32>, vector<1x256xf32> -> vector<4096x256xf32>
    %jit3A_84 = arith.constant 0.000000e+00 : f32
    %broadcast_in_dim3A_85 = vector.shape_cast %eq3A_8 : vector<4096x1xi1> to vector<4096x1xi1>
    %broadcast_in_dim3A_86 = vector.broadcast %broadcast_in_dim3A_85 : vector<4096x1xi1> to vector<4096x256xi1>
    %broadcast_in_dim3A_87 = vector.broadcast %jit3A_84 : f32 to vector<4096x256xf32>
    %select_n3A_88 = arith.select %broadcast_in_dim3A_86, %broadcast_in_dim3A_87, %concatenate3A_81 : vector<4096x256xi1>, vector<4096x256xf32>
    %jit3A_89 = arith.constant 0.000000e+00 : f32
    %broadcast_in_dim3A_90 = vector.shape_cast %eq3A_11 : vector<4096x1xi1> to vector<4096x1xi1>
    %broadcast_in_dim3A_91 = vector.broadcast %broadcast_in_dim3A_90 : vector<4096x1xi1> to vector<4096x256xi1>
    %broadcast_in_dim3A_92 = vector.broadcast %jit3A_89 : f32 to vector<4096x256xf32>
    %select_n3A_93 = arith.select %broadcast_in_dim3A_91, %broadcast_in_dim3A_92, %concatenate3A_83 : vector<4096x256xi1>, vector<4096x256xf32>
    %get3A_94 = arith.constant 0 : index
    %get3A_95 = arith.constant 0 : index
    %get3A_96 = arith.constant 0 : index
    %get3A_97 = vector.load %arg6[%get3A_94, %get3A_95, %get3A_96] : memref<3x256x256xf32, #tpu.memory_space<vmem>>, vector<1x256x256xf32>
    %get3A_98 = vector.shape_cast %get3A_97 : vector<1x256x256xf32> to vector<256x256xf32>
    %dot_general3A_99 = arith.constant dense<0.000000e+00> : vector<4096x256xf32>
    %dot_general3A_100 = tpu.matmul %select_n3A_88, %get3A_98, %dot_general3A_99 {dimension_numbers = #tpu.dot_dimension_numbers<[1], [0], [0], [1], [0, 0, 1, 1], [], []>, transpose_lhs_hint = false} : vector<4096x256xf32>, vector<256x256xf32>, vector<4096x256xf32> -> vector<4096x256xf32>
    %get3A_101 = arith.constant 1 : index
    %get3A_102 = arith.constant 0 : index
    %get3A_103 = arith.constant 0 : index
    %get3A_104 = vector.load %arg6[%get3A_101, %get3A_102, %get3A_103] : memref<3x256x256xf32, #tpu.memory_space<vmem>>, vector<1x256x256xf32>
    %get3A_105 = vector.shape_cast %get3A_104 : vector<1x256x256xf32> to vector<256x256xf32>
    %dot_general3A_106 = arith.constant dense<0.000000e+00> : vector<4096x256xf32>
    %dot_general3A_107 = tpu.matmul %add3A_76, %get3A_105, %dot_general3A_106 {dimension_numbers = #tpu.dot_dimension_numbers<[1], [0], [0], [1], [0, 0, 1, 1], [], []>, transpose_lhs_hint = false} : vector<4096x256xf32>, vector<256x256xf32>, vector<4096x256xf32> -> vector<4096x256xf32>
    %add3A_108 = arith.addf %dot_general3A_100, %dot_general3A_107 : vector<4096x256xf32>
    %get3A_109 = arith.constant 2 : index
    %get3A_110 = arith.constant 0 : index
    %get3A_111 = arith.constant 0 : index
    %get3A_112 = vector.load %arg6[%get3A_109, %get3A_110, %get3A_111] : memref<3x256x256xf32, #tpu.memory_space<vmem>>, vector<1x256x256xf32>
    %get3A_113 = vector.shape_cast %get3A_112 : vector<1x256x256xf32> to vector<256x256xf32>
    %dot_general3A_114 = arith.constant dense<0.000000e+00> : vector<4096x256xf32>
    %dot_general3A_115 = tpu.matmul %select_n3A_93, %get3A_113, %dot_general3A_114 {dimension_numbers = #tpu.dot_dimension_numbers<[1], [0], [0], [1], [0, 0, 1, 1], [], []>, transpose_lhs_hint = false} : vector<4096x256xf32>, vector<256x256xf32>, vector<4096x256xf32> -> vector<4096x256xf32>
    %add3A_116 = arith.addf %add3A_108, %dot_general3A_115 : vector<4096x256xf32>
    %add3A_117 = vector.broadcast %get3A_79 : vector<1x256xf32> to vector<4096x256xf32>
    %add3A_118 = arith.addf %add3A_116, %add3A_117 : vector<4096x256xf32>
    %max3A_119 = arith.constant 0.000000e+00 : f32
    %max3A_120 = vector.broadcast %max3A_119 : f32 to vector<4096x256xf32>
    %max3A_121 = arith.maximumf %add3A_118, %max3A_120 : vector<4096x256xf32>
    %get3A_122 = arith.constant 0 : index
    %get3A_123 = arith.constant 0 : index
    %get3A_124 = vector.load %arg8[%get3A_122, %get3A_123] : memref<1x256xf32, #tpu.memory_space<vmem>>, vector<1x256xf32>
    %get3A_125 = arith.constant 0 : index
    %get3A_126 = arith.constant 0 : index
    %get3A_127 = vector.load %arg9[%get3A_125, %get3A_126] : memref<1x256xf32, #tpu.memory_space<vmem>>, vector<1x256xf32>
    %reduce_sum3A_128 = arith.constant dense<0.000000e+00> : vector<4096xf32>
    %reduce_sum3A_129 = vector.multi_reduction <add>, %max3A_121, %reduce_sum3A_128 [1] : vector<4096x256xf32> to vector<4096xf32>
    %broadcast_in_dim3A_130 = vector.shape_cast %reduce_sum3A_129 : vector<4096xf32> to vector<4096x1xf32>
    %div3A_131 = arith.constant 2.560000e+02 : f32
    %div3A_132 = vector.broadcast %div3A_131 : f32 to vector<4096x1xf32>
    %div3A_133 = arith.divf %broadcast_in_dim3A_130, %div3A_132 : vector<4096x1xf32>
    %sub3A_134 = vector.broadcast %div3A_133 : vector<4096x1xf32> to vector<4096x256xf32>
    %sub3A_135 = arith.subf %max3A_121, %sub3A_134 : vector<4096x256xf32>
    %mul3A_136 = arith.mulf %sub3A_135, %sub3A_135 : vector<4096x256xf32>
    %reduce_sum3A_137 = arith.constant dense<0.000000e+00> : vector<4096xf32>
    %reduce_sum3A_138 = vector.multi_reduction <add>, %mul3A_136, %reduce_sum3A_137 [1] : vector<4096x256xf32> to vector<4096xf32>
    %broadcast_in_dim3A_139 = vector.shape_cast %reduce_sum3A_138 : vector<4096xf32> to vector<4096x1xf32>
    %div3A_140 = arith.constant 2.560000e+02 : f32
    %div3A_141 = vector.broadcast %div3A_140 : f32 to vector<4096x1xf32>
    %div3A_142 = arith.divf %broadcast_in_dim3A_139, %div3A_141 : vector<4096x1xf32>
    %add3A_143 = arith.constant 9.99999974E-6 : f32
    %add3A_144 = vector.broadcast %add3A_143 : f32 to vector<4096x1xf32>
    %add3A_145 = arith.addf %div3A_142, %add3A_144 : vector<4096x1xf32>
    %rsqrt3A_146 = math.rsqrt %add3A_145 : vector<4096x1xf32>
    %mul3A_147 = vector.broadcast %rsqrt3A_146 : vector<4096x1xf32> to vector<4096x256xf32>
    %mul3A_148 = arith.mulf %sub3A_135, %mul3A_147 : vector<4096x256xf32>
    %mul3A_149 = vector.broadcast %get3A_124 : vector<1x256xf32> to vector<4096x256xf32>
    %mul3A_150 = arith.mulf %mul3A_148, %mul3A_149 : vector<4096x256xf32>
    %add3A_151 = vector.broadcast %get3A_127 : vector<1x256xf32> to vector<4096x256xf32>
    %add3A_152 = arith.addf %mul3A_150, %add3A_151 : vector<4096x256xf32>
    %get3A_153 = arith.constant 0 : index
    %get3A_154 = arith.constant 0 : index
    %get3A_155 = vector.load %arg10[%get3A_153, %get3A_154] : memref<256x1xf32, #tpu.memory_space<vmem>>, vector<256x1xf32>
    %dot_general3A_156 = arith.constant dense<0.000000e+00> : vector<4096x1xf32>
    %dot_general3A_157 = tpu.matmul %add3A_152, %get3A_155, %dot_general3A_156 {dimension_numbers = #tpu.dot_dimension_numbers<[1], [0], [0], [1], [0, 0, 1, 1], [], []>, transpose_lhs_hint = false} : vector<4096x256xf32>, vector<256x1xf32>, vector<4096x1xf32> -> vector<4096x1xf32>
    %get3A_158 = arith.constant 0 : index
    %get3A_159 = arith.constant 0 : index
    %get3A_160 = vector.load %arg11[%get3A_158, %get3A_159] : memref<1x1xf32, #tpu.memory_space<vmem>>, vector<1x1xf32>
    %add3A_161 = vector.broadcast %get3A_160 : vector<1x1xf32> to vector<4096x1xf32>
    %add3A_162 = arith.addf %dot_general3A_157, %add3A_161 : vector<4096x1xf32>
    %sub3A_163 = arith.constant 1.000000e+00 : f32
    %sub3A_164 = vector.broadcast %sub3A_163 : f32 to vector<4096x1xf32>
    %sub3A_165 = arith.subf %sub3A_164, %get3A_4 : vector<4096x1xf32>
    %mul3A_166 = arith.mulf %add3A_162, %sub3A_165 : vector<4096x1xf32>
    %get3A_167 = arith.constant 0 : index
    %get3A_168 = arith.constant 0 : index
    %get3A_169 = vector.load %arg13[%get3A_167, %get3A_168] : memref<1x256xf32, #tpu.memory_space<vmem>>, vector<1x256xf32>
    %slice3A_170 = vector.extract_strided_slice %get3A_1 {offsets = [0, 0], sizes = [4095, 256], strides = [1, 1]} : vector<4096x256xf32> to vector<4095x256xf32>
    %concatenate3A_171 = tpu.concatenate %broadcast_in_dim3A_12, %slice3A_170 in 0 : vector<1x256xf32>, vector<4095x256xf32> -> vector<4096x256xf32>
    %slice3A_172 = vector.extract_strided_slice %get3A_1 {offsets = [1, 0], sizes = [4095, 256], strides = [1, 1]} : vector<4096x256xf32> to vector<4095x256xf32>
    %concatenate3A_173 = tpu.concatenate %slice3A_172, %broadcast_in_dim3A_12 in 0 : vector<4095x256xf32>, vector<1x256xf32> -> vector<4096x256xf32>
    %jit3A_174 = arith.constant 0.000000e+00 : f32
    %broadcast_in_dim3A_175 = vector.shape_cast %eq3A_8 : vector<4096x1xi1> to vector<4096x1xi1>
    %broadcast_in_dim3A_176 = vector.broadcast %broadcast_in_dim3A_175 : vector<4096x1xi1> to vector<4096x256xi1>
    %broadcast_in_dim3A_177 = vector.broadcast %jit3A_174 : f32 to vector<4096x256xf32>
    %select_n3A_178 = arith.select %broadcast_in_dim3A_176, %broadcast_in_dim3A_177, %concatenate3A_171 : vector<4096x256xi1>, vector<4096x256xf32>
    %jit3A_179 = arith.constant 0.000000e+00 : f32
    %broadcast_in_dim3A_180 = vector.shape_cast %eq3A_11 : vector<4096x1xi1> to vector<4096x1xi1>
    %broadcast_in_dim3A_181 = vector.broadcast %broadcast_in_dim3A_180 : vector<4096x1xi1> to vector<4096x256xi1>
    %broadcast_in_dim3A_182 = vector.broadcast %jit3A_179 : f32 to vector<4096x256xf32>
    %select_n3A_183 = arith.select %broadcast_in_dim3A_181, %broadcast_in_dim3A_182, %concatenate3A_173 : vector<4096x256xi1>, vector<4096x256xf32>
    %get3A_184 = arith.constant 0 : index
    %get3A_185 = arith.constant 0 : index
    %get3A_186 = arith.constant 0 : index
    %get3A_187 = vector.load %arg12[%get3A_184, %get3A_185, %get3A_186] : memref<3x256x256xf32, #tpu.memory_space<vmem>>, vector<1x256x256xf32>
    %get3A_188 = vector.shape_cast %get3A_187 : vector<1x256x256xf32> to vector<256x256xf32>
    %dot_general3A_189 = arith.constant dense<0.000000e+00> : vector<4096x256xf32>
    %dot_general3A_190 = tpu.matmul %select_n3A_178, %get3A_188, %dot_general3A_189 {dimension_numbers = #tpu.dot_dimension_numbers<[1], [0], [0], [1], [0, 0, 1, 1], [], []>, transpose_lhs_hint = false} : vector<4096x256xf32>, vector<256x256xf32>, vector<4096x256xf32> -> vector<4096x256xf32>
    %get3A_191 = arith.constant 1 : index
    %get3A_192 = arith.constant 0 : index
    %get3A_193 = arith.constant 0 : index
    %get3A_194 = vector.load %arg12[%get3A_191, %get3A_192, %get3A_193] : memref<3x256x256xf32, #tpu.memory_space<vmem>>, vector<1x256x256xf32>
    %get3A_195 = vector.shape_cast %get3A_194 : vector<1x256x256xf32> to vector<256x256xf32>
    %dot_general3A_196 = arith.constant dense<0.000000e+00> : vector<4096x256xf32>
    %dot_general3A_197 = tpu.matmul %get3A_1, %get3A_195, %dot_general3A_196 {dimension_numbers = #tpu.dot_dimension_numbers<[1], [0], [0], [1], [0, 0, 1, 1], [], []>, transpose_lhs_hint = false} : vector<4096x256xf32>, vector<256x256xf32>, vector<4096x256xf32> -> vector<4096x256xf32>
    %add3A_198 = arith.addf %dot_general3A_190, %dot_general3A_197 : vector<4096x256xf32>
    %get3A_199 = arith.constant 2 : index
    %get3A_200 = arith.constant 0 : index
    %get3A_201 = arith.constant 0 : index
    %get3A_202 = vector.load %arg12[%get3A_199, %get3A_200, %get3A_201] : memref<3x256x256xf32, #tpu.memory_space<vmem>>, vector<1x256x256xf32>
    %get3A_203 = vector.shape_cast %get3A_202 : vector<1x256x256xf32> to vector<256x256xf32>
    %dot_general3A_204 = arith.constant dense<0.000000e+00> : vector<4096x256xf32>
    %dot_general3A_205 = tpu.matmul %select_n3A_183, %get3A_203, %dot_general3A_204 {dimension_numbers = #tpu.dot_dimension_numbers<[1], [0], [0], [1], [0, 0, 1, 1], [], []>, transpose_lhs_hint = false} : vector<4096x256xf32>, vector<256x256xf32>, vector<4096x256xf32> -> vector<4096x256xf32>
    %add3A_206 = arith.addf %add3A_198, %dot_general3A_205 : vector<4096x256xf32>
    %add3A_207 = vector.broadcast %get3A_169 : vector<1x256xf32> to vector<4096x256xf32>
    %add3A_208 = arith.addf %add3A_206, %add3A_207 : vector<4096x256xf32>
    %max3A_209 = arith.constant 0.000000e+00 : f32
    %max3A_210 = vector.broadcast %max3A_209 : f32 to vector<4096x256xf32>
    %max3A_211 = arith.maximumf %add3A_208, %max3A_210 : vector<4096x256xf32>
    %get3A_212 = arith.constant 0 : index
    %get3A_213 = arith.constant 0 : index
    %get3A_214 = vector.load %arg14[%get3A_212, %get3A_213] : memref<1x256xf32, #tpu.memory_space<vmem>>, vector<1x256xf32>
    %get3A_215 = arith.constant 0 : index
    %get3A_216 = arith.constant 0 : index
    %get3A_217 = vector.load %arg15[%get3A_215, %get3A_216] : memref<1x256xf32, #tpu.memory_space<vmem>>, vector<1x256xf32>
    %reduce_sum3A_218 = arith.constant dense<0.000000e+00> : vector<4096xf32>
    %reduce_sum3A_219 = vector.multi_reduction <add>, %max3A_211, %reduce_sum3A_218 [1] : vector<4096x256xf32> to vector<4096xf32>
    %broadcast_in_dim3A_220 = vector.shape_cast %reduce_sum3A_219 : vector<4096xf32> to vector<4096x1xf32>
    %div3A_221 = arith.constant 2.560000e+02 : f32
    %div3A_222 = vector.broadcast %div3A_221 : f32 to vector<4096x1xf32>
    %div3A_223 = arith.divf %broadcast_in_dim3A_220, %div3A_222 : vector<4096x1xf32>
    %sub3A_224 = vector.broadcast %div3A_223 : vector<4096x1xf32> to vector<4096x256xf32>
    %sub3A_225 = arith.subf %max3A_211, %sub3A_224 : vector<4096x256xf32>
    %mul3A_226 = arith.mulf %sub3A_225, %sub3A_225 : vector<4096x256xf32>
    %reduce_sum3A_227 = arith.constant dense<0.000000e+00> : vector<4096xf32>
    %reduce_sum3A_228 = vector.multi_reduction <add>, %mul3A_226, %reduce_sum3A_227 [1] : vector<4096x256xf32> to vector<4096xf32>
    %broadcast_in_dim3A_229 = vector.shape_cast %reduce_sum3A_228 : vector<4096xf32> to vector<4096x1xf32>
    %div3A_230 = arith.constant 2.560000e+02 : f32
    %div3A_231 = vector.broadcast %div3A_230 : f32 to vector<4096x1xf32>
    %div3A_232 = arith.divf %broadcast_in_dim3A_229, %div3A_231 : vector<4096x1xf32>
    %add3A_233 = arith.constant 9.99999974E-6 : f32
    %add3A_234 = vector.broadcast %add3A_233 : f32 to vector<4096x1xf32>
    %add3A_235 = arith.addf %div3A_232, %add3A_234 : vector<4096x1xf32>
    %rsqrt3A_236 = math.rsqrt %add3A_235 : vector<4096x1xf32>
    %mul3A_237 = vector.broadcast %rsqrt3A_236 : vector<4096x1xf32> to vector<4096x256xf32>
    %mul3A_238 = arith.mulf %sub3A_225, %mul3A_237 : vector<4096x256xf32>
    %mul3A_239 = vector.broadcast %get3A_214 : vector<1x256xf32> to vector<4096x256xf32>
    %mul3A_240 = arith.mulf %mul3A_238, %mul3A_239 : vector<4096x256xf32>
    %add3A_241 = vector.broadcast %get3A_217 : vector<1x256xf32> to vector<4096x256xf32>
    %add3A_242 = arith.addf %mul3A_240, %add3A_241 : vector<4096x256xf32>
    %get3A_243 = arith.constant 0 : index
    %get3A_244 = arith.constant 0 : index
    %get3A_245 = vector.load %arg17[%get3A_243, %get3A_244] : memref<1x256xf32, #tpu.memory_space<vmem>>, vector<1x256xf32>
    %slice3A_246 = vector.extract_strided_slice %add3A_242 {offsets = [0, 0], sizes = [4095, 256], strides = [1, 1]} : vector<4096x256xf32> to vector<4095x256xf32>
    %concatenate3A_247 = tpu.concatenate %broadcast_in_dim3A_12, %slice3A_246 in 0 : vector<1x256xf32>, vector<4095x256xf32> -> vector<4096x256xf32>
    %slice3A_248 = vector.extract_strided_slice %add3A_242 {offsets = [1, 0], sizes = [4095, 256], strides = [1, 1]} : vector<4096x256xf32> to vector<4095x256xf32>
    %concatenate3A_249 = tpu.concatenate %slice3A_248, %broadcast_in_dim3A_12 in 0 : vector<4095x256xf32>, vector<1x256xf32> -> vector<4096x256xf32>
    %jit3A_250 = arith.constant 0.000000e+00 : f32
    %broadcast_in_dim3A_251 = vector.shape_cast %eq3A_8 : vector<4096x1xi1> to vector<4096x1xi1>
    %broadcast_in_dim3A_252 = vector.broadcast %broadcast_in_dim3A_251 : vector<4096x1xi1> to vector<4096x256xi1>
    %broadcast_in_dim3A_253 = vector.broadcast %jit3A_250 : f32 to vector<4096x256xf32>
    %select_n3A_254 = arith.select %broadcast_in_dim3A_252, %broadcast_in_dim3A_253, %concatenate3A_247 : vector<4096x256xi1>, vector<4096x256xf32>
    %jit3A_255 = arith.constant 0.000000e+00 : f32
    %broadcast_in_dim3A_256 = vector.shape_cast %eq3A_11 : vector<4096x1xi1> to vector<4096x1xi1>
    %broadcast_in_dim3A_257 = vector.broadcast %broadcast_in_dim3A_256 : vector<4096x1xi1> to vector<4096x256xi1>
    %broadcast_in_dim3A_258 = vector.broadcast %jit3A_255 : f32 to vector<4096x256xf32>
    %select_n3A_259 = arith.select %broadcast_in_dim3A_257, %broadcast_in_dim3A_258, %concatenate3A_249 : vector<4096x256xi1>, vector<4096x256xf32>
    %get3A_260 = arith.constant 0 : index
    %get3A_261 = arith.constant 0 : index
    %get3A_262 = arith.constant 0 : index
    %get3A_263 = vector.load %arg16[%get3A_260, %get3A_261, %get3A_262] : memref<3x256x256xf32, #tpu.memory_space<vmem>>, vector<1x256x256xf32>
    %get3A_264 = vector.shape_cast %get3A_263 : vector<1x256x256xf32> to vector<256x256xf32>
    %dot_general3A_265 = arith.constant dense<0.000000e+00> : vector<4096x256xf32>
    %dot_general3A_266 = tpu.matmul %select_n3A_254, %get3A_264, %dot_general3A_265 {dimension_numbers = #tpu.dot_dimension_numbers<[1], [0], [0], [1], [0, 0, 1, 1], [], []>, transpose_lhs_hint = false} : vector<4096x256xf32>, vector<256x256xf32>, vector<4096x256xf32> -> vector<4096x256xf32>
    %get3A_267 = arith.constant 1 : index
    %get3A_268 = arith.constant 0 : index
    %get3A_269 = arith.constant 0 : index
    %get3A_270 = vector.load %arg16[%get3A_267, %get3A_268, %get3A_269] : memref<3x256x256xf32, #tpu.memory_space<vmem>>, vector<1x256x256xf32>
    %get3A_271 = vector.shape_cast %get3A_270 : vector<1x256x256xf32> to vector<256x256xf32>
    %dot_general3A_272 = arith.constant dense<0.000000e+00> : vector<4096x256xf32>
    %dot_general3A_273 = tpu.matmul %add3A_242, %get3A_271, %dot_general3A_272 {dimension_numbers = #tpu.dot_dimension_numbers<[1], [0], [0], [1], [0, 0, 1, 1], [], []>, transpose_lhs_hint = false} : vector<4096x256xf32>, vector<256x256xf32>, vector<4096x256xf32> -> vector<4096x256xf32>
    %add3A_274 = arith.addf %dot_general3A_266, %dot_general3A_273 : vector<4096x256xf32>
    %get3A_275 = arith.constant 2 : index
    %get3A_276 = arith.constant 0 : index
    %get3A_277 = arith.constant 0 : index
    %get3A_278 = vector.load %arg16[%get3A_275, %get3A_276, %get3A_277] : memref<3x256x256xf32, #tpu.memory_space<vmem>>, vector<1x256x256xf32>
    %get3A_279 = vector.shape_cast %get3A_278 : vector<1x256x256xf32> to vector<256x256xf32>
    %dot_general3A_280 = arith.constant dense<0.000000e+00> : vector<4096x256xf32>
    %dot_general3A_281 = tpu.matmul %select_n3A_259, %get3A_279, %dot_general3A_280 {dimension_numbers = #tpu.dot_dimension_numbers<[1], [0], [0], [1], [0, 0, 1, 1], [], []>, transpose_lhs_hint = false} : vector<4096x256xf32>, vector<256x256xf32>, vector<4096x256xf32> -> vector<4096x256xf32>
    %add3A_282 = arith.addf %add3A_274, %dot_general3A_281 : vector<4096x256xf32>
    %add3A_283 = vector.broadcast %get3A_245 : vector<1x256xf32> to vector<4096x256xf32>
    %add3A_284 = arith.addf %add3A_282, %add3A_283 : vector<4096x256xf32>
    %max3A_285 = arith.constant 0.000000e+00 : f32
    %max3A_286 = vector.broadcast %max3A_285 : f32 to vector<4096x256xf32>
    %max3A_287 = arith.maximumf %add3A_284, %max3A_286 : vector<4096x256xf32>
    %get3A_288 = arith.constant 0 : index
    %get3A_289 = arith.constant 0 : index
    %get3A_290 = vector.load %arg18[%get3A_288, %get3A_289] : memref<1x256xf32, #tpu.memory_space<vmem>>, vector<1x256xf32>
    %get3A_291 = arith.constant 0 : index
    %get3A_292 = arith.constant 0 : index
    %get3A_293 = vector.load %arg19[%get3A_291, %get3A_292] : memref<1x256xf32, #tpu.memory_space<vmem>>, vector<1x256xf32>
    %reduce_sum3A_294 = arith.constant dense<0.000000e+00> : vector<4096xf32>
    %reduce_sum3A_295 = vector.multi_reduction <add>, %max3A_287, %reduce_sum3A_294 [1] : vector<4096x256xf32> to vector<4096xf32>
    %broadcast_in_dim3A_296 = vector.shape_cast %reduce_sum3A_295 : vector<4096xf32> to vector<4096x1xf32>
    %div3A_297 = arith.constant 2.560000e+02 : f32
    %div3A_298 = vector.broadcast %div3A_297 : f32 to vector<4096x1xf32>
    %div3A_299 = arith.divf %broadcast_in_dim3A_296, %div3A_298 : vector<4096x1xf32>
    %sub3A_300 = vector.broadcast %div3A_299 : vector<4096x1xf32> to vector<4096x256xf32>
    %sub3A_301 = arith.subf %max3A_287, %sub3A_300 : vector<4096x256xf32>
    %mul3A_302 = arith.mulf %sub3A_301, %sub3A_301 : vector<4096x256xf32>
    %reduce_sum3A_303 = arith.constant dense<0.000000e+00> : vector<4096xf32>
    %reduce_sum3A_304 = vector.multi_reduction <add>, %mul3A_302, %reduce_sum3A_303 [1] : vector<4096x256xf32> to vector<4096xf32>
    %broadcast_in_dim3A_305 = vector.shape_cast %reduce_sum3A_304 : vector<4096xf32> to vector<4096x1xf32>
    %div3A_306 = arith.constant 2.560000e+02 : f32
    %div3A_307 = vector.broadcast %div3A_306 : f32 to vector<4096x1xf32>
    %div3A_308 = arith.divf %broadcast_in_dim3A_305, %div3A_307 : vector<4096x1xf32>
    %add3A_309 = arith.constant 9.99999974E-6 : f32
    %add3A_310 = vector.broadcast %add3A_309 : f32 to vector<4096x1xf32>
    %add3A_311 = arith.addf %div3A_308, %add3A_310 : vector<4096x1xf32>
    %rsqrt3A_312 = math.rsqrt %add3A_311 : vector<4096x1xf32>
    %mul3A_313 = vector.broadcast %rsqrt3A_312 : vector<4096x1xf32> to vector<4096x256xf32>
    %mul3A_314 = arith.mulf %sub3A_301, %mul3A_313 : vector<4096x256xf32>
    %mul3A_315 = vector.broadcast %get3A_290 : vector<1x256xf32> to vector<4096x256xf32>
    %mul3A_316 = arith.mulf %mul3A_314, %mul3A_315 : vector<4096x256xf32>
    %add3A_317 = vector.broadcast %get3A_293 : vector<1x256xf32> to vector<4096x256xf32>
    %add3A_318 = arith.addf %mul3A_316, %add3A_317 : vector<4096x256xf32>
    %get3A_319 = arith.constant 0 : index
    %get3A_320 = arith.constant 0 : index
    %get3A_321 = vector.load %arg20[%get3A_319, %get3A_320] : memref<256x1xf32, #tpu.memory_space<vmem>>, vector<256x1xf32>
    %dot_general3A_322 = arith.constant dense<0.000000e+00> : vector<4096x1xf32>
    %dot_general3A_323 = tpu.matmul %add3A_318, %get3A_321, %dot_general3A_322 {dimension_numbers = #tpu.dot_dimension_numbers<[1], [0], [0], [1], [0, 0, 1, 1], [], []>, transpose_lhs_hint = false} : vector<4096x256xf32>, vector<256x1xf32>, vector<4096x1xf32> -> vector<4096x1xf32>
    %get3A_324 = arith.constant 0 : index
    %get3A_325 = arith.constant 0 : index
    %get3A_326 = vector.load %arg21[%get3A_324, %get3A_325] : memref<1x1xf32, #tpu.memory_space<vmem>>, vector<1x1xf32>
    %add3A_327 = vector.broadcast %get3A_326 : vector<1x1xf32> to vector<4096x1xf32>
    %add3A_328 = arith.addf %dot_general3A_323, %add3A_327 : vector<4096x1xf32>
    %sub3A_329 = arith.constant 1.000000e+00 : f32
    %sub3A_330 = vector.broadcast %sub3A_329 : f32 to vector<4096x1xf32>
    %sub3A_331 = arith.subf %sub3A_330, %get3A_4 : vector<4096x1xf32>
    %mul3A_332 = arith.mulf %add3A_328, %sub3A_331 : vector<4096x1xf32>
    %get3A_333 = arith.constant 0 : index
    %get3A_334 = arith.constant 0 : index
    %get3A_335 = vector.load %arg23[%get3A_333, %get3A_334] : memref<1x256xf32, #tpu.memory_space<vmem>>, vector<1x256xf32>
    %slice3A_336 = vector.extract_strided_slice %get3A_1 {offsets = [0, 0], sizes = [4095, 256], strides = [1, 1]} : vector<4096x256xf32> to vector<4095x256xf32>
    %concatenate3A_337 = tpu.concatenate %broadcast_in_dim3A_12, %slice3A_336 in 0 : vector<1x256xf32>, vector<4095x256xf32> -> vector<4096x256xf32>
    %slice3A_338 = vector.extract_strided_slice %get3A_1 {offsets = [1, 0], sizes = [4095, 256], strides = [1, 1]} : vector<4096x256xf32> to vector<4095x256xf32>
    %concatenate3A_339 = tpu.concatenate %slice3A_338, %broadcast_in_dim3A_12 in 0 : vector<4095x256xf32>, vector<1x256xf32> -> vector<4096x256xf32>
    %jit3A_340 = arith.constant 0.000000e+00 : f32
    %broadcast_in_dim3A_341 = vector.shape_cast %eq3A_8 : vector<4096x1xi1> to vector<4096x1xi1>
    %broadcast_in_dim3A_342 = vector.broadcast %broadcast_in_dim3A_341 : vector<4096x1xi1> to vector<4096x256xi1>
    %broadcast_in_dim3A_343 = vector.broadcast %jit3A_340 : f32 to vector<4096x256xf32>
    %select_n3A_344 = arith.select %broadcast_in_dim3A_342, %broadcast_in_dim3A_343, %concatenate3A_337 : vector<4096x256xi1>, vector<4096x256xf32>
    %jit3A_345 = arith.constant 0.000000e+00 : f32
    %broadcast_in_dim3A_346 = vector.shape_cast %eq3A_11 : vector<4096x1xi1> to vector<4096x1xi1>
    %broadcast_in_dim3A_347 = vector.broadcast %broadcast_in_dim3A_346 : vector<4096x1xi1> to vector<4096x256xi1>
    %broadcast_in_dim3A_348 = vector.broadcast %jit3A_345 : f32 to vector<4096x256xf32>
    %select_n3A_349 = arith.select %broadcast_in_dim3A_347, %broadcast_in_dim3A_348, %concatenate3A_339 : vector<4096x256xi1>, vector<4096x256xf32>
    %get3A_350 = arith.constant 0 : index
    %get3A_351 = arith.constant 0 : index
    %get3A_352 = arith.constant 0 : index
    %get3A_353 = vector.load %arg22[%get3A_350, %get3A_351, %get3A_352] : memref<3x256x256xf32, #tpu.memory_space<vmem>>, vector<1x256x256xf32>
    %get3A_354 = vector.shape_cast %get3A_353 : vector<1x256x256xf32> to vector<256x256xf32>
    %dot_general3A_355 = arith.constant dense<0.000000e+00> : vector<4096x256xf32>
    %dot_general3A_356 = tpu.matmul %select_n3A_344, %get3A_354, %dot_general3A_355 {dimension_numbers = #tpu.dot_dimension_numbers<[1], [0], [0], [1], [0, 0, 1, 1], [], []>, transpose_lhs_hint = false} : vector<4096x256xf32>, vector<256x256xf32>, vector<4096x256xf32> -> vector<4096x256xf32>
    %get3A_357 = arith.constant 1 : index
    %get3A_358 = arith.constant 0 : index
    %get3A_359 = arith.constant 0 : index
    %get3A_360 = vector.load %arg22[%get3A_357, %get3A_358, %get3A_359] : memref<3x256x256xf32, #tpu.memory_space<vmem>>, vector<1x256x256xf32>
    %get3A_361 = vector.shape_cast %get3A_360 : vector<1x256x256xf32> to vector<256x256xf32>
    %dot_general3A_362 = arith.constant dense<0.000000e+00> : vector<4096x256xf32>
    %dot_general3A_363 = tpu.matmul %get3A_1, %get3A_361, %dot_general3A_362 {dimension_numbers = #tpu.dot_dimension_numbers<[1], [0], [0], [1], [0, 0, 1, 1], [], []>, transpose_lhs_hint = false} : vector<4096x256xf32>, vector<256x256xf32>, vector<4096x256xf32> -> vector<4096x256xf32>
    %add3A_364 = arith.addf %dot_general3A_356, %dot_general3A_363 : vector<4096x256xf32>
    %get3A_365 = arith.constant 2 : index
    %get3A_366 = arith.constant 0 : index
    %get3A_367 = arith.constant 0 : index
    %get3A_368 = vector.load %arg22[%get3A_365, %get3A_366, %get3A_367] : memref<3x256x256xf32, #tpu.memory_space<vmem>>, vector<1x256x256xf32>
    %get3A_369 = vector.shape_cast %get3A_368 : vector<1x256x256xf32> to vector<256x256xf32>
    %dot_general3A_370 = arith.constant dense<0.000000e+00> : vector<4096x256xf32>
    %dot_general3A_371 = tpu.matmul %select_n3A_349, %get3A_369, %dot_general3A_370 {dimension_numbers = #tpu.dot_dimension_numbers<[1], [0], [0], [1], [0, 0, 1, 1], [], []>, transpose_lhs_hint = false} : vector<4096x256xf32>, vector<256x256xf32>, vector<4096x256xf32> -> vector<4096x256xf32>
    %add3A_372 = arith.addf %add3A_364, %dot_general3A_371 : vector<4096x256xf32>
    %add3A_373 = vector.broadcast %get3A_335 : vector<1x256xf32> to vector<4096x256xf32>
    %add3A_374 = arith.addf %add3A_372, %add3A_373 : vector<4096x256xf32>
    %max3A_375 = arith.constant 0.000000e+00 : f32
    %max3A_376 = vector.broadcast %max3A_375 : f32 to vector<4096x256xf32>
    %max3A_377 = arith.maximumf %add3A_374, %max3A_376 : vector<4096x256xf32>
    %get3A_378 = arith.constant 0 : index
    %get3A_379 = arith.constant 0 : index
    %get3A_380 = vector.load %arg24[%get3A_378, %get3A_379] : memref<1x256xf32, #tpu.memory_space<vmem>>, vector<1x256xf32>
    %get3A_381 = arith.constant 0 : index
    %get3A_382 = arith.constant 0 : index
    %get3A_383 = vector.load %arg25[%get3A_381, %get3A_382] : memref<1x256xf32, #tpu.memory_space<vmem>>, vector<1x256xf32>
    %reduce_sum3A_384 = arith.constant dense<0.000000e+00> : vector<4096xf32>
    %reduce_sum3A_385 = vector.multi_reduction <add>, %max3A_377, %reduce_sum3A_384 [1] : vector<4096x256xf32> to vector<4096xf32>
    %broadcast_in_dim3A_386 = vector.shape_cast %reduce_sum3A_385 : vector<4096xf32> to vector<4096x1xf32>
    %div3A_387 = arith.constant 2.560000e+02 : f32
    %div3A_388 = vector.broadcast %div3A_387 : f32 to vector<4096x1xf32>
    %div3A_389 = arith.divf %broadcast_in_dim3A_386, %div3A_388 : vector<4096x1xf32>
    %sub3A_390 = vector.broadcast %div3A_389 : vector<4096x1xf32> to vector<4096x256xf32>
    %sub3A_391 = arith.subf %max3A_377, %sub3A_390 : vector<4096x256xf32>
    %mul3A_392 = arith.mulf %sub3A_391, %sub3A_391 : vector<4096x256xf32>
    %reduce_sum3A_393 = arith.constant dense<0.000000e+00> : vector<4096xf32>
    %reduce_sum3A_394 = vector.multi_reduction <add>, %mul3A_392, %reduce_sum3A_393 [1] : vector<4096x256xf32> to vector<4096xf32>
    %broadcast_in_dim3A_395 = vector.shape_cast %reduce_sum3A_394 : vector<4096xf32> to vector<4096x1xf32>
    %div3A_396 = arith.constant 2.560000e+02 : f32
    %div3A_397 = vector.broadcast %div3A_396 : f32 to vector<4096x1xf32>
    %div3A_398 = arith.divf %broadcast_in_dim3A_395, %div3A_397 : vector<4096x1xf32>
    %add3A_399 = arith.constant 9.99999974E-6 : f32
    %add3A_400 = vector.broadcast %add3A_399 : f32 to vector<4096x1xf32>
    %add3A_401 = arith.addf %div3A_398, %add3A_400 : vector<4096x1xf32>
    %rsqrt3A_402 = math.rsqrt %add3A_401 : vector<4096x1xf32>
    %mul3A_403 = vector.broadcast %rsqrt3A_402 : vector<4096x1xf32> to vector<4096x256xf32>
    %mul3A_404 = arith.mulf %sub3A_391, %mul3A_403 : vector<4096x256xf32>
    %mul3A_405 = vector.broadcast %get3A_380 : vector<1x256xf32> to vector<4096x256xf32>
    %mul3A_406 = arith.mulf %mul3A_404, %mul3A_405 : vector<4096x256xf32>
    %add3A_407 = vector.broadcast %get3A_383 : vector<1x256xf32> to vector<4096x256xf32>
    %add3A_408 = arith.addf %mul3A_406, %add3A_407 : vector<4096x256xf32>
    %get3A_409 = arith.constant 0 : index
    %get3A_410 = arith.constant 0 : index
    %get3A_411 = vector.load %arg27[%get3A_409, %get3A_410] : memref<1x256xf32, #tpu.memory_space<vmem>>, vector<1x256xf32>
    %slice3A_412 = vector.extract_strided_slice %add3A_408 {offsets = [0, 0], sizes = [4095, 256], strides = [1, 1]} : vector<4096x256xf32> to vector<4095x256xf32>
    %concatenate3A_413 = tpu.concatenate %broadcast_in_dim3A_12, %slice3A_412 in 0 : vector<1x256xf32>, vector<4095x256xf32> -> vector<4096x256xf32>
    %slice3A_414 = vector.extract_strided_slice %add3A_408 {offsets = [1, 0], sizes = [4095, 256], strides = [1, 1]} : vector<4096x256xf32> to vector<4095x256xf32>
    %concatenate3A_415 = tpu.concatenate %slice3A_414, %broadcast_in_dim3A_12 in 0 : vector<4095x256xf32>, vector<1x256xf32> -> vector<4096x256xf32>
    %jit3A_416 = arith.constant 0.000000e+00 : f32
    %broadcast_in_dim3A_417 = vector.shape_cast %eq3A_8 : vector<4096x1xi1> to vector<4096x1xi1>
    %broadcast_in_dim3A_418 = vector.broadcast %broadcast_in_dim3A_417 : vector<4096x1xi1> to vector<4096x256xi1>
    %broadcast_in_dim3A_419 = vector.broadcast %jit3A_416 : f32 to vector<4096x256xf32>
    %select_n3A_420 = arith.select %broadcast_in_dim3A_418, %broadcast_in_dim3A_419, %concatenate3A_413 : vector<4096x256xi1>, vector<4096x256xf32>
    %jit3A_421 = arith.constant 0.000000e+00 : f32
    %broadcast_in_dim3A_422 = vector.shape_cast %eq3A_11 : vector<4096x1xi1> to vector<4096x1xi1>
    %broadcast_in_dim3A_423 = vector.broadcast %broadcast_in_dim3A_422 : vector<4096x1xi1> to vector<4096x256xi1>
    %broadcast_in_dim3A_424 = vector.broadcast %jit3A_421 : f32 to vector<4096x256xf32>
    %select_n3A_425 = arith.select %broadcast_in_dim3A_423, %broadcast_in_dim3A_424, %concatenate3A_415 : vector<4096x256xi1>, vector<4096x256xf32>
    %get3A_426 = arith.constant 0 : index
    %get3A_427 = arith.constant 0 : index
    %get3A_428 = arith.constant 0 : index
    %get3A_429 = vector.load %arg26[%get3A_426, %get3A_427, %get3A_428] : memref<3x256x256xf32, #tpu.memory_space<vmem>>, vector<1x256x256xf32>
    %get3A_430 = vector.shape_cast %get3A_429 : vector<1x256x256xf32> to vector<256x256xf32>
    %dot_general3A_431 = arith.constant dense<0.000000e+00> : vector<4096x256xf32>
    %dot_general3A_432 = tpu.matmul %select_n3A_420, %get3A_430, %dot_general3A_431 {dimension_numbers = #tpu.dot_dimension_numbers<[1], [0], [0], [1], [0, 0, 1, 1], [], []>, transpose_lhs_hint = false} : vector<4096x256xf32>, vector<256x256xf32>, vector<4096x256xf32> -> vector<4096x256xf32>
    %get3A_433 = arith.constant 1 : index
    %get3A_434 = arith.constant 0 : index
    %get3A_435 = arith.constant 0 : index
    %get3A_436 = vector.load %arg26[%get3A_433, %get3A_434, %get3A_435] : memref<3x256x256xf32, #tpu.memory_space<vmem>>, vector<1x256x256xf32>
    %get3A_437 = vector.shape_cast %get3A_436 : vector<1x256x256xf32> to vector<256x256xf32>
    %dot_general3A_438 = arith.constant dense<0.000000e+00> : vector<4096x256xf32>
    %dot_general3A_439 = tpu.matmul %add3A_408, %get3A_437, %dot_general3A_438 {dimension_numbers = #tpu.dot_dimension_numbers<[1], [0], [0], [1], [0, 0, 1, 1], [], []>, transpose_lhs_hint = false} : vector<4096x256xf32>, vector<256x256xf32>, vector<4096x256xf32> -> vector<4096x256xf32>
    %add3A_440 = arith.addf %dot_general3A_432, %dot_general3A_439 : vector<4096x256xf32>
    %get3A_441 = arith.constant 2 : index
    %get3A_442 = arith.constant 0 : index
    %get3A_443 = arith.constant 0 : index
    %get3A_444 = vector.load %arg26[%get3A_441, %get3A_442, %get3A_443] : memref<3x256x256xf32, #tpu.memory_space<vmem>>, vector<1x256x256xf32>
    %get3A_445 = vector.shape_cast %get3A_444 : vector<1x256x256xf32> to vector<256x256xf32>
    %dot_general3A_446 = arith.constant dense<0.000000e+00> : vector<4096x256xf32>
    %dot_general3A_447 = tpu.matmul %select_n3A_425, %get3A_445, %dot_general3A_446 {dimension_numbers = #tpu.dot_dimension_numbers<[1], [0], [0], [1], [0, 0, 1, 1], [], []>, transpose_lhs_hint = false} : vector<4096x256xf32>, vector<256x256xf32>, vector<4096x256xf32> -> vector<4096x256xf32>
    %add3A_448 = arith.addf %add3A_440, %dot_general3A_447 : vector<4096x256xf32>
    %add3A_449 = vector.broadcast %get3A_411 : vector<1x256xf32> to vector<4096x256xf32>
    %add3A_450 = arith.addf %add3A_448, %add3A_449 : vector<4096x256xf32>
    %max3A_451 = arith.constant 0.000000e+00 : f32
    %max3A_452 = vector.broadcast %max3A_451 : f32 to vector<4096x256xf32>
    %max3A_453 = arith.maximumf %add3A_450, %max3A_452 : vector<4096x256xf32>
    %get3A_454 = arith.constant 0 : index
    %get3A_455 = arith.constant 0 : index
    %get3A_456 = vector.load %arg28[%get3A_454, %get3A_455] : memref<1x256xf32, #tpu.memory_space<vmem>>, vector<1x256xf32>
    %get3A_457 = arith.constant 0 : index
    %get3A_458 = arith.constant 0 : index
    %get3A_459 = vector.load %arg29[%get3A_457, %get3A_458] : memref<1x256xf32, #tpu.memory_space<vmem>>, vector<1x256xf32>
    %reduce_sum3A_460 = arith.constant dense<0.000000e+00> : vector<4096xf32>
    %reduce_sum3A_461 = vector.multi_reduction <add>, %max3A_453, %reduce_sum3A_460 [1] : vector<4096x256xf32> to vector<4096xf32>
    %broadcast_in_dim3A_462 = vector.shape_cast %reduce_sum3A_461 : vector<4096xf32> to vector<4096x1xf32>
    %div3A_463 = arith.constant 2.560000e+02 : f32
    %div3A_464 = vector.broadcast %div3A_463 : f32 to vector<4096x1xf32>
    %div3A_465 = arith.divf %broadcast_in_dim3A_462, %div3A_464 : vector<4096x1xf32>
    %sub3A_466 = vector.broadcast %div3A_465 : vector<4096x1xf32> to vector<4096x256xf32>
    %sub3A_467 = arith.subf %max3A_453, %sub3A_466 : vector<4096x256xf32>
    %mul3A_468 = arith.mulf %sub3A_467, %sub3A_467 : vector<4096x256xf32>
    %reduce_sum3A_469 = arith.constant dense<0.000000e+00> : vector<4096xf32>
    %reduce_sum3A_470 = vector.multi_reduction <add>, %mul3A_468, %reduce_sum3A_469 [1] : vector<4096x256xf32> to vector<4096xf32>
    %broadcast_in_dim3A_471 = vector.shape_cast %reduce_sum3A_470 : vector<4096xf32> to vector<4096x1xf32>
    %div3A_472 = arith.constant 2.560000e+02 : f32
    %div3A_473 = vector.broadcast %div3A_472 : f32 to vector<4096x1xf32>
    %div3A_474 = arith.divf %broadcast_in_dim3A_471, %div3A_473 : vector<4096x1xf32>
    %add3A_475 = arith.constant 9.99999974E-6 : f32
    %add3A_476 = vector.broadcast %add3A_475 : f32 to vector<4096x1xf32>
    %add3A_477 = arith.addf %div3A_474, %add3A_476 : vector<4096x1xf32>
    %rsqrt3A_478 = math.rsqrt %add3A_477 : vector<4096x1xf32>
    %mul3A_479 = vector.broadcast %rsqrt3A_478 : vector<4096x1xf32> to vector<4096x256xf32>
    %mul3A_480 = arith.mulf %sub3A_467, %mul3A_479 : vector<4096x256xf32>
    %mul3A_481 = vector.broadcast %get3A_456 : vector<1x256xf32> to vector<4096x256xf32>
    %mul3A_482 = arith.mulf %mul3A_480, %mul3A_481 : vector<4096x256xf32>
    %add3A_483 = vector.broadcast %get3A_459 : vector<1x256xf32> to vector<4096x256xf32>
    %add3A_484 = arith.addf %mul3A_482, %add3A_483 : vector<4096x256xf32>
    %get3A_485 = arith.constant 0 : index
    %get3A_486 = arith.constant 0 : index
    %get3A_487 = vector.load %arg30[%get3A_485, %get3A_486] : memref<256x1xf32, #tpu.memory_space<vmem>>, vector<256x1xf32>
    %dot_general3A_488 = arith.constant dense<0.000000e+00> : vector<4096x1xf32>
    %dot_general3A_489 = tpu.matmul %add3A_484, %get3A_487, %dot_general3A_488 {dimension_numbers = #tpu.dot_dimension_numbers<[1], [0], [0], [1], [0, 0, 1, 1], [], []>, transpose_lhs_hint = false} : vector<4096x256xf32>, vector<256x1xf32>, vector<4096x1xf32> -> vector<4096x1xf32>
    %get3A_490 = arith.constant 0 : index
    %get3A_491 = arith.constant 0 : index
    %get3A_492 = vector.load %arg31[%get3A_490, %get3A_491] : memref<1x1xf32, #tpu.memory_space<vmem>>, vector<1x1xf32>
    %add3A_493 = vector.broadcast %get3A_492 : vector<1x1xf32> to vector<4096x1xf32>
    %add3A_494 = arith.addf %dot_general3A_489, %add3A_493 : vector<4096x1xf32>
    %sub3A_495 = arith.constant 1.000000e+00 : f32
    %sub3A_496 = vector.broadcast %sub3A_495 : f32 to vector<4096x1xf32>
    %sub3A_497 = arith.subf %sub3A_496, %get3A_4 : vector<4096x1xf32>
    %mul3A_498 = arith.mulf %add3A_494, %sub3A_497 : vector<4096x1xf32>
    %swap3A = arith.constant 0 : index
    %swap3A_499 = arith.constant 0 : index
    %swap3A_500 = vector.load %arg35[%swap3A, %swap3A_499] : memref<4096x1xf32, #tpu.memory_space<vmem>>, vector<4096x1xf32>
    tpu.vector_store %arg35[%swap3A, %swap3A_499], %mul3A_166 {strides = array<i32>} : memref<4096x1xf32, #tpu.memory_space<vmem>>, vector<4096x1xf32>,
    %swap3A_501 = arith.constant 0 : index
    %swap3A_502 = arith.constant 0 : index
    %swap3A_503 = vector.load %arg36[%swap3A_501, %swap3A_502] : memref<4096x1xf32, #tpu.memory_space<vmem>>, vector<4096x1xf32>
    tpu.vector_store %arg36[%swap3A_501, %swap3A_502], %mul3A_332 {strides = array<i32>} : memref<4096x1xf32, #tpu.memory_space<vmem>>, vector<4096x1xf32>,
    %swap3A_504 = arith.constant 0 : index
    %swap3A_505 = arith.constant 0 : index
    %swap3A_506 = vector.load %arg37[%swap3A_504, %swap3A_505] : memref<4096x1xf32, #tpu.memory_space<vmem>>, vector<4096x1xf32>
    tpu.vector_store %arg37[%swap3A_504, %swap3A_505], %mul3A_498 {strides = array<i32>} : memref<4096x1xf32, #tpu.memory_space<vmem>>, vector<4096x1xf32>,
    %exp3A = math.exp %mul3A_166 : vector<4096x1xf32>
    %sub3A_507 = arith.constant 1.000000e+00 : f32
    %sub3A_508 = vector.broadcast %sub3A_507 : f32 to vector<4096x1xf32>
    %sub3A_509 = arith.subf %exp3A, %sub3A_508 : vector<4096x1xf32>
    %round3A = math.roundeven %sub3A_509 : vector<4096x1xf32>
    %max3A_510 = arith.constant 0.000000e+00 : f32
    %max3A_511 = vector.broadcast %max3A_510 : f32 to vector<4096x1xf32>
    %max3A_512 = arith.maximumf %round3A, %max3A_511 : vector<4096x1xf32>
    %convert_element_type3A = arith.fptosi %max3A_512 : vector<4096x1xf32> to vector<4096x1xi32>
    %swap3A_513 = arith.constant 0 : index
    %swap3A_514 = arith.constant 0 : index
    %swap3A_515 = vector.load %arg38[%swap3A_513, %swap3A_514] : memref<4096x1xi32, #tpu.memory_space<vmem>>, vector<4096x1xi32>
    tpu.vector_store %arg38[%swap3A_513, %swap3A_514], %convert_element_type3A {strides = array<i32>} : memref<4096x1xi32, #tpu.memory_space<vmem>>, vector<4096x1xi32>,
    %iota3A_516 = tpu.iota {dimensions = array<i32: 0>} : vector<512x512xi32>
    %iota3A_517 = tpu.iota {dimensions = array<i32: 1>} : vector<512x512xi32>
    %le3A = arith.cmpi sle, %iota3A_517, %iota3A_516 : vector<512x512xi32>
    %convert_element_type3A_518 = arith.extui %le3A : vector<512x512xi1> to vector<512x512xi32>
    %convert_element_type3A_519 = arith.sitofp %convert_element_type3A_518 : vector<512x512xi32> to vector<512x512xf32>
    %iota3A_520 = tpu.iota {dimensions = array<i32: 1>} : vector<1x2048xi32>
    %convert_element_type3A_521 = arith.sitofp %iota3A_520 : vector<1x2048xi32> to vector<1x2048xf32>
    %iota3A_522 = tpu.iota {dimensions = array<i32: 1>} : vector<1x2048xi32>
    %and3A_523 = arith.constant 63 : i32
    %and3A_524 = vector.broadcast %and3A_523 : i32 to vector<1x2048xi32>
    %and3A_525 = arith.andi %iota3A_522, %and3A_524 : vector<1x2048xi32>
    %iota3A_526 = tpu.iota {dimensions = array<i32: 1>} : vector<1x256xi32>
    %broadcast_in_dim3A_527 = arith.constant 1.000000e+00 : f32
    %broadcast_in_dim3A_528 = vector.broadcast %broadcast_in_dim3A_527 : f32 to vector<1x512xf32>
    %get3A_529 = arith.constant 0 : index
    %get3A_530 = arith.constant 0 : index
    %get3A_531 = vector.load %arg32[%get3A_529, %get3A_530] : memref<256x256xf32, #tpu.memory_space<vmem>>, vector<256x256xf32>
    %get3A_532 = arith.constant 0 : index
    %get3A_533 = arith.constant 0 : index
    %get3A_534 = vector.load %arg33[%get3A_532, %get3A_533] : memref<256x256xf32, #tpu.memory_space<vmem>>, vector<256x256xf32>
    %slice3A_535 = vector.extract_strided_slice %max3A_512 {offsets = [0, 0], sizes = [512, 1], strides = [1, 1]} : vector<4096x1xf32> to vector<512x1xf32>
    %dot_general3A_536 = arith.constant dense<0.000000e+00> : vector<512x1xf32>
    %dot_general3A_537 = tpu.matmul %convert_element_type3A_519, %slice3A_535, %dot_general3A_536 {dimension_numbers = #tpu.dot_dimension_numbers<[1], [0], [0], [1], [0, 0, 1, 1], [], []>, transpose_lhs_hint = false} : vector<512x512xf32>, vector<512x1xf32>, vector<512x1xf32> -> vector<512x1xf32>
    %slice3A_538 = vector.extract_strided_slice %dot_general3A_537 {offsets = [511, 0], sizes = [1, 1], strides = [1, 1]} : vector<512x1xf32> to vector<1x1xf32>
    %min3A = arith.constant 2.000000e+03 : f32
    %min3A_539 = vector.broadcast %min3A : f32 to vector<1x1xf32>
    %min3A_540 = arith.minimumf %slice3A_538, %min3A_539 : vector<1x1xf32>
    %convert_element_type3A_541 = arith.fptosi %min3A_540 : vector<1x1xf32> to vector<1x1xi32>
    %swap3A_542 = arith.constant 0 : index
    %swap3A_543 = arith.constant 0 : index
    %swap3A_544 = vector.load %arg41[%swap3A_542, %swap3A_543] : memref<8x1xi32, #tpu.memory_space<vmem>>, vector<1x1xi32>
    tpu.vector_store %arg41[%swap3A_542, %swap3A_543], %convert_element_type3A_541 {strides = array<i32>} : memref<8x1xi32, #tpu.memory_space<vmem>>, vector<1x1xi32>,
    %le3A_545 = vector.broadcast %dot_general3A_537 : vector<512x1xf32> to vector<512x2048xf32>
    %le3A_546 = vector.broadcast %convert_element_type3A_521 : vector<1x2048xf32> to vector<512x2048xf32>
    %le3A_547 = arith.cmpf ole, %le3A_545, %le3A_546 : vector<512x2048xf32>
    %convert_element_type3A_548 = arith.extui %le3A_547 : vector<512x2048xi1> to vector<512x2048xi32>
    %convert_element_type3A_549 = arith.sitofp %convert_element_type3A_548 : vector<512x2048xi32> to vector<512x2048xf32>
    %dot_general3A_550 = arith.constant dense<0.000000e+00> : vector<1x2048xf32>
    %dot_general3A_551 = tpu.matmul %broadcast_in_dim3A_528, %convert_element_type3A_549, %dot_general3A_550 {dimension_numbers = #tpu.dot_dimension_numbers<[1], [0], [0], [1], [0, 0, 1, 1], [], []>, transpose_lhs_hint = false} : vector<1x512xf32>, vector<512x2048xf32>, vector<1x2048xf32> -> vector<1x2048xf32>
    %lt3A = vector.broadcast %min3A_540 : vector<1x1xf32> to vector<1x2048xf32>
    %lt3A_552 = arith.cmpf olt, %convert_element_type3A_521, %lt3A : vector<1x2048xf32>
    %add3A_553 = arith.constant 0.000000e+00 : f32
    %add3A_554 = vector.broadcast %add3A_553 : f32 to vector<1x2048xf32>
    %add3A_555 = arith.addf %dot_general3A_551, %add3A_554 : vector<1x2048xf32>
    %convert_element_type3A_556 = arith.sitofp %and3A_525 : vector<1x2048xi32> to vector<1x2048xf32>
    %add3A_557 = arith.constant 4.096000e+03 : f32
    %add3A_558 = vector.broadcast %add3A_557 : f32 to vector<1x2048xf32>
    %add3A_559 = arith.addf %add3A_558, %convert_element_type3A_556 : vector<1x2048xf32>
    %select_n3A_560 = arith.select %lt3A_552, %add3A_555, %add3A_559 : vector<1x2048xi1>, vector<1x2048xf32>
    %convert_element_type3A_561 = arith.fptosi %select_n3A_560 : vector<1x2048xf32> to vector<1x2048xi32>
    %slice3A_562 = vector.extract_strided_slice %convert_element_type3A_561 {offsets = [0, 0], sizes = [1, 512], strides = [1, 1]} : vector<1x2048xi32> to vector<1x512xi32>
    %swap3A_563 = arith.constant 0 : index
    %swap3A_564 = arith.constant 0 : index
    %swap3A_565 = vector.load %arg39[%swap3A_563, %swap3A_564] : memref<32x512xi32, #tpu.memory_space<vmem>>, vector<1x512xi32>
    tpu.vector_store %arg39[%swap3A_563, %swap3A_564], %slice3A_562 {strides = array<i32>} : memref<32x512xi32, #tpu.memory_space<vmem>>, vector<1x512xi32>,
    %slice3A_566 = vector.extract_strided_slice %convert_element_type3A_561 {offsets = [0, 496], sizes = [1, 512], strides = [1, 1]} : vector<1x2048xi32> to vector<1x512xi32>
    %swap3A_567 = arith.constant 1 : index
    %swap3A_568 = arith.constant 0 : index
    %swap3A_569 = vector.load %arg39[%swap3A_567, %swap3A_568] : memref<32x512xi32, #tpu.memory_space<vmem>>, vector<1x512xi32>
    tpu.vector_store %arg39[%swap3A_567, %swap3A_568], %slice3A_566 {strides = array<i32>} : memref<32x512xi32, #tpu.memory_space<vmem>>, vector<1x512xi32>,
    %slice3A_570 = vector.extract_strided_slice %convert_element_type3A_561 {offsets = [0, 992], sizes = [1, 512], strides = [1, 1]} : vector<1x2048xi32> to vector<1x512xi32>
    %swap3A_571 = arith.constant 2 : index
    %swap3A_572 = arith.constant 0 : index
    %swap3A_573 = vector.load %arg39[%swap3A_571, %swap3A_572] : memref<32x512xi32, #tpu.memory_space<vmem>>, vector<1x512xi32>
    tpu.vector_store %arg39[%swap3A_571, %swap3A_572], %slice3A_570 {strides = array<i32>} : memref<32x512xi32, #tpu.memory_space<vmem>>, vector<1x512xi32>,
    %slice3A_574 = vector.extract_strided_slice %convert_element_type3A_561 {offsets = [0, 1488], sizes = [1, 512], strides = [1, 1]} : vector<1x2048xi32> to vector<1x512xi32>
    %swap3A_575 = arith.constant 3 : index
    %swap3A_576 = arith.constant 0 : index
    %swap3A_577 = vector.load %arg39[%swap3A_575, %swap3A_576] : memref<32x512xi32, #tpu.memory_space<vmem>>, vector<1x512xi32>
    tpu.vector_store %arg39[%swap3A_575, %swap3A_576], %slice3A_574 {strides = array<i32>} : memref<32x512xi32, #tpu.memory_space<vmem>>, vector<1x512xi32>,
    %ge3A = vector.broadcast %min3A_540 : vector<1x1xf32> to vector<1x2048xf32>
    %ge3A_578 = arith.cmpf oge, %convert_element_type3A_521, %ge3A : vector<1x2048xf32>
    %convert_element_type3A_579 = arith.extui %ge3A_578 : vector<1x2048xi1> to vector<1x2048xi32>
    %slice3A_580 = vector.extract_strided_slice %convert_element_type3A_579 {offsets = [0, 0], sizes = [1, 2000], strides = [1, 1]} : vector<1x2048xi32> to vector<1x2000xi32>
    %swap3A_581 = arith.constant 0 : index
    %swap3A_582 = arith.constant 0 : index
    %swap3A_583 = vector.load %arg40[%swap3A_581, %swap3A_582] : memref<8x2000xi32, #tpu.memory_space<vmem>>, vector<1x2000xi32>
    tpu.vector_store %arg40[%swap3A_581, %swap3A_582], %slice3A_580 {strides = array<i32>} : memref<8x2000xi32, #tpu.memory_space<vmem>>, vector<1x2000xi32>,
    %slice3A_584 = vector.extract_strided_slice %mul3A_332 {offsets = [0, 0], sizes = [512, 1], strides = [1, 1]} : vector<4096x1xf32> to vector<512x1xf32>
    %reduce_sum3A_585 = vector.shape_cast %slice3A_584 : vector<512x1xf32> to vector<1x512x1xf32>
    %reduce_sum3A_586 = arith.constant dense<0.000000e+00> : vector<1xf32>
    %reduce_sum3A_587 = vector.multi_reduction <add>, %reduce_sum3A_585, %reduce_sum3A_586 [1, 2] : vector<1x512x1xf32> to vector<1xf32>
    %reduce_sum3A_588 = vector.shape_cast %reduce_sum3A_587 : vector<1xf32> to vector<1x1x1xf32>
    %reduce_sum3A_589 = vector.extract %reduce_sum3A_588[0, 0, 0] : f32 from vector<1x1x1xf32>
    %div3A_590 = arith.constant 5.120000e+02 : f32
    %div3A_591 = arith.divf %reduce_sum3A_589, %div3A_590 : f32
    %convert_element_type3A_592 = arith.fptosi %div3A_591 : f32 to i32
    %jit3A_593 = arith.constant 0 : i32
    %jit3A_594 = arith.constant 255 : i32
    %max3A_595 = arith.maxsi %jit3A_593, %convert_element_type3A_592 : i32
    %min3A_596 = arith.minsi %jit3A_594, %max3A_595 : i32
    %slice3A_597 = vector.extract_strided_slice %mul3A_498 {offsets = [0, 0], sizes = [512, 1], strides = [1, 1]} : vector<4096x1xf32> to vector<512x1xf32>
    %reduce_sum3A_598 = vector.shape_cast %slice3A_597 : vector<512x1xf32> to vector<1x512x1xf32>
    %reduce_sum3A_599 = arith.constant dense<0.000000e+00> : vector<1xf32>
    %reduce_sum3A_600 = vector.multi_reduction <add>, %reduce_sum3A_598, %reduce_sum3A_599 [1, 2] : vector<1x512x1xf32> to vector<1xf32>
    %reduce_sum3A_601 = vector.shape_cast %reduce_sum3A_600 : vector<1xf32> to vector<1x1x1xf32>
    %reduce_sum3A_602 = vector.extract %reduce_sum3A_601[0, 0, 0] : f32 from vector<1x1x1xf32>
    %div3A_603 = arith.constant 5.120000e+02 : f32
    %div3A_604 = arith.divf %reduce_sum3A_602, %div3A_603 : f32
    %convert_element_type3A_605 = arith.fptosi %div3A_604 : f32 to i32
    %jit3A_606 = arith.constant 0 : i32
    %jit3A_607 = arith.constant 255 : i32
    %max3A_608 = arith.maxsi %jit3A_606, %convert_element_type3A_605 : i32
    %min3A_609 = arith.minsi %jit3A_607, %max3A_608 : i32
    %eq3A_610 = vector.broadcast %min3A_596 : i32 to vector<1x256xi32>
    %eq3A_611 = arith.cmpi eq, %iota3A_526, %eq3A_610 : vector<1x256xi32>
    %convert_element_type3A_612 = arith.extui %eq3A_611 : vector<1x256xi1> to vector<1x256xi32>
    %convert_element_type3A_613 = arith.sitofp %convert_element_type3A_612 : vector<1x256xi32> to vector<1x256xf32>
    %eq3A_614 = vector.broadcast %min3A_609 : i32 to vector<1x256xi32>
    %eq3A_615 = arith.cmpi eq, %iota3A_526, %eq3A_614 : vector<1x256xi32>
    %convert_element_type3A_616 = arith.extui %eq3A_615 : vector<1x256xi1> to vector<1x256xi32>
    %convert_element_type3A_617 = arith.sitofp %convert_element_type3A_616 : vector<1x256xi32> to vector<1x256xf32>
    %dot_general3A_618 = arith.constant dense<0.000000e+00> : vector<1x256xf32>
    %dot_general3A_619 = tpu.matmul %convert_element_type3A_613, %get3A_531, %dot_general3A_618 {dimension_numbers = #tpu.dot_dimension_numbers<[1], [0], [0], [1], [0, 0, 1, 1], [], []>, transpose_lhs_hint = false} : vector<1x256xf32>, vector<256x256xf32>, vector<1x256xf32> -> vector<1x256xf32>
    %dot_general3A_620 = arith.constant dense<0.000000e+00> : vector<1x256xf32>
    %dot_general3A_621 = tpu.matmul %convert_element_type3A_617, %get3A_534, %dot_general3A_620 {dimension_numbers = #tpu.dot_dimension_numbers<[1], [0], [0], [1], [0, 0, 1, 1], [], []>, transpose_lhs_hint = false} : vector<1x256xf32>, vector<256x256xf32>, vector<1x256xf32> -> vector<1x256xf32>
    %add3A_622 = arith.addf %dot_general3A_619, %dot_general3A_621 : vector<1x256xf32>
    %slice3A_623 = vector.extract_strided_slice %get3A_1 {offsets = [0, 0], sizes = [512, 256], strides = [1, 1]} : vector<4096x256xf32> to vector<512x256xf32>
    %add3A_624 = vector.broadcast %add3A_622 : vector<1x256xf32> to vector<512x256xf32>
    %add3A_625 = arith.addf %slice3A_623, %add3A_624 : vector<512x256xf32>
    %swap3A_626 = arith.constant 0 : index
    %swap3A_627 = arith.constant 0 : index
    %swap3A_628 = vector.load %arg34[%swap3A_626, %swap3A_627] : memref<4608x256xf32, #tpu.memory_space<vmem>>, vector<512x256xf32>
    tpu.vector_store %arg34[%swap3A_626, %swap3A_627], %add3A_625 {strides = array<i32>} : memref<4608x256xf32, #tpu.memory_space<vmem>>, vector<512x256xf32>,
    %broadcast_in_dim3A_629 = vector.shape_cast %add3A_622 : vector<1x256xf32> to vector<1x256xf32>
    %broadcast_in_dim3A_630 = vector.broadcast %broadcast_in_dim3A_629 : vector<1x256xf32> to vector<64x256xf32>
    %swap3A_631 = arith.constant 4096 : index
    %swap3A_632 = arith.constant 0 : index
    %swap3A_633 = vector.load %arg34[%swap3A_631, %swap3A_632] : memref<4608x256xf32, #tpu.memory_space<vmem>>, vector<64x256xf32>
    tpu.vector_store %arg34[%swap3A_631, %swap3A_632], %broadcast_in_dim3A_630 {strides = array<i32>} : memref<4608x256xf32, #tpu.memory_space<vmem>>, vector<64x256xf32>,
    %slice3A_634 = vector.extract_strided_slice %max3A_512 {offsets = [512, 0], sizes = [512, 1], strides = [1, 1]} : vector<4096x1xf32> to vector<512x1xf32>
    %dot_general3A_635 = arith.constant dense<0.000000e+00> : vector<512x1xf32>
    %dot_general3A_636 = tpu.matmul %convert_element_type3A_519, %slice3A_634, %dot_general3A_635 {dimension_numbers = #tpu.dot_dimension_numbers<[1], [0], [0], [1], [0, 0, 1, 1], [], []>, transpose_lhs_hint = false} : vector<512x512xf32>, vector<512x1xf32>, vector<512x1xf32> -> vector<512x1xf32>
    %slice3A_637 = vector.extract_strided_slice %dot_general3A_636 {offsets = [511, 0], sizes = [1, 1], strides = [1, 1]} : vector<512x1xf32> to vector<1x1xf32>
    %min3A_638 = arith.constant 2.000000e+03 : f32
    %min3A_639 = vector.broadcast %min3A_638 : f32 to vector<1x1xf32>
    %min3A_640 = arith.minimumf %slice3A_637, %min3A_639 : vector<1x1xf32>
    %convert_element_type3A_641 = arith.fptosi %min3A_640 : vector<1x1xf32> to vector<1x1xi32>
    %swap3A_642 = arith.constant 1 : index
    %swap3A_643 = arith.constant 0 : index
    %swap3A_644 = vector.load %arg41[%swap3A_642, %swap3A_643] : memref<8x1xi32, #tpu.memory_space<vmem>>, vector<1x1xi32>
    tpu.vector_store %arg41[%swap3A_642, %swap3A_643], %convert_element_type3A_641 {strides = array<i32>} : memref<8x1xi32, #tpu.memory_space<vmem>>, vector<1x1xi32>,
    %le3A_645 = vector.broadcast %dot_general3A_636 : vector<512x1xf32> to vector<512x2048xf32>
    %le3A_646 = vector.broadcast %convert_element_type3A_521 : vector<1x2048xf32> to vector<512x2048xf32>
    %le3A_647 = arith.cmpf ole, %le3A_645, %le3A_646 : vector<512x2048xf32>
    %convert_element_type3A_648 = arith.extui %le3A_647 : vector<512x2048xi1> to vector<512x2048xi32>
    %convert_element_type3A_649 = arith.sitofp %convert_element_type3A_648 : vector<512x2048xi32> to vector<512x2048xf32>
    %dot_general3A_650 = arith.constant dense<0.000000e+00> : vector<1x2048xf32>
    %dot_general3A_651 = tpu.matmul %broadcast_in_dim3A_528, %convert_element_type3A_649, %dot_general3A_650 {dimension_numbers = #tpu.dot_dimension_numbers<[1], [0], [0], [1], [0, 0, 1, 1], [], []>, transpose_lhs_hint = false} : vector<1x512xf32>, vector<512x2048xf32>, vector<1x2048xf32> -> vector<1x2048xf32>
    %lt3A_652 = vector.broadcast %min3A_640 : vector<1x1xf32> to vector<1x2048xf32>
    %lt3A_653 = arith.cmpf olt, %convert_element_type3A_521, %lt3A_652 : vector<1x2048xf32>
    %add3A_654 = arith.constant 5.120000e+02 : f32
    %add3A_655 = vector.broadcast %add3A_654 : f32 to vector<1x2048xf32>
    %add3A_656 = arith.addf %dot_general3A_651, %add3A_655 : vector<1x2048xf32>
    %convert_element_type3A_657 = arith.sitofp %and3A_525 : vector<1x2048xi32> to vector<1x2048xf32>
    %add3A_658 = arith.constant 4.160000e+03 : f32
    %add3A_659 = vector.broadcast %add3A_658 : f32 to vector<1x2048xf32>
    %add3A_660 = arith.addf %add3A_659, %convert_element_type3A_657 : vector<1x2048xf32>
    %select_n3A_661 = arith.select %lt3A_653, %add3A_656, %add3A_660 : vector<1x2048xi1>, vector<1x2048xf32>
    %convert_element_type3A_662 = arith.fptosi %select_n3A_661 : vector<1x2048xf32> to vector<1x2048xi32>
    %slice3A_663 = vector.extract_strided_slice %convert_element_type3A_662 {offsets = [0, 0], sizes = [1, 512], strides = [1, 1]} : vector<1x2048xi32> to vector<1x512xi32>
    %swap3A_664 = arith.constant 4 : index
    %swap3A_665 = arith.constant 0 : index
    %swap3A_666 = vector.load %arg39[%swap3A_664, %swap3A_665] : memref<32x512xi32, #tpu.memory_space<vmem>>, vector<1x512xi32>
    tpu.vector_store %arg39[%swap3A_664, %swap3A_665], %slice3A_663 {strides = array<i32>} : memref<32x512xi32, #tpu.memory_space<vmem>>, vector<1x512xi32>,
    %slice3A_667 = vector.extract_strided_slice %convert_element_type3A_662 {offsets = [0, 496], sizes = [1, 512], strides = [1, 1]} : vector<1x2048xi32> to vector<1x512xi32>
    %swap3A_668 = arith.constant 5 : index
    %swap3A_669 = arith.constant 0 : index
    %swap3A_670 = vector.load %arg39[%swap3A_668, %swap3A_669] : memref<32x512xi32, #tpu.memory_space<vmem>>, vector<1x512xi32>
    tpu.vector_store %arg39[%swap3A_668, %swap3A_669], %slice3A_667 {strides = array<i32>} : memref<32x512xi32, #tpu.memory_space<vmem>>, vector<1x512xi32>,
    %slice3A_671 = vector.extract_strided_slice %convert_element_type3A_662 {offsets = [0, 992], sizes = [1, 512], strides = [1, 1]} : vector<1x2048xi32> to vector<1x512xi32>
    %swap3A_672 = arith.constant 6 : index
    %swap3A_673 = arith.constant 0 : index
    %swap3A_674 = vector.load %arg39[%swap3A_672, %swap3A_673] : memref<32x512xi32, #tpu.memory_space<vmem>>, vector<1x512xi32>
    tpu.vector_store %arg39[%swap3A_672, %swap3A_673], %slice3A_671 {strides = array<i32>} : memref<32x512xi32, #tpu.memory_space<vmem>>, vector<1x512xi32>,
    %slice3A_675 = vector.extract_strided_slice %convert_element_type3A_662 {offsets = [0, 1488], sizes = [1, 512], strides = [1, 1]} : vector<1x2048xi32> to vector<1x512xi32>
    %swap3A_676 = arith.constant 7 : index
    %swap3A_677 = arith.constant 0 : index
    %swap3A_678 = vector.load %arg39[%swap3A_676, %swap3A_677] : memref<32x512xi32, #tpu.memory_space<vmem>>, vector<1x512xi32>
    tpu.vector_store %arg39[%swap3A_676, %swap3A_677], %slice3A_675 {strides = array<i32>} : memref<32x512xi32, #tpu.memory_space<vmem>>, vector<1x512xi32>,
    %ge3A_679 = vector.broadcast %min3A_640 : vector<1x1xf32> to vector<1x2048xf32>
    %ge3A_680 = arith.cmpf oge, %convert_element_type3A_521, %ge3A_679 : vector<1x2048xf32>
    %convert_element_type3A_681 = arith.extui %ge3A_680 : vector<1x2048xi1> to vector<1x2048xi32>
    %slice3A_682 = vector.extract_strided_slice %convert_element_type3A_681 {offsets = [0, 0], sizes = [1, 2000], strides = [1, 1]} : vector<1x2048xi32> to vector<1x2000xi32>
    %swap3A_683 = arith.constant 1 : index
    %swap3A_684 = arith.constant 0 : index
    %swap3A_685 = vector.load %arg40[%swap3A_683, %swap3A_684] : memref<8x2000xi32, #tpu.memory_space<vmem>>, vector<1x2000xi32>
    tpu.vector_store %arg40[%swap3A_683, %swap3A_684], %slice3A_682 {strides = array<i32>} : memref<8x2000xi32, #tpu.memory_space<vmem>>, vector<1x2000xi32>,
    %slice3A_686 = vector.extract_strided_slice %mul3A_332 {offsets = [512, 0], sizes = [512, 1], strides = [1, 1]} : vector<4096x1xf32> to vector<512x1xf32>
    %reduce_sum3A_687 = vector.shape_cast %slice3A_686 : vector<512x1xf32> to vector<1x512x1xf32>
    %reduce_sum3A_688 = arith.constant dense<0.000000e+00> : vector<1xf32>
    %reduce_sum3A_689 = vector.multi_reduction <add>, %reduce_sum3A_687, %reduce_sum3A_688 [1, 2] : vector<1x512x1xf32> to vector<1xf32>
    %reduce_sum3A_690 = vector.shape_cast %reduce_sum3A_689 : vector<1xf32> to vector<1x1x1xf32>
    %reduce_sum3A_691 = vector.extract %reduce_sum3A_690[0, 0, 0] : f32 from vector<1x1x1xf32>
    %div3A_692 = arith.constant 5.120000e+02 : f32
    %div3A_693 = arith.divf %reduce_sum3A_691, %div3A_692 : f32
    %convert_element_type3A_694 = arith.fptosi %div3A_693 : f32 to i32
    %jit3A_695 = arith.constant 0 : i32
    %jit3A_696 = arith.constant 255 : i32
    %max3A_697 = arith.maxsi %jit3A_695, %convert_element_type3A_694 : i32
    %min3A_698 = arith.minsi %jit3A_696, %max3A_697 : i32
    %slice3A_699 = vector.extract_strided_slice %mul3A_498 {offsets = [512, 0], sizes = [512, 1], strides = [1, 1]} : vector<4096x1xf32> to vector<512x1xf32>
    %reduce_sum3A_700 = vector.shape_cast %slice3A_699 : vector<512x1xf32> to vector<1x512x1xf32>
    %reduce_sum3A_701 = arith.constant dense<0.000000e+00> : vector<1xf32>
    %reduce_sum3A_702 = vector.multi_reduction <add>, %reduce_sum3A_700, %reduce_sum3A_701 [1, 2] : vector<1x512x1xf32> to vector<1xf32>
    %reduce_sum3A_703 = vector.shape_cast %reduce_sum3A_702 : vector<1xf32> to vector<1x1x1xf32>
    %reduce_sum3A_704 = vector.extract %reduce_sum3A_703[0, 0, 0] : f32 from vector<1x1x1xf32>
    %div3A_705 = arith.constant 5.120000e+02 : f32
    %div3A_706 = arith.divf %reduce_sum3A_704, %div3A_705 : f32
    %convert_element_type3A_707 = arith.fptosi %div3A_706 : f32 to i32
    %jit3A_708 = arith.constant 0 : i32
    %jit3A_709 = arith.constant 255 : i32
    %max3A_710 = arith.maxsi %jit3A_708, %convert_element_type3A_707 : i32
    %min3A_711 = arith.minsi %jit3A_709, %max3A_710 : i32
    %eq3A_712 = vector.broadcast %min3A_698 : i32 to vector<1x256xi32>
    %eq3A_713 = arith.cmpi eq, %iota3A_526, %eq3A_712 : vector<1x256xi32>
    %convert_element_type3A_714 = arith.extui %eq3A_713 : vector<1x256xi1> to vector<1x256xi32>
    %convert_element_type3A_715 = arith.sitofp %convert_element_type3A_714 : vector<1x256xi32> to vector<1x256xf32>
    %eq3A_716 = vector.broadcast %min3A_711 : i32 to vector<1x256xi32>
    %eq3A_717 = arith.cmpi eq, %iota3A_526, %eq3A_716 : vector<1x256xi32>
    %convert_element_type3A_718 = arith.extui %eq3A_717 : vector<1x256xi1> to vector<1x256xi32>
    %convert_element_type3A_719 = arith.sitofp %convert_element_type3A_718 : vector<1x256xi32> to vector<1x256xf32>
    %dot_general3A_720 = arith.constant dense<0.000000e+00> : vector<1x256xf32>
    %dot_general3A_721 = tpu.matmul %convert_element_type3A_715, %get3A_531, %dot_general3A_720 {dimension_numbers = #tpu.dot_dimension_numbers<[1], [0], [0], [1], [0, 0, 1, 1], [], []>, transpose_lhs_hint = false} : vector<1x256xf32>, vector<256x256xf32>, vector<1x256xf32> -> vector<1x256xf32>
    %dot_general3A_722 = arith.constant dense<0.000000e+00> : vector<1x256xf32>
    %dot_general3A_723 = tpu.matmul %convert_element_type3A_719, %get3A_534, %dot_general3A_722 {dimension_numbers = #tpu.dot_dimension_numbers<[1], [0], [0], [1], [0, 0, 1, 1], [], []>, transpose_lhs_hint = false} : vector<1x256xf32>, vector<256x256xf32>, vector<1x256xf32> -> vector<1x256xf32>
    %add3A_724 = arith.addf %dot_general3A_721, %dot_general3A_723 : vector<1x256xf32>
    %slice3A_725 = vector.extract_strided_slice %get3A_1 {offsets = [512, 0], sizes = [512, 256], strides = [1, 1]} : vector<4096x256xf32> to vector<512x256xf32>
    %add3A_726 = vector.broadcast %add3A_724 : vector<1x256xf32> to vector<512x256xf32>
    %add3A_727 = arith.addf %slice3A_725, %add3A_726 : vector<512x256xf32>
    %swap3A_728 = arith.constant 512 : index
    %swap3A_729 = arith.constant 0 : index
    %swap3A_730 = vector.load %arg34[%swap3A_728, %swap3A_729] : memref<4608x256xf32, #tpu.memory_space<vmem>>, vector<512x256xf32>
    tpu.vector_store %arg34[%swap3A_728, %swap3A_729], %add3A_727 {strides = array<i32>} : memref<4608x256xf32, #tpu.memory_space<vmem>>, vector<512x256xf32>,
    %broadcast_in_dim3A_731 = vector.shape_cast %add3A_724 : vector<1x256xf32> to vector<1x256xf32>
    %broadcast_in_dim3A_732 = vector.broadcast %broadcast_in_dim3A_731 : vector<1x256xf32> to vector<64x256xf32>
    %swap3A_733 = arith.constant 4160 : index
    %swap3A_734 = arith.constant 0 : index
    %swap3A_735 = vector.load %arg34[%swap3A_733, %swap3A_734] : memref<4608x256xf32, #tpu.memory_space<vmem>>, vector<64x256xf32>
    tpu.vector_store %arg34[%swap3A_733, %swap3A_734], %broadcast_in_dim3A_732 {strides = array<i32>} : memref<4608x256xf32, #tpu.memory_space<vmem>>, vector<64x256xf32>,
    %slice3A_736 = vector.extract_strided_slice %max3A_512 {offsets = [1024, 0], sizes = [512, 1], strides = [1, 1]} : vector<4096x1xf32> to vector<512x1xf32>
    %dot_general3A_737 = arith.constant dense<0.000000e+00> : vector<512x1xf32>
    %dot_general3A_738 = tpu.matmul %convert_element_type3A_519, %slice3A_736, %dot_general3A_737 {dimension_numbers = #tpu.dot_dimension_numbers<[1], [0], [0], [1], [0, 0, 1, 1], [], []>, transpose_lhs_hint = false} : vector<512x512xf32>, vector<512x1xf32>, vector<512x1xf32> -> vector<512x1xf32>
    %slice3A_739 = vector.extract_strided_slice %dot_general3A_738 {offsets = [511, 0], sizes = [1, 1], strides = [1, 1]} : vector<512x1xf32> to vector<1x1xf32>
    %min3A_740 = arith.constant 2.000000e+03 : f32
    %min3A_741 = vector.broadcast %min3A_740 : f32 to vector<1x1xf32>
    %min3A_742 = arith.minimumf %slice3A_739, %min3A_741 : vector<1x1xf32>
    %convert_element_type3A_743 = arith.fptosi %min3A_742 : vector<1x1xf32> to vector<1x1xi32>
    %swap3A_744 = arith.constant 2 : index
    %swap3A_745 = arith.constant 0 : index
    %swap3A_746 = vector.load %arg41[%swap3A_744, %swap3A_745] : memref<8x1xi32, #tpu.memory_space<vmem>>, vector<1x1xi32>
    tpu.vector_store %arg41[%swap3A_744, %swap3A_745], %convert_element_type3A_743 {strides = array<i32>} : memref<8x1xi32, #tpu.memory_space<vmem>>, vector<1x1xi32>,
    %le3A_747 = vector.broadcast %dot_general3A_738 : vector<512x1xf32> to vector<512x2048xf32>
    %le3A_748 = vector.broadcast %convert_element_type3A_521 : vector<1x2048xf32> to vector<512x2048xf32>
    %le3A_749 = arith.cmpf ole, %le3A_747, %le3A_748 : vector<512x2048xf32>
    %convert_element_type3A_750 = arith.extui %le3A_749 : vector<512x2048xi1> to vector<512x2048xi32>
    %convert_element_type3A_751 = arith.sitofp %convert_element_type3A_750 : vector<512x2048xi32> to vector<512x2048xf32>
    %dot_general3A_752 = arith.constant dense<0.000000e+00> : vector<1x2048xf32>
    %dot_general3A_753 = tpu.matmul %broadcast_in_dim3A_528, %convert_element_type3A_751, %dot_general3A_752 {dimension_numbers = #tpu.dot_dimension_numbers<[1], [0], [0], [1], [0, 0, 1, 1], [], []>, transpose_lhs_hint = false} : vector<1x512xf32>, vector<512x2048xf32>, vector<1x2048xf32> -> vector<1x2048xf32>
    %lt3A_754 = vector.broadcast %min3A_742 : vector<1x1xf32> to vector<1x2048xf32>
    %lt3A_755 = arith.cmpf olt, %convert_element_type3A_521, %lt3A_754 : vector<1x2048xf32>
    %add3A_756 = arith.constant 1.024000e+03 : f32
    %add3A_757 = vector.broadcast %add3A_756 : f32 to vector<1x2048xf32>
    %add3A_758 = arith.addf %dot_general3A_753, %add3A_757 : vector<1x2048xf32>
    %convert_element_type3A_759 = arith.sitofp %and3A_525 : vector<1x2048xi32> to vector<1x2048xf32>
    %add3A_760 = arith.constant 4.224000e+03 : f32
    %add3A_761 = vector.broadcast %add3A_760 : f32 to vector<1x2048xf32>
    %add3A_762 = arith.addf %add3A_761, %convert_element_type3A_759 : vector<1x2048xf32>
    %select_n3A_763 = arith.select %lt3A_755, %add3A_758, %add3A_762 : vector<1x2048xi1>, vector<1x2048xf32>
    %convert_element_type3A_764 = arith.fptosi %select_n3A_763 : vector<1x2048xf32> to vector<1x2048xi32>
    %slice3A_765 = vector.extract_strided_slice %convert_element_type3A_764 {offsets = [0, 0], sizes = [1, 512], strides = [1, 1]} : vector<1x2048xi32> to vector<1x512xi32>
    %swap3A_766 = arith.constant 8 : index
    %swap3A_767 = arith.constant 0 : index
    %swap3A_768 = vector.load %arg39[%swap3A_766, %swap3A_767] : memref<32x512xi32, #tpu.memory_space<vmem>>, vector<1x512xi32>
    tpu.vector_store %arg39[%swap3A_766, %swap3A_767], %slice3A_765 {strides = array<i32>} : memref<32x512xi32, #tpu.memory_space<vmem>>, vector<1x512xi32>,
    %slice3A_769 = vector.extract_strided_slice %convert_element_type3A_764 {offsets = [0, 496], sizes = [1, 512], strides = [1, 1]} : vector<1x2048xi32> to vector<1x512xi32>
    %swap3A_770 = arith.constant 9 : index
    %swap3A_771 = arith.constant 0 : index
    %swap3A_772 = vector.load %arg39[%swap3A_770, %swap3A_771] : memref<32x512xi32, #tpu.memory_space<vmem>>, vector<1x512xi32>
    tpu.vector_store %arg39[%swap3A_770, %swap3A_771], %slice3A_769 {strides = array<i32>} : memref<32x512xi32, #tpu.memory_space<vmem>>, vector<1x512xi32>,
    %slice3A_773 = vector.extract_strided_slice %convert_element_type3A_764 {offsets = [0, 992], sizes = [1, 512], strides = [1, 1]} : vector<1x2048xi32> to vector<1x512xi32>
    %swap3A_774 = arith.constant 10 : index
    %swap3A_775 = arith.constant 0 : index
    %swap3A_776 = vector.load %arg39[%swap3A_774, %swap3A_775] : memref<32x512xi32, #tpu.memory_space<vmem>>, vector<1x512xi32>
    tpu.vector_store %arg39[%swap3A_774, %swap3A_775], %slice3A_773 {strides = array<i32>} : memref<32x512xi32, #tpu.memory_space<vmem>>, vector<1x512xi32>,
    %slice3A_777 = vector.extract_strided_slice %convert_element_type3A_764 {offsets = [0, 1488], sizes = [1, 512], strides = [1, 1]} : vector<1x2048xi32> to vector<1x512xi32>
    %swap3A_778 = arith.constant 11 : index
    %swap3A_779 = arith.constant 0 : index
    %swap3A_780 = vector.load %arg39[%swap3A_778, %swap3A_779] : memref<32x512xi32, #tpu.memory_space<vmem>>, vector<1x512xi32>
    tpu.vector_store %arg39[%swap3A_778, %swap3A_779], %slice3A_777 {strides = array<i32>} : memref<32x512xi32, #tpu.memory_space<vmem>>, vector<1x512xi32>,
    %ge3A_781 = vector.broadcast %min3A_742 : vector<1x1xf32> to vector<1x2048xf32>
    %ge3A_782 = arith.cmpf oge, %convert_element_type3A_521, %ge3A_781 : vector<1x2048xf32>
    %convert_element_type3A_783 = arith.extui %ge3A_782 : vector<1x2048xi1> to vector<1x2048xi32>
    %slice3A_784 = vector.extract_strided_slice %convert_element_type3A_783 {offsets = [0, 0], sizes = [1, 2000], strides = [1, 1]} : vector<1x2048xi32> to vector<1x2000xi32>
    %swap3A_785 = arith.constant 2 : index
    %swap3A_786 = arith.constant 0 : index
    %swap3A_787 = vector.load %arg40[%swap3A_785, %swap3A_786] : memref<8x2000xi32, #tpu.memory_space<vmem>>, vector<1x2000xi32>
    tpu.vector_store %arg40[%swap3A_785, %swap3A_786], %slice3A_784 {strides = array<i32>} : memref<8x2000xi32, #tpu.memory_space<vmem>>, vector<1x2000xi32>,
    %slice3A_788 = vector.extract_strided_slice %mul3A_332 {offsets = [1024, 0], sizes = [512, 1], strides = [1, 1]} : vector<4096x1xf32> to vector<512x1xf32>
    %reduce_sum3A_789 = vector.shape_cast %slice3A_788 : vector<512x1xf32> to vector<1x512x1xf32>
    %reduce_sum3A_790 = arith.constant dense<0.000000e+00> : vector<1xf32>
    %reduce_sum3A_791 = vector.multi_reduction <add>, %reduce_sum3A_789, %reduce_sum3A_790 [1, 2] : vector<1x512x1xf32> to vector<1xf32>
    %reduce_sum3A_792 = vector.shape_cast %reduce_sum3A_791 : vector<1xf32> to vector<1x1x1xf32>
    %reduce_sum3A_793 = vector.extract %reduce_sum3A_792[0, 0, 0] : f32 from vector<1x1x1xf32>
    %div3A_794 = arith.constant 5.120000e+02 : f32
    %div3A_795 = arith.divf %reduce_sum3A_793, %div3A_794 : f32
    %convert_element_type3A_796 = arith.fptosi %div3A_795 : f32 to i32
    %jit3A_797 = arith.constant 0 : i32
    %jit3A_798 = arith.constant 255 : i32
    %max3A_799 = arith.maxsi %jit3A_797, %convert_element_type3A_796 : i32
    %min3A_800 = arith.minsi %jit3A_798, %max3A_799 : i32
    %slice3A_801 = vector.extract_strided_slice %mul3A_498 {offsets = [1024, 0], sizes = [512, 1], strides = [1, 1]} : vector<4096x1xf32> to vector<512x1xf32>
    %reduce_sum3A_802 = vector.shape_cast %slice3A_801 : vector<512x1xf32> to vector<1x512x1xf32>
    %reduce_sum3A_803 = arith.constant dense<0.000000e+00> : vector<1xf32>
    %reduce_sum3A_804 = vector.multi_reduction <add>, %reduce_sum3A_802, %reduce_sum3A_803 [1, 2] : vector<1x512x1xf32> to vector<1xf32>
    %reduce_sum3A_805 = vector.shape_cast %reduce_sum3A_804 : vector<1xf32> to vector<1x1x1xf32>
    %reduce_sum3A_806 = vector.extract %reduce_sum3A_805[0, 0, 0] : f32 from vector<1x1x1xf32>
    %div3A_807 = arith.constant 5.120000e+02 : f32
    %div3A_808 = arith.divf %reduce_sum3A_806, %div3A_807 : f32
    %convert_element_type3A_809 = arith.fptosi %div3A_808 : f32 to i32
    %jit3A_810 = arith.constant 0 : i32
    %jit3A_811 = arith.constant 255 : i32
    %max3A_812 = arith.maxsi %jit3A_810, %convert_element_type3A_809 : i32
    %min3A_813 = arith.minsi %jit3A_811, %max3A_812 : i32
    %eq3A_814 = vector.broadcast %min3A_800 : i32 to vector<1x256xi32>
    %eq3A_815 = arith.cmpi eq, %iota3A_526, %eq3A_814 : vector<1x256xi32>
    %convert_element_type3A_816 = arith.extui %eq3A_815 : vector<1x256xi1> to vector<1x256xi32>
    %convert_element_type3A_817 = arith.sitofp %convert_element_type3A_816 : vector<1x256xi32> to vector<1x256xf32>
    %eq3A_818 = vector.broadcast %min3A_813 : i32 to vector<1x256xi32>
    %eq3A_819 = arith.cmpi eq, %iota3A_526, %eq3A_818 : vector<1x256xi32>
    %convert_element_type3A_820 = arith.extui %eq3A_819 : vector<1x256xi1> to vector<1x256xi32>
    %convert_element_type3A_821 = arith.sitofp %convert_element_type3A_820 : vector<1x256xi32> to vector<1x256xf32>
    %dot_general3A_822 = arith.constant dense<0.000000e+00> : vector<1x256xf32>
    %dot_general3A_823 = tpu.matmul %convert_element_type3A_817, %get3A_531, %dot_general3A_822 {dimension_numbers = #tpu.dot_dimension_numbers<[1], [0], [0], [1], [0, 0, 1, 1], [], []>, transpose_lhs_hint = false} : vector<1x256xf32>, vector<256x256xf32>, vector<1x256xf32> -> vector<1x256xf32>
    %dot_general3A_824 = arith.constant dense<0.000000e+00> : vector<1x256xf32>
    %dot_general3A_825 = tpu.matmul %convert_element_type3A_821, %get3A_534, %dot_general3A_824 {dimension_numbers = #tpu.dot_dimension_numbers<[1], [0], [0], [1], [0, 0, 1, 1], [], []>, transpose_lhs_hint = false} : vector<1x256xf32>, vector<256x256xf32>, vector<1x256xf32> -> vector<1x256xf32>
    %add3A_826 = arith.addf %dot_general3A_823, %dot_general3A_825 : vector<1x256xf32>
    %slice3A_827 = vector.extract_strided_slice %get3A_1 {offsets = [1024, 0], sizes = [512, 256], strides = [1, 1]} : vector<4096x256xf32> to vector<512x256xf32>
    %add3A_828 = vector.broadcast %add3A_826 : vector<1x256xf32> to vector<512x256xf32>
    %add3A_829 = arith.addf %slice3A_827, %add3A_828 : vector<512x256xf32>
    %swap3A_830 = arith.constant 1024 : index
    %swap3A_831 = arith.constant 0 : index
    %swap3A_832 = vector.load %arg34[%swap3A_830, %swap3A_831] : memref<4608x256xf32, #tpu.memory_space<vmem>>, vector<512x256xf32>
    tpu.vector_store %arg34[%swap3A_830, %swap3A_831], %add3A_829 {strides = array<i32>} : memref<4608x256xf32, #tpu.memory_space<vmem>>, vector<512x256xf32>,
    %broadcast_in_dim3A_833 = vector.shape_cast %add3A_826 : vector<1x256xf32> to vector<1x256xf32>
    %broadcast_in_dim3A_834 = vector.broadcast %broadcast_in_dim3A_833 : vector<1x256xf32> to vector<64x256xf32>
    %swap3A_835 = arith.constant 4224 : index
    %swap3A_836 = arith.constant 0 : index
    %swap3A_837 = vector.load %arg34[%swap3A_835, %swap3A_836] : memref<4608x256xf32, #tpu.memory_space<vmem>>, vector<64x256xf32>
    tpu.vector_store %arg34[%swap3A_835, %swap3A_836], %broadcast_in_dim3A_834 {strides = array<i32>} : memref<4608x256xf32, #tpu.memory_space<vmem>>, vector<64x256xf32>,
    %slice3A_838 = vector.extract_strided_slice %max3A_512 {offsets = [1536, 0], sizes = [512, 1], strides = [1, 1]} : vector<4096x1xf32> to vector<512x1xf32>
    %dot_general3A_839 = arith.constant dense<0.000000e+00> : vector<512x1xf32>
    %dot_general3A_840 = tpu.matmul %convert_element_type3A_519, %slice3A_838, %dot_general3A_839 {dimension_numbers = #tpu.dot_dimension_numbers<[1], [0], [0], [1], [0, 0, 1, 1], [], []>, transpose_lhs_hint = false} : vector<512x512xf32>, vector<512x1xf32>, vector<512x1xf32> -> vector<512x1xf32>
    %slice3A_841 = vector.extract_strided_slice %dot_general3A_840 {offsets = [511, 0], sizes = [1, 1], strides = [1, 1]} : vector<512x1xf32> to vector<1x1xf32>
    %min3A_842 = arith.constant 2.000000e+03 : f32
    %min3A_843 = vector.broadcast %min3A_842 : f32 to vector<1x1xf32>
    %min3A_844 = arith.minimumf %slice3A_841, %min3A_843 : vector<1x1xf32>
    %convert_element_type3A_845 = arith.fptosi %min3A_844 : vector<1x1xf32> to vector<1x1xi32>
    %swap3A_846 = arith.constant 3 : index
    %swap3A_847 = arith.constant 0 : index
    %swap3A_848 = vector.load %arg41[%swap3A_846, %swap3A_847] : memref<8x1xi32, #tpu.memory_space<vmem>>, vector<1x1xi32>
    tpu.vector_store %arg41[%swap3A_846, %swap3A_847], %convert_element_type3A_845 {strides = array<i32>} : memref<8x1xi32, #tpu.memory_space<vmem>>, vector<1x1xi32>,
    %le3A_849 = vector.broadcast %dot_general3A_840 : vector<512x1xf32> to vector<512x2048xf32>
    %le3A_850 = vector.broadcast %convert_element_type3A_521 : vector<1x2048xf32> to vector<512x2048xf32>
    %le3A_851 = arith.cmpf ole, %le3A_849, %le3A_850 : vector<512x2048xf32>
    %convert_element_type3A_852 = arith.extui %le3A_851 : vector<512x2048xi1> to vector<512x2048xi32>
    %convert_element_type3A_853 = arith.sitofp %convert_element_type3A_852 : vector<512x2048xi32> to vector<512x2048xf32>
    %dot_general3A_854 = arith.constant dense<0.000000e+00> : vector<1x2048xf32>
    %dot_general3A_855 = tpu.matmul %broadcast_in_dim3A_528, %convert_element_type3A_853, %dot_general3A_854 {dimension_numbers = #tpu.dot_dimension_numbers<[1], [0], [0], [1], [0, 0, 1, 1], [], []>, transpose_lhs_hint = false} : vector<1x512xf32>, vector<512x2048xf32>, vector<1x2048xf32> -> vector<1x2048xf32>
    %lt3A_856 = vector.broadcast %min3A_844 : vector<1x1xf32> to vector<1x2048xf32>
    %lt3A_857 = arith.cmpf olt, %convert_element_type3A_521, %lt3A_856 : vector<1x2048xf32>
    %add3A_858 = arith.constant 1.536000e+03 : f32
    %add3A_859 = vector.broadcast %add3A_858 : f32 to vector<1x2048xf32>
    %add3A_860 = arith.addf %dot_general3A_855, %add3A_859 : vector<1x2048xf32>
    %convert_element_type3A_861 = arith.sitofp %and3A_525 : vector<1x2048xi32> to vector<1x2048xf32>
    %add3A_862 = arith.constant 4.288000e+03 : f32
    %add3A_863 = vector.broadcast %add3A_862 : f32 to vector<1x2048xf32>
    %add3A_864 = arith.addf %add3A_863, %convert_element_type3A_861 : vector<1x2048xf32>
    %select_n3A_865 = arith.select %lt3A_857, %add3A_860, %add3A_864 : vector<1x2048xi1>, vector<1x2048xf32>
    %convert_element_type3A_866 = arith.fptosi %select_n3A_865 : vector<1x2048xf32> to vector<1x2048xi32>
    %slice3A_867 = vector.extract_strided_slice %convert_element_type3A_866 {offsets = [0, 0], sizes = [1, 512], strides = [1, 1]} : vector<1x2048xi32> to vector<1x512xi32>
    %swap3A_868 = arith.constant 12 : index
    %swap3A_869 = arith.constant 0 : index
    %swap3A_870 = vector.load %arg39[%swap3A_868, %swap3A_869] : memref<32x512xi32, #tpu.memory_space<vmem>>, vector<1x512xi32>
    tpu.vector_store %arg39[%swap3A_868, %swap3A_869], %slice3A_867 {strides = array<i32>} : memref<32x512xi32, #tpu.memory_space<vmem>>, vector<1x512xi32>,
    %slice3A_871 = vector.extract_strided_slice %convert_element_type3A_866 {offsets = [0, 496], sizes = [1, 512], strides = [1, 1]} : vector<1x2048xi32> to vector<1x512xi32>
    %swap3A_872 = arith.constant 13 : index
    %swap3A_873 = arith.constant 0 : index
    %swap3A_874 = vector.load %arg39[%swap3A_872, %swap3A_873] : memref<32x512xi32, #tpu.memory_space<vmem>>, vector<1x512xi32>
    tpu.vector_store %arg39[%swap3A_872, %swap3A_873], %slice3A_871 {strides = array<i32>} : memref<32x512xi32, #tpu.memory_space<vmem>>, vector<1x512xi32>,
    %slice3A_875 = vector.extract_strided_slice %convert_element_type3A_866 {offsets = [0, 992], sizes = [1, 512], strides = [1, 1]} : vector<1x2048xi32> to vector<1x512xi32>
    %swap3A_876 = arith.constant 14 : index
    %swap3A_877 = arith.constant 0 : index
    %swap3A_878 = vector.load %arg39[%swap3A_876, %swap3A_877] : memref<32x512xi32, #tpu.memory_space<vmem>>, vector<1x512xi32>
    tpu.vector_store %arg39[%swap3A_876, %swap3A_877], %slice3A_875 {strides = array<i32>} : memref<32x512xi32, #tpu.memory_space<vmem>>, vector<1x512xi32>,
    %slice3A_879 = vector.extract_strided_slice %convert_element_type3A_866 {offsets = [0, 1488], sizes = [1, 512], strides = [1, 1]} : vector<1x2048xi32> to vector<1x512xi32>
    %swap3A_880 = arith.constant 15 : index
    %swap3A_881 = arith.constant 0 : index
    %swap3A_882 = vector.load %arg39[%swap3A_880, %swap3A_881] : memref<32x512xi32, #tpu.memory_space<vmem>>, vector<1x512xi32>
    tpu.vector_store %arg39[%swap3A_880, %swap3A_881], %slice3A_879 {strides = array<i32>} : memref<32x512xi32, #tpu.memory_space<vmem>>, vector<1x512xi32>,
    %ge3A_883 = vector.broadcast %min3A_844 : vector<1x1xf32> to vector<1x2048xf32>
    %ge3A_884 = arith.cmpf oge, %convert_element_type3A_521, %ge3A_883 : vector<1x2048xf32>
    %convert_element_type3A_885 = arith.extui %ge3A_884 : vector<1x2048xi1> to vector<1x2048xi32>
    %slice3A_886 = vector.extract_strided_slice %convert_element_type3A_885 {offsets = [0, 0], sizes = [1, 2000], strides = [1, 1]} : vector<1x2048xi32> to vector<1x2000xi32>
    %swap3A_887 = arith.constant 3 : index
    %swap3A_888 = arith.constant 0 : index
    %swap3A_889 = vector.load %arg40[%swap3A_887, %swap3A_888] : memref<8x2000xi32, #tpu.memory_space<vmem>>, vector<1x2000xi32>
    tpu.vector_store %arg40[%swap3A_887, %swap3A_888], %slice3A_886 {strides = array<i32>} : memref<8x2000xi32, #tpu.memory_space<vmem>>, vector<1x2000xi32>,
    %slice3A_890 = vector.extract_strided_slice %mul3A_332 {offsets = [1536, 0], sizes = [512, 1], strides = [1, 1]} : vector<4096x1xf32> to vector<512x1xf32>
    %reduce_sum3A_891 = vector.shape_cast %slice3A_890 : vector<512x1xf32> to vector<1x512x1xf32>
    %reduce_sum3A_892 = arith.constant dense<0.000000e+00> : vector<1xf32>
    %reduce_sum3A_893 = vector.multi_reduction <add>, %reduce_sum3A_891, %reduce_sum3A_892 [1, 2] : vector<1x512x1xf32> to vector<1xf32>
    %reduce_sum3A_894 = vector.shape_cast %reduce_sum3A_893 : vector<1xf32> to vector<1x1x1xf32>
    %reduce_sum3A_895 = vector.extract %reduce_sum3A_894[0, 0, 0] : f32 from vector<1x1x1xf32>
    %div3A_896 = arith.constant 5.120000e+02 : f32
    %div3A_897 = arith.divf %reduce_sum3A_895, %div3A_896 : f32
    %convert_element_type3A_898 = arith.fptosi %div3A_897 : f32 to i32
    %jit3A_899 = arith.constant 0 : i32
    %jit3A_900 = arith.constant 255 : i32
    %max3A_901 = arith.maxsi %jit3A_899, %convert_element_type3A_898 : i32
    %min3A_902 = arith.minsi %jit3A_900, %max3A_901 : i32
    %slice3A_903 = vector.extract_strided_slice %mul3A_498 {offsets = [1536, 0], sizes = [512, 1], strides = [1, 1]} : vector<4096x1xf32> to vector<512x1xf32>
    %reduce_sum3A_904 = vector.shape_cast %slice3A_903 : vector<512x1xf32> to vector<1x512x1xf32>
    %reduce_sum3A_905 = arith.constant dense<0.000000e+00> : vector<1xf32>
    %reduce_sum3A_906 = vector.multi_reduction <add>, %reduce_sum3A_904, %reduce_sum3A_905 [1, 2] : vector<1x512x1xf32> to vector<1xf32>
    %reduce_sum3A_907 = vector.shape_cast %reduce_sum3A_906 : vector<1xf32> to vector<1x1x1xf32>
    %reduce_sum3A_908 = vector.extract %reduce_sum3A_907[0, 0, 0] : f32 from vector<1x1x1xf32>
    %div3A_909 = arith.constant 5.120000e+02 : f32
    %div3A_910 = arith.divf %reduce_sum3A_908, %div3A_909 : f32
    %convert_element_type3A_911 = arith.fptosi %div3A_910 : f32 to i32
    %jit3A_912 = arith.constant 0 : i32
    %jit3A_913 = arith.constant 255 : i32
    %max3A_914 = arith.maxsi %jit3A_912, %convert_element_type3A_911 : i32
    %min3A_915 = arith.minsi %jit3A_913, %max3A_914 : i32
    %eq3A_916 = vector.broadcast %min3A_902 : i32 to vector<1x256xi32>
    %eq3A_917 = arith.cmpi eq, %iota3A_526, %eq3A_916 : vector<1x256xi32>
    %convert_element_type3A_918 = arith.extui %eq3A_917 : vector<1x256xi1> to vector<1x256xi32>
    %convert_element_type3A_919 = arith.sitofp %convert_element_type3A_918 : vector<1x256xi32> to vector<1x256xf32>
    %eq3A_920 = vector.broadcast %min3A_915 : i32 to vector<1x256xi32>
    %eq3A_921 = arith.cmpi eq, %iota3A_526, %eq3A_920 : vector<1x256xi32>
    %convert_element_type3A_922 = arith.extui %eq3A_921 : vector<1x256xi1> to vector<1x256xi32>
    %convert_element_type3A_923 = arith.sitofp %convert_element_type3A_922 : vector<1x256xi32> to vector<1x256xf32>
    %dot_general3A_924 = arith.constant dense<0.000000e+00> : vector<1x256xf32>
    %dot_general3A_925 = tpu.matmul %convert_element_type3A_919, %get3A_531, %dot_general3A_924 {dimension_numbers = #tpu.dot_dimension_numbers<[1], [0], [0], [1], [0, 0, 1, 1], [], []>, transpose_lhs_hint = false} : vector<1x256xf32>, vector<256x256xf32>, vector<1x256xf32> -> vector<1x256xf32>
    %dot_general3A_926 = arith.constant dense<0.000000e+00> : vector<1x256xf32>
    %dot_general3A_927 = tpu.matmul %convert_element_type3A_923, %get3A_534, %dot_general3A_926 {dimension_numbers = #tpu.dot_dimension_numbers<[1], [0], [0], [1], [0, 0, 1, 1], [], []>, transpose_lhs_hint = false} : vector<1x256xf32>, vector<256x256xf32>, vector<1x256xf32> -> vector<1x256xf32>
    %add3A_928 = arith.addf %dot_general3A_925, %dot_general3A_927 : vector<1x256xf32>
    %slice3A_929 = vector.extract_strided_slice %get3A_1 {offsets = [1536, 0], sizes = [512, 256], strides = [1, 1]} : vector<4096x256xf32> to vector<512x256xf32>
    %add3A_930 = vector.broadcast %add3A_928 : vector<1x256xf32> to vector<512x256xf32>
    %add3A_931 = arith.addf %slice3A_929, %add3A_930 : vector<512x256xf32>
    %swap3A_932 = arith.constant 1536 : index
    %swap3A_933 = arith.constant 0 : index
    %swap3A_934 = vector.load %arg34[%swap3A_932, %swap3A_933] : memref<4608x256xf32, #tpu.memory_space<vmem>>, vector<512x256xf32>
    tpu.vector_store %arg34[%swap3A_932, %swap3A_933], %add3A_931 {strides = array<i32>} : memref<4608x256xf32, #tpu.memory_space<vmem>>, vector<512x256xf32>,
    %broadcast_in_dim3A_935 = vector.shape_cast %add3A_928 : vector<1x256xf32> to vector<1x256xf32>
    %broadcast_in_dim3A_936 = vector.broadcast %broadcast_in_dim3A_935 : vector<1x256xf32> to vector<64x256xf32>
    %swap3A_937 = arith.constant 4288 : index
    %swap3A_938 = arith.constant 0 : index
    %swap3A_939 = vector.load %arg34[%swap3A_937, %swap3A_938] : memref<4608x256xf32, #tpu.memory_space<vmem>>, vector<64x256xf32>
    tpu.vector_store %arg34[%swap3A_937, %swap3A_938], %broadcast_in_dim3A_936 {strides = array<i32>} : memref<4608x256xf32, #tpu.memory_space<vmem>>, vector<64x256xf32>,
    %slice3A_940 = vector.extract_strided_slice %max3A_512 {offsets = [2048, 0], sizes = [512, 1], strides = [1, 1]} : vector<4096x1xf32> to vector<512x1xf32>
    %dot_general3A_941 = arith.constant dense<0.000000e+00> : vector<512x1xf32>
    %dot_general3A_942 = tpu.matmul %convert_element_type3A_519, %slice3A_940, %dot_general3A_941 {dimension_numbers = #tpu.dot_dimension_numbers<[1], [0], [0], [1], [0, 0, 1, 1], [], []>, transpose_lhs_hint = false} : vector<512x512xf32>, vector<512x1xf32>, vector<512x1xf32> -> vector<512x1xf32>
    %slice3A_943 = vector.extract_strided_slice %dot_general3A_942 {offsets = [511, 0], sizes = [1, 1], strides = [1, 1]} : vector<512x1xf32> to vector<1x1xf32>
    %min3A_944 = arith.constant 2.000000e+03 : f32
    %min3A_945 = vector.broadcast %min3A_944 : f32 to vector<1x1xf32>
    %min3A_946 = arith.minimumf %slice3A_943, %min3A_945 : vector<1x1xf32>
    %convert_element_type3A_947 = arith.fptosi %min3A_946 : vector<1x1xf32> to vector<1x1xi32>
    %swap3A_948 = arith.constant 4 : index
    %swap3A_949 = arith.constant 0 : index
    %swap3A_950 = vector.load %arg41[%swap3A_948, %swap3A_949] : memref<8x1xi32, #tpu.memory_space<vmem>>, vector<1x1xi32>
    tpu.vector_store %arg41[%swap3A_948, %swap3A_949], %convert_element_type3A_947 {strides = array<i32>} : memref<8x1xi32, #tpu.memory_space<vmem>>, vector<1x1xi32>,
    %le3A_951 = vector.broadcast %dot_general3A_942 : vector<512x1xf32> to vector<512x2048xf32>
    %le3A_952 = vector.broadcast %convert_element_type3A_521 : vector<1x2048xf32> to vector<512x2048xf32>
    %le3A_953 = arith.cmpf ole, %le3A_951, %le3A_952 : vector<512x2048xf32>
    %convert_element_type3A_954 = arith.extui %le3A_953 : vector<512x2048xi1> to vector<512x2048xi32>
    %convert_element_type3A_955 = arith.sitofp %convert_element_type3A_954 : vector<512x2048xi32> to vector<512x2048xf32>
    %dot_general3A_956 = arith.constant dense<0.000000e+00> : vector<1x2048xf32>
    %dot_general3A_957 = tpu.matmul %broadcast_in_dim3A_528, %convert_element_type3A_955, %dot_general3A_956 {dimension_numbers = #tpu.dot_dimension_numbers<[1], [0], [0], [1], [0, 0, 1, 1], [], []>, transpose_lhs_hint = false} : vector<1x512xf32>, vector<512x2048xf32>, vector<1x2048xf32> -> vector<1x2048xf32>
    %lt3A_958 = vector.broadcast %min3A_946 : vector<1x1xf32> to vector<1x2048xf32>
    %lt3A_959 = arith.cmpf olt, %convert_element_type3A_521, %lt3A_958 : vector<1x2048xf32>
    %add3A_960 = arith.constant 2.048000e+03 : f32
    %add3A_961 = vector.broadcast %add3A_960 : f32 to vector<1x2048xf32>
    %add3A_962 = arith.addf %dot_general3A_957, %add3A_961 : vector<1x2048xf32>
    %convert_element_type3A_963 = arith.sitofp %and3A_525 : vector<1x2048xi32> to vector<1x2048xf32>
    %add3A_964 = arith.constant 4.352000e+03 : f32
    %add3A_965 = vector.broadcast %add3A_964 : f32 to vector<1x2048xf32>
    %add3A_966 = arith.addf %add3A_965, %convert_element_type3A_963 : vector<1x2048xf32>
    %select_n3A_967 = arith.select %lt3A_959, %add3A_962, %add3A_966 : vector<1x2048xi1>, vector<1x2048xf32>
    %convert_element_type3A_968 = arith.fptosi %select_n3A_967 : vector<1x2048xf32> to vector<1x2048xi32>
    %slice3A_969 = vector.extract_strided_slice %convert_element_type3A_968 {offsets = [0, 0], sizes = [1, 512], strides = [1, 1]} : vector<1x2048xi32> to vector<1x512xi32>
    %swap3A_970 = arith.constant 16 : index
    %swap3A_971 = arith.constant 0 : index
    %swap3A_972 = vector.load %arg39[%swap3A_970, %swap3A_971] : memref<32x512xi32, #tpu.memory_space<vmem>>, vector<1x512xi32>
    tpu.vector_store %arg39[%swap3A_970, %swap3A_971], %slice3A_969 {strides = array<i32>} : memref<32x512xi32, #tpu.memory_space<vmem>>, vector<1x512xi32>,
    %slice3A_973 = vector.extract_strided_slice %convert_element_type3A_968 {offsets = [0, 496], sizes = [1, 512], strides = [1, 1]} : vector<1x2048xi32> to vector<1x512xi32>
    %swap3A_974 = arith.constant 17 : index
    %swap3A_975 = arith.constant 0 : index
    %swap3A_976 = vector.load %arg39[%swap3A_974, %swap3A_975] : memref<32x512xi32, #tpu.memory_space<vmem>>, vector<1x512xi32>
    tpu.vector_store %arg39[%swap3A_974, %swap3A_975], %slice3A_973 {strides = array<i32>} : memref<32x512xi32, #tpu.memory_space<vmem>>, vector<1x512xi32>,
    %slice3A_977 = vector.extract_strided_slice %convert_element_type3A_968 {offsets = [0, 992], sizes = [1, 512], strides = [1, 1]} : vector<1x2048xi32> to vector<1x512xi32>
    %swap3A_978 = arith.constant 18 : index
    %swap3A_979 = arith.constant 0 : index
    %swap3A_980 = vector.load %arg39[%swap3A_978, %swap3A_979] : memref<32x512xi32, #tpu.memory_space<vmem>>, vector<1x512xi32>
    tpu.vector_store %arg39[%swap3A_978, %swap3A_979], %slice3A_977 {strides = array<i32>} : memref<32x512xi32, #tpu.memory_space<vmem>>, vector<1x512xi32>,
    %slice3A_981 = vector.extract_strided_slice %convert_element_type3A_968 {offsets = [0, 1488], sizes = [1, 512], strides = [1, 1]} : vector<1x2048xi32> to vector<1x512xi32>
    %swap3A_982 = arith.constant 19 : index
    %swap3A_983 = arith.constant 0 : index
    %swap3A_984 = vector.load %arg39[%swap3A_982, %swap3A_983] : memref<32x512xi32, #tpu.memory_space<vmem>>, vector<1x512xi32>
    tpu.vector_store %arg39[%swap3A_982, %swap3A_983], %slice3A_981 {strides = array<i32>} : memref<32x512xi32, #tpu.memory_space<vmem>>, vector<1x512xi32>,
    %ge3A_985 = vector.broadcast %min3A_946 : vector<1x1xf32> to vector<1x2048xf32>
    %ge3A_986 = arith.cmpf oge, %convert_element_type3A_521, %ge3A_985 : vector<1x2048xf32>
    %convert_element_type3A_987 = arith.extui %ge3A_986 : vector<1x2048xi1> to vector<1x2048xi32>
    %slice3A_988 = vector.extract_strided_slice %convert_element_type3A_987 {offsets = [0, 0], sizes = [1, 2000], strides = [1, 1]} : vector<1x2048xi32> to vector<1x2000xi32>
    %swap3A_989 = arith.constant 4 : index
    %swap3A_990 = arith.constant 0 : index
    %swap3A_991 = vector.load %arg40[%swap3A_989, %swap3A_990] : memref<8x2000xi32, #tpu.memory_space<vmem>>, vector<1x2000xi32>
    tpu.vector_store %arg40[%swap3A_989, %swap3A_990], %slice3A_988 {strides = array<i32>} : memref<8x2000xi32, #tpu.memory_space<vmem>>, vector<1x2000xi32>,
    %slice3A_992 = vector.extract_strided_slice %mul3A_332 {offsets = [2048, 0], sizes = [512, 1], strides = [1, 1]} : vector<4096x1xf32> to vector<512x1xf32>
    %reduce_sum3A_993 = vector.shape_cast %slice3A_992 : vector<512x1xf32> to vector<1x512x1xf32>
    %reduce_sum3A_994 = arith.constant dense<0.000000e+00> : vector<1xf32>
    %reduce_sum3A_995 = vector.multi_reduction <add>, %reduce_sum3A_993, %reduce_sum3A_994 [1, 2] : vector<1x512x1xf32> to vector<1xf32>
    %reduce_sum3A_996 = vector.shape_cast %reduce_sum3A_995 : vector<1xf32> to vector<1x1x1xf32>
    %reduce_sum3A_997 = vector.extract %reduce_sum3A_996[0, 0, 0] : f32 from vector<1x1x1xf32>
    %div3A_998 = arith.constant 5.120000e+02 : f32
    %div3A_999 = arith.divf %reduce_sum3A_997, %div3A_998 : f32
    %convert_element_type3A_1000 = arith.fptosi %div3A_999 : f32 to i32
    %jit3A_1001 = arith.constant 0 : i32
    %jit3A_1002 = arith.constant 255 : i32
    %max3A_1003 = arith.maxsi %jit3A_1001, %convert_element_type3A_1000 : i32
    %min3A_1004 = arith.minsi %jit3A_1002, %max3A_1003 : i32
    %slice3A_1005 = vector.extract_strided_slice %mul3A_498 {offsets = [2048, 0], sizes = [512, 1], strides = [1, 1]} : vector<4096x1xf32> to vector<512x1xf32>
    %reduce_sum3A_1006 = vector.shape_cast %slice3A_1005 : vector<512x1xf32> to vector<1x512x1xf32>
    %reduce_sum3A_1007 = arith.constant dense<0.000000e+00> : vector<1xf32>
    %reduce_sum3A_1008 = vector.multi_reduction <add>, %reduce_sum3A_1006, %reduce_sum3A_1007 [1, 2] : vector<1x512x1xf32> to vector<1xf32>
    %reduce_sum3A_1009 = vector.shape_cast %reduce_sum3A_1008 : vector<1xf32> to vector<1x1x1xf32>
    %reduce_sum3A_1010 = vector.extract %reduce_sum3A_1009[0, 0, 0] : f32 from vector<1x1x1xf32>
    %div3A_1011 = arith.constant 5.120000e+02 : f32
    %div3A_1012 = arith.divf %reduce_sum3A_1010, %div3A_1011 : f32
    %convert_element_type3A_1013 = arith.fptosi %div3A_1012 : f32 to i32
    %jit3A_1014 = arith.constant 0 : i32
    %jit3A_1015 = arith.constant 255 : i32
    %max3A_1016 = arith.maxsi %jit3A_1014, %convert_element_type3A_1013 : i32
    %min3A_1017 = arith.minsi %jit3A_1015, %max3A_1016 : i32
    %eq3A_1018 = vector.broadcast %min3A_1004 : i32 to vector<1x256xi32>
    %eq3A_1019 = arith.cmpi eq, %iota3A_526, %eq3A_1018 : vector<1x256xi32>
    %convert_element_type3A_1020 = arith.extui %eq3A_1019 : vector<1x256xi1> to vector<1x256xi32>
    %convert_element_type3A_1021 = arith.sitofp %convert_element_type3A_1020 : vector<1x256xi32> to vector<1x256xf32>
    %eq3A_1022 = vector.broadcast %min3A_1017 : i32 to vector<1x256xi32>
    %eq3A_1023 = arith.cmpi eq, %iota3A_526, %eq3A_1022 : vector<1x256xi32>
    %convert_element_type3A_1024 = arith.extui %eq3A_1023 : vector<1x256xi1> to vector<1x256xi32>
    %convert_element_type3A_1025 = arith.sitofp %convert_element_type3A_1024 : vector<1x256xi32> to vector<1x256xf32>
    %dot_general3A_1026 = arith.constant dense<0.000000e+00> : vector<1x256xf32>
    %dot_general3A_1027 = tpu.matmul %convert_element_type3A_1021, %get3A_531, %dot_general3A_1026 {dimension_numbers = #tpu.dot_dimension_numbers<[1], [0], [0], [1], [0, 0, 1, 1], [], []>, transpose_lhs_hint = false} : vector<1x256xf32>, vector<256x256xf32>, vector<1x256xf32> -> vector<1x256xf32>
    %dot_general3A_1028 = arith.constant dense<0.000000e+00> : vector<1x256xf32>
    %dot_general3A_1029 = tpu.matmul %convert_element_type3A_1025, %get3A_534, %dot_general3A_1028 {dimension_numbers = #tpu.dot_dimension_numbers<[1], [0], [0], [1], [0, 0, 1, 1], [], []>, transpose_lhs_hint = false} : vector<1x256xf32>, vector<256x256xf32>, vector<1x256xf32> -> vector<1x256xf32>
    %add3A_1030 = arith.addf %dot_general3A_1027, %dot_general3A_1029 : vector<1x256xf32>
    %slice3A_1031 = vector.extract_strided_slice %get3A_1 {offsets = [2048, 0], sizes = [512, 256], strides = [1, 1]} : vector<4096x256xf32> to vector<512x256xf32>
    %add3A_1032 = vector.broadcast %add3A_1030 : vector<1x256xf32> to vector<512x256xf32>
    %add3A_1033 = arith.addf %slice3A_1031, %add3A_1032 : vector<512x256xf32>
    %swap3A_1034 = arith.constant 2048 : index
    %swap3A_1035 = arith.constant 0 : index
    %swap3A_1036 = vector.load %arg34[%swap3A_1034, %swap3A_1035] : memref<4608x256xf32, #tpu.memory_space<vmem>>, vector<512x256xf32>
    tpu.vector_store %arg34[%swap3A_1034, %swap3A_1035], %add3A_1033 {strides = array<i32>} : memref<4608x256xf32, #tpu.memory_space<vmem>>, vector<512x256xf32>,
    %broadcast_in_dim3A_1037 = vector.shape_cast %add3A_1030 : vector<1x256xf32> to vector<1x256xf32>
    %broadcast_in_dim3A_1038 = vector.broadcast %broadcast_in_dim3A_1037 : vector<1x256xf32> to vector<64x256xf32>
    %swap3A_1039 = arith.constant 4352 : index
    %swap3A_1040 = arith.constant 0 : index
    %swap3A_1041 = vector.load %arg34[%swap3A_1039, %swap3A_1040] : memref<4608x256xf32, #tpu.memory_space<vmem>>, vector<64x256xf32>
    tpu.vector_store %arg34[%swap3A_1039, %swap3A_1040], %broadcast_in_dim3A_1038 {strides = array<i32>} : memref<4608x256xf32, #tpu.memory_space<vmem>>, vector<64x256xf32>,
    %slice3A_1042 = vector.extract_strided_slice %max3A_512 {offsets = [2560, 0], sizes = [512, 1], strides = [1, 1]} : vector<4096x1xf32> to vector<512x1xf32>
    %dot_general3A_1043 = arith.constant dense<0.000000e+00> : vector<512x1xf32>
    %dot_general3A_1044 = tpu.matmul %convert_element_type3A_519, %slice3A_1042, %dot_general3A_1043 {dimension_numbers = #tpu.dot_dimension_numbers<[1], [0], [0], [1], [0, 0, 1, 1], [], []>, transpose_lhs_hint = false} : vector<512x512xf32>, vector<512x1xf32>, vector<512x1xf32> -> vector<512x1xf32>
    %slice3A_1045 = vector.extract_strided_slice %dot_general3A_1044 {offsets = [511, 0], sizes = [1, 1], strides = [1, 1]} : vector<512x1xf32> to vector<1x1xf32>
    %min3A_1046 = arith.constant 2.000000e+03 : f32
    %min3A_1047 = vector.broadcast %min3A_1046 : f32 to vector<1x1xf32>
    %min3A_1048 = arith.minimumf %slice3A_1045, %min3A_1047 : vector<1x1xf32>
    %convert_element_type3A_1049 = arith.fptosi %min3A_1048 : vector<1x1xf32> to vector<1x1xi32>
    %swap3A_1050 = arith.constant 5 : index
    %swap3A_1051 = arith.constant 0 : index
    %swap3A_1052 = vector.load %arg41[%swap3A_1050, %swap3A_1051] : memref<8x1xi32, #tpu.memory_space<vmem>>, vector<1x1xi32>
    tpu.vector_store %arg41[%swap3A_1050, %swap3A_1051], %convert_element_type3A_1049 {strides = array<i32>} : memref<8x1xi32, #tpu.memory_space<vmem>>, vector<1x1xi32>,
    %le3A_1053 = vector.broadcast %dot_general3A_1044 : vector<512x1xf32> to vector<512x2048xf32>
    %le3A_1054 = vector.broadcast %convert_element_type3A_521 : vector<1x2048xf32> to vector<512x2048xf32>
    %le3A_1055 = arith.cmpf ole, %le3A_1053, %le3A_1054 : vector<512x2048xf32>
    %convert_element_type3A_1056 = arith.extui %le3A_1055 : vector<512x2048xi1> to vector<512x2048xi32>
    %convert_element_type3A_1057 = arith.sitofp %convert_element_type3A_1056 : vector<512x2048xi32> to vector<512x2048xf32>
    %dot_general3A_1058 = arith.constant dense<0.000000e+00> : vector<1x2048xf32>
    %dot_general3A_1059 = tpu.matmul %broadcast_in_dim3A_528, %convert_element_type3A_1057, %dot_general3A_1058 {dimension_numbers = #tpu.dot_dimension_numbers<[1], [0], [0], [1], [0, 0, 1, 1], [], []>, transpose_lhs_hint = false} : vector<1x512xf32>, vector<512x2048xf32>, vector<1x2048xf32> -> vector<1x2048xf32>
    %lt3A_1060 = vector.broadcast %min3A_1048 : vector<1x1xf32> to vector<1x2048xf32>
    %lt3A_1061 = arith.cmpf olt, %convert_element_type3A_521, %lt3A_1060 : vector<1x2048xf32>
    %add3A_1062 = arith.constant 2.560000e+03 : f32
    %add3A_1063 = vector.broadcast %add3A_1062 : f32 to vector<1x2048xf32>
    %add3A_1064 = arith.addf %dot_general3A_1059, %add3A_1063 : vector<1x2048xf32>
    %convert_element_type3A_1065 = arith.sitofp %and3A_525 : vector<1x2048xi32> to vector<1x2048xf32>
    %add3A_1066 = arith.constant 4.416000e+03 : f32
    %add3A_1067 = vector.broadcast %add3A_1066 : f32 to vector<1x2048xf32>
    %add3A_1068 = arith.addf %add3A_1067, %convert_element_type3A_1065 : vector<1x2048xf32>
    %select_n3A_1069 = arith.select %lt3A_1061, %add3A_1064, %add3A_1068 : vector<1x2048xi1>, vector<1x2048xf32>
    %convert_element_type3A_1070 = arith.fptosi %select_n3A_1069 : vector<1x2048xf32> to vector<1x2048xi32>
    %slice3A_1071 = vector.extract_strided_slice %convert_element_type3A_1070 {offsets = [0, 0], sizes = [1, 512], strides = [1, 1]} : vector<1x2048xi32> to vector<1x512xi32>
    %swap3A_1072 = arith.constant 20 : index
    %swap3A_1073 = arith.constant 0 : index
    %swap3A_1074 = vector.load %arg39[%swap3A_1072, %swap3A_1073] : memref<32x512xi32, #tpu.memory_space<vmem>>, vector<1x512xi32>
    tpu.vector_store %arg39[%swap3A_1072, %swap3A_1073], %slice3A_1071 {strides = array<i32>} : memref<32x512xi32, #tpu.memory_space<vmem>>, vector<1x512xi32>,
    %slice3A_1075 = vector.extract_strided_slice %convert_element_type3A_1070 {offsets = [0, 496], sizes = [1, 512], strides = [1, 1]} : vector<1x2048xi32> to vector<1x512xi32>
    %swap3A_1076 = arith.constant 21 : index
    %swap3A_1077 = arith.constant 0 : index
    %swap3A_1078 = vector.load %arg39[%swap3A_1076, %swap3A_1077] : memref<32x512xi32, #tpu.memory_space<vmem>>, vector<1x512xi32>
    tpu.vector_store %arg39[%swap3A_1076, %swap3A_1077], %slice3A_1075 {strides = array<i32>} : memref<32x512xi32, #tpu.memory_space<vmem>>, vector<1x512xi32>,
    %slice3A_1079 = vector.extract_strided_slice %convert_element_type3A_1070 {offsets = [0, 992], sizes = [1, 512], strides = [1, 1]} : vector<1x2048xi32> to vector<1x512xi32>
    %swap3A_1080 = arith.constant 22 : index
    %swap3A_1081 = arith.constant 0 : index
    %swap3A_1082 = vector.load %arg39[%swap3A_1080, %swap3A_1081] : memref<32x512xi32, #tpu.memory_space<vmem>>, vector<1x512xi32>
    tpu.vector_store %arg39[%swap3A_1080, %swap3A_1081], %slice3A_1079 {strides = array<i32>} : memref<32x512xi32, #tpu.memory_space<vmem>>, vector<1x512xi32>,
    %slice3A_1083 = vector.extract_strided_slice %convert_element_type3A_1070 {offsets = [0, 1488], sizes = [1, 512], strides = [1, 1]} : vector<1x2048xi32> to vector<1x512xi32>
    %swap3A_1084 = arith.constant 23 : index
    %swap3A_1085 = arith.constant 0 : index
    %swap3A_1086 = vector.load %arg39[%swap3A_1084, %swap3A_1085] : memref<32x512xi32, #tpu.memory_space<vmem>>, vector<1x512xi32>
    tpu.vector_store %arg39[%swap3A_1084, %swap3A_1085], %slice3A_1083 {strides = array<i32>} : memref<32x512xi32, #tpu.memory_space<vmem>>, vector<1x512xi32>,
    %ge3A_1087 = vector.broadcast %min3A_1048 : vector<1x1xf32> to vector<1x2048xf32>
    %ge3A_1088 = arith.cmpf oge, %convert_element_type3A_521, %ge3A_1087 : vector<1x2048xf32>
    %convert_element_type3A_1089 = arith.extui %ge3A_1088 : vector<1x2048xi1> to vector<1x2048xi32>
    %slice3A_1090 = vector.extract_strided_slice %convert_element_type3A_1089 {offsets = [0, 0], sizes = [1, 2000], strides = [1, 1]} : vector<1x2048xi32> to vector<1x2000xi32>
    %swap3A_1091 = arith.constant 5 : index
    %swap3A_1092 = arith.constant 0 : index
    %swap3A_1093 = vector.load %arg40[%swap3A_1091, %swap3A_1092] : memref<8x2000xi32, #tpu.memory_space<vmem>>, vector<1x2000xi32>
    tpu.vector_store %arg40[%swap3A_1091, %swap3A_1092], %slice3A_1090 {strides = array<i32>} : memref<8x2000xi32, #tpu.memory_space<vmem>>, vector<1x2000xi32>,
    %slice3A_1094 = vector.extract_strided_slice %mul3A_332 {offsets = [2560, 0], sizes = [512, 1], strides = [1, 1]} : vector<4096x1xf32> to vector<512x1xf32>
    %reduce_sum3A_1095 = vector.shape_cast %slice3A_1094 : vector<512x1xf32> to vector<1x512x1xf32>
    %reduce_sum3A_1096 = arith.constant dense<0.000000e+00> : vector<1xf32>
    %reduce_sum3A_1097 = vector.multi_reduction <add>, %reduce_sum3A_1095, %reduce_sum3A_1096 [1, 2] : vector<1x512x1xf32> to vector<1xf32>
    %reduce_sum3A_1098 = vector.shape_cast %reduce_sum3A_1097 : vector<1xf32> to vector<1x1x1xf32>
    %reduce_sum3A_1099 = vector.extract %reduce_sum3A_1098[0, 0, 0] : f32 from vector<1x1x1xf32>
    %div3A_1100 = arith.constant 5.120000e+02 : f32
    %div3A_1101 = arith.divf %reduce_sum3A_1099, %div3A_1100 : f32
    %convert_element_type3A_1102 = arith.fptosi %div3A_1101 : f32 to i32
    %jit3A_1103 = arith.constant 0 : i32
    %jit3A_1104 = arith.constant 255 : i32
    %max3A_1105 = arith.maxsi %jit3A_1103, %convert_element_type3A_1102 : i32
    %min3A_1106 = arith.minsi %jit3A_1104, %max3A_1105 : i32
    %slice3A_1107 = vector.extract_strided_slice %mul3A_498 {offsets = [2560, 0], sizes = [512, 1], strides = [1, 1]} : vector<4096x1xf32> to vector<512x1xf32>
    %reduce_sum3A_1108 = vector.shape_cast %slice3A_1107 : vector<512x1xf32> to vector<1x512x1xf32>
    %reduce_sum3A_1109 = arith.constant dense<0.000000e+00> : vector<1xf32>
    %reduce_sum3A_1110 = vector.multi_reduction <add>, %reduce_sum3A_1108, %reduce_sum3A_1109 [1, 2] : vector<1x512x1xf32> to vector<1xf32>
    %reduce_sum3A_1111 = vector.shape_cast %reduce_sum3A_1110 : vector<1xf32> to vector<1x1x1xf32>
    %reduce_sum3A_1112 = vector.extract %reduce_sum3A_1111[0, 0, 0] : f32 from vector<1x1x1xf32>
    %div3A_1113 = arith.constant 5.120000e+02 : f32
    %div3A_1114 = arith.divf %reduce_sum3A_1112, %div3A_1113 : f32
    %convert_element_type3A_1115 = arith.fptosi %div3A_1114 : f32 to i32
    %jit3A_1116 = arith.constant 0 : i32
    %jit3A_1117 = arith.constant 255 : i32
    %max3A_1118 = arith.maxsi %jit3A_1116, %convert_element_type3A_1115 : i32
    %min3A_1119 = arith.minsi %jit3A_1117, %max3A_1118 : i32
    %eq3A_1120 = vector.broadcast %min3A_1106 : i32 to vector<1x256xi32>
    %eq3A_1121 = arith.cmpi eq, %iota3A_526, %eq3A_1120 : vector<1x256xi32>
    %convert_element_type3A_1122 = arith.extui %eq3A_1121 : vector<1x256xi1> to vector<1x256xi32>
    %convert_element_type3A_1123 = arith.sitofp %convert_element_type3A_1122 : vector<1x256xi32> to vector<1x256xf32>
    %eq3A_1124 = vector.broadcast %min3A_1119 : i32 to vector<1x256xi32>
    %eq3A_1125 = arith.cmpi eq, %iota3A_526, %eq3A_1124 : vector<1x256xi32>
    %convert_element_type3A_1126 = arith.extui %eq3A_1125 : vector<1x256xi1> to vector<1x256xi32>
    %convert_element_type3A_1127 = arith.sitofp %convert_element_type3A_1126 : vector<1x256xi32> to vector<1x256xf32>
    %dot_general3A_1128 = arith.constant dense<0.000000e+00> : vector<1x256xf32>
    %dot_general3A_1129 = tpu.matmul %convert_element_type3A_1123, %get3A_531, %dot_general3A_1128 {dimension_numbers = #tpu.dot_dimension_numbers<[1], [0], [0], [1], [0, 0, 1, 1], [], []>, transpose_lhs_hint = false} : vector<1x256xf32>, vector<256x256xf32>, vector<1x256xf32> -> vector<1x256xf32>
    %dot_general3A_1130 = arith.constant dense<0.000000e+00> : vector<1x256xf32>
    %dot_general3A_1131 = tpu.matmul %convert_element_type3A_1127, %get3A_534, %dot_general3A_1130 {dimension_numbers = #tpu.dot_dimension_numbers<[1], [0], [0], [1], [0, 0, 1, 1], [], []>, transpose_lhs_hint = false} : vector<1x256xf32>, vector<256x256xf32>, vector<1x256xf32> -> vector<1x256xf32>
    %add3A_1132 = arith.addf %dot_general3A_1129, %dot_general3A_1131 : vector<1x256xf32>
    %slice3A_1133 = vector.extract_strided_slice %get3A_1 {offsets = [2560, 0], sizes = [512, 256], strides = [1, 1]} : vector<4096x256xf32> to vector<512x256xf32>
    %add3A_1134 = vector.broadcast %add3A_1132 : vector<1x256xf32> to vector<512x256xf32>
    %add3A_1135 = arith.addf %slice3A_1133, %add3A_1134 : vector<512x256xf32>
    %swap3A_1136 = arith.constant 2560 : index
    %swap3A_1137 = arith.constant 0 : index
    %swap3A_1138 = vector.load %arg34[%swap3A_1136, %swap3A_1137] : memref<4608x256xf32, #tpu.memory_space<vmem>>, vector<512x256xf32>
    tpu.vector_store %arg34[%swap3A_1136, %swap3A_1137], %add3A_1135 {strides = array<i32>} : memref<4608x256xf32, #tpu.memory_space<vmem>>, vector<512x256xf32>,
    %broadcast_in_dim3A_1139 = vector.shape_cast %add3A_1132 : vector<1x256xf32> to vector<1x256xf32>
    %broadcast_in_dim3A_1140 = vector.broadcast %broadcast_in_dim3A_1139 : vector<1x256xf32> to vector<64x256xf32>
    %swap3A_1141 = arith.constant 4416 : index
    %swap3A_1142 = arith.constant 0 : index
    %swap3A_1143 = vector.load %arg34[%swap3A_1141, %swap3A_1142] : memref<4608x256xf32, #tpu.memory_space<vmem>>, vector<64x256xf32>
    tpu.vector_store %arg34[%swap3A_1141, %swap3A_1142], %broadcast_in_dim3A_1140 {strides = array<i32>} : memref<4608x256xf32, #tpu.memory_space<vmem>>, vector<64x256xf32>,
    %slice3A_1144 = vector.extract_strided_slice %max3A_512 {offsets = [3072, 0], sizes = [512, 1], strides = [1, 1]} : vector<4096x1xf32> to vector<512x1xf32>
    %dot_general3A_1145 = arith.constant dense<0.000000e+00> : vector<512x1xf32>
    %dot_general3A_1146 = tpu.matmul %convert_element_type3A_519, %slice3A_1144, %dot_general3A_1145 {dimension_numbers = #tpu.dot_dimension_numbers<[1], [0], [0], [1], [0, 0, 1, 1], [], []>, transpose_lhs_hint = false} : vector<512x512xf32>, vector<512x1xf32>, vector<512x1xf32> -> vector<512x1xf32>
    %slice3A_1147 = vector.extract_strided_slice %dot_general3A_1146 {offsets = [511, 0], sizes = [1, 1], strides = [1, 1]} : vector<512x1xf32> to vector<1x1xf32>
    %min3A_1148 = arith.constant 2.000000e+03 : f32
    %min3A_1149 = vector.broadcast %min3A_1148 : f32 to vector<1x1xf32>
    %min3A_1150 = arith.minimumf %slice3A_1147, %min3A_1149 : vector<1x1xf32>
    %convert_element_type3A_1151 = arith.fptosi %min3A_1150 : vector<1x1xf32> to vector<1x1xi32>
    %swap3A_1152 = arith.constant 6 : index
    %swap3A_1153 = arith.constant 0 : index
    %swap3A_1154 = vector.load %arg41[%swap3A_1152, %swap3A_1153] : memref<8x1xi32, #tpu.memory_space<vmem>>, vector<1x1xi32>
    tpu.vector_store %arg41[%swap3A_1152, %swap3A_1153], %convert_element_type3A_1151 {strides = array<i32>} : memref<8x1xi32, #tpu.memory_space<vmem>>, vector<1x1xi32>,
    %le3A_1155 = vector.broadcast %dot_general3A_1146 : vector<512x1xf32> to vector<512x2048xf32>
    %le3A_1156 = vector.broadcast %convert_element_type3A_521 : vector<1x2048xf32> to vector<512x2048xf32>
    %le3A_1157 = arith.cmpf ole, %le3A_1155, %le3A_1156 : vector<512x2048xf32>
    %convert_element_type3A_1158 = arith.extui %le3A_1157 : vector<512x2048xi1> to vector<512x2048xi32>
    %convert_element_type3A_1159 = arith.sitofp %convert_element_type3A_1158 : vector<512x2048xi32> to vector<512x2048xf32>
    %dot_general3A_1160 = arith.constant dense<0.000000e+00> : vector<1x2048xf32>
    %dot_general3A_1161 = tpu.matmul %broadcast_in_dim3A_528, %convert_element_type3A_1159, %dot_general3A_1160 {dimension_numbers = #tpu.dot_dimension_numbers<[1], [0], [0], [1], [0, 0, 1, 1], [], []>, transpose_lhs_hint = false} : vector<1x512xf32>, vector<512x2048xf32>, vector<1x2048xf32> -> vector<1x2048xf32>
    %lt3A_1162 = vector.broadcast %min3A_1150 : vector<1x1xf32> to vector<1x2048xf32>
    %lt3A_1163 = arith.cmpf olt, %convert_element_type3A_521, %lt3A_1162 : vector<1x2048xf32>
    %add3A_1164 = arith.constant 3.072000e+03 : f32
    %add3A_1165 = vector.broadcast %add3A_1164 : f32 to vector<1x2048xf32>
    %add3A_1166 = arith.addf %dot_general3A_1161, %add3A_1165 : vector<1x2048xf32>
    %convert_element_type3A_1167 = arith.sitofp %and3A_525 : vector<1x2048xi32> to vector<1x2048xf32>
    %add3A_1168 = arith.constant 4.480000e+03 : f32
    %add3A_1169 = vector.broadcast %add3A_1168 : f32 to vector<1x2048xf32>
    %add3A_1170 = arith.addf %add3A_1169, %convert_element_type3A_1167 : vector<1x2048xf32>
    %select_n3A_1171 = arith.select %lt3A_1163, %add3A_1166, %add3A_1170 : vector<1x2048xi1>, vector<1x2048xf32>
    %convert_element_type3A_1172 = arith.fptosi %select_n3A_1171 : vector<1x2048xf32> to vector<1x2048xi32>
    %slice3A_1173 = vector.extract_strided_slice %convert_element_type3A_1172 {offsets = [0, 0], sizes = [1, 512], strides = [1, 1]} : vector<1x2048xi32> to vector<1x512xi32>
    %swap3A_1174 = arith.constant 24 : index
    %swap3A_1175 = arith.constant 0 : index
    %swap3A_1176 = vector.load %arg39[%swap3A_1174, %swap3A_1175] : memref<32x512xi32, #tpu.memory_space<vmem>>, vector<1x512xi32>
    tpu.vector_store %arg39[%swap3A_1174, %swap3A_1175], %slice3A_1173 {strides = array<i32>} : memref<32x512xi32, #tpu.memory_space<vmem>>, vector<1x512xi32>,
    %slice3A_1177 = vector.extract_strided_slice %convert_element_type3A_1172 {offsets = [0, 496], sizes = [1, 512], strides = [1, 1]} : vector<1x2048xi32> to vector<1x512xi32>
    %swap3A_1178 = arith.constant 25 : index
    %swap3A_1179 = arith.constant 0 : index
    %swap3A_1180 = vector.load %arg39[%swap3A_1178, %swap3A_1179] : memref<32x512xi32, #tpu.memory_space<vmem>>, vector<1x512xi32>
    tpu.vector_store %arg39[%swap3A_1178, %swap3A_1179], %slice3A_1177 {strides = array<i32>} : memref<32x512xi32, #tpu.memory_space<vmem>>, vector<1x512xi32>,
    %slice3A_1181 = vector.extract_strided_slice %convert_element_type3A_1172 {offsets = [0, 992], sizes = [1, 512], strides = [1, 1]} : vector<1x2048xi32> to vector<1x512xi32>
    %swap3A_1182 = arith.constant 26 : index
    %swap3A_1183 = arith.constant 0 : index
    %swap3A_1184 = vector.load %arg39[%swap3A_1182, %swap3A_1183] : memref<32x512xi32, #tpu.memory_space<vmem>>, vector<1x512xi32>
    tpu.vector_store %arg39[%swap3A_1182, %swap3A_1183], %slice3A_1181 {strides = array<i32>} : memref<32x512xi32, #tpu.memory_space<vmem>>, vector<1x512xi32>,
    %slice3A_1185 = vector.extract_strided_slice %convert_element_type3A_1172 {offsets = [0, 1488], sizes = [1, 512], strides = [1, 1]} : vector<1x2048xi32> to vector<1x512xi32>
    %swap3A_1186 = arith.constant 27 : index
    %swap3A_1187 = arith.constant 0 : index
    %swap3A_1188 = vector.load %arg39[%swap3A_1186, %swap3A_1187] : memref<32x512xi32, #tpu.memory_space<vmem>>, vector<1x512xi32>
    tpu.vector_store %arg39[%swap3A_1186, %swap3A_1187], %slice3A_1185 {strides = array<i32>} : memref<32x512xi32, #tpu.memory_space<vmem>>, vector<1x512xi32>,
    %ge3A_1189 = vector.broadcast %min3A_1150 : vector<1x1xf32> to vector<1x2048xf32>
    %ge3A_1190 = arith.cmpf oge, %convert_element_type3A_521, %ge3A_1189 : vector<1x2048xf32>
    %convert_element_type3A_1191 = arith.extui %ge3A_1190 : vector<1x2048xi1> to vector<1x2048xi32>
    %slice3A_1192 = vector.extract_strided_slice %convert_element_type3A_1191 {offsets = [0, 0], sizes = [1, 2000], strides = [1, 1]} : vector<1x2048xi32> to vector<1x2000xi32>
    %swap3A_1193 = arith.constant 6 : index
    %swap3A_1194 = arith.constant 0 : index
    %swap3A_1195 = vector.load %arg40[%swap3A_1193, %swap3A_1194] : memref<8x2000xi32, #tpu.memory_space<vmem>>, vector<1x2000xi32>
    tpu.vector_store %arg40[%swap3A_1193, %swap3A_1194], %slice3A_1192 {strides = array<i32>} : memref<8x2000xi32, #tpu.memory_space<vmem>>, vector<1x2000xi32>,
    %slice3A_1196 = vector.extract_strided_slice %mul3A_332 {offsets = [3072, 0], sizes = [512, 1], strides = [1, 1]} : vector<4096x1xf32> to vector<512x1xf32>
    %reduce_sum3A_1197 = vector.shape_cast %slice3A_1196 : vector<512x1xf32> to vector<1x512x1xf32>
    %reduce_sum3A_1198 = arith.constant dense<0.000000e+00> : vector<1xf32>
    %reduce_sum3A_1199 = vector.multi_reduction <add>, %reduce_sum3A_1197, %reduce_sum3A_1198 [1, 2] : vector<1x512x1xf32> to vector<1xf32>
    %reduce_sum3A_1200 = vector.shape_cast %reduce_sum3A_1199 : vector<1xf32> to vector<1x1x1xf32>
    %reduce_sum3A_1201 = vector.extract %reduce_sum3A_1200[0, 0, 0] : f32 from vector<1x1x1xf32>
    %div3A_1202 = arith.constant 5.120000e+02 : f32
    %div3A_1203 = arith.divf %reduce_sum3A_1201, %div3A_1202 : f32
    %convert_element_type3A_1204 = arith.fptosi %div3A_1203 : f32 to i32
    %jit3A_1205 = arith.constant 0 : i32
    %jit3A_1206 = arith.constant 255 : i32
    %max3A_1207 = arith.maxsi %jit3A_1205, %convert_element_type3A_1204 : i32
    %min3A_1208 = arith.minsi %jit3A_1206, %max3A_1207 : i32
    %slice3A_1209 = vector.extract_strided_slice %mul3A_498 {offsets = [3072, 0], sizes = [512, 1], strides = [1, 1]} : vector<4096x1xf32> to vector<512x1xf32>
    %reduce_sum3A_1210 = vector.shape_cast %slice3A_1209 : vector<512x1xf32> to vector<1x512x1xf32>
    %reduce_sum3A_1211 = arith.constant dense<0.000000e+00> : vector<1xf32>
    %reduce_sum3A_1212 = vector.multi_reduction <add>, %reduce_sum3A_1210, %reduce_sum3A_1211 [1, 2] : vector<1x512x1xf32> to vector<1xf32>
    %reduce_sum3A_1213 = vector.shape_cast %reduce_sum3A_1212 : vector<1xf32> to vector<1x1x1xf32>
    %reduce_sum3A_1214 = vector.extract %reduce_sum3A_1213[0, 0, 0] : f32 from vector<1x1x1xf32>
    %div3A_1215 = arith.constant 5.120000e+02 : f32
    %div3A_1216 = arith.divf %reduce_sum3A_1214, %div3A_1215 : f32
    %convert_element_type3A_1217 = arith.fptosi %div3A_1216 : f32 to i32
    %jit3A_1218 = arith.constant 0 : i32
    %jit3A_1219 = arith.constant 255 : i32
    %max3A_1220 = arith.maxsi %jit3A_1218, %convert_element_type3A_1217 : i32
    %min3A_1221 = arith.minsi %jit3A_1219, %max3A_1220 : i32
    %eq3A_1222 = vector.broadcast %min3A_1208 : i32 to vector<1x256xi32>
    %eq3A_1223 = arith.cmpi eq, %iota3A_526, %eq3A_1222 : vector<1x256xi32>
    %convert_element_type3A_1224 = arith.extui %eq3A_1223 : vector<1x256xi1> to vector<1x256xi32>
    %convert_element_type3A_1225 = arith.sitofp %convert_element_type3A_1224 : vector<1x256xi32> to vector<1x256xf32>
    %eq3A_1226 = vector.broadcast %min3A_1221 : i32 to vector<1x256xi32>
    %eq3A_1227 = arith.cmpi eq, %iota3A_526, %eq3A_1226 : vector<1x256xi32>
    %convert_element_type3A_1228 = arith.extui %eq3A_1227 : vector<1x256xi1> to vector<1x256xi32>
    %convert_element_type3A_1229 = arith.sitofp %convert_element_type3A_1228 : vector<1x256xi32> to vector<1x256xf32>
    %dot_general3A_1230 = arith.constant dense<0.000000e+00> : vector<1x256xf32>
    %dot_general3A_1231 = tpu.matmul %convert_element_type3A_1225, %get3A_531, %dot_general3A_1230 {dimension_numbers = #tpu.dot_dimension_numbers<[1], [0], [0], [1], [0, 0, 1, 1], [], []>, transpose_lhs_hint = false} : vector<1x256xf32>, vector<256x256xf32>, vector<1x256xf32> -> vector<1x256xf32>
    %dot_general3A_1232 = arith.constant dense<0.000000e+00> : vector<1x256xf32>
    %dot_general3A_1233 = tpu.matmul %convert_element_type3A_1229, %get3A_534, %dot_general3A_1232 {dimension_numbers = #tpu.dot_dimension_numbers<[1], [0], [0], [1], [0, 0, 1, 1], [], []>, transpose_lhs_hint = false} : vector<1x256xf32>, vector<256x256xf32>, vector<1x256xf32> -> vector<1x256xf32>
    %add3A_1234 = arith.addf %dot_general3A_1231, %dot_general3A_1233 : vector<1x256xf32>
    %slice3A_1235 = vector.extract_strided_slice %get3A_1 {offsets = [3072, 0], sizes = [512, 256], strides = [1, 1]} : vector<4096x256xf32> to vector<512x256xf32>
    %add3A_1236 = vector.broadcast %add3A_1234 : vector<1x256xf32> to vector<512x256xf32>
    %add3A_1237 = arith.addf %slice3A_1235, %add3A_1236 : vector<512x256xf32>
    %swap3A_1238 = arith.constant 3072 : index
    %swap3A_1239 = arith.constant 0 : index
    %swap3A_1240 = vector.load %arg34[%swap3A_1238, %swap3A_1239] : memref<4608x256xf32, #tpu.memory_space<vmem>>, vector<512x256xf32>
    tpu.vector_store %arg34[%swap3A_1238, %swap3A_1239], %add3A_1237 {strides = array<i32>} : memref<4608x256xf32, #tpu.memory_space<vmem>>, vector<512x256xf32>,
    %broadcast_in_dim3A_1241 = vector.shape_cast %add3A_1234 : vector<1x256xf32> to vector<1x256xf32>
    %broadcast_in_dim3A_1242 = vector.broadcast %broadcast_in_dim3A_1241 : vector<1x256xf32> to vector<64x256xf32>
    %swap3A_1243 = arith.constant 4480 : index
    %swap3A_1244 = arith.constant 0 : index
    %swap3A_1245 = vector.load %arg34[%swap3A_1243, %swap3A_1244] : memref<4608x256xf32, #tpu.memory_space<vmem>>, vector<64x256xf32>
    tpu.vector_store %arg34[%swap3A_1243, %swap3A_1244], %broadcast_in_dim3A_1242 {strides = array<i32>} : memref<4608x256xf32, #tpu.memory_space<vmem>>, vector<64x256xf32>,
    %slice3A_1246 = vector.extract_strided_slice %max3A_512 {offsets = [3584, 0], sizes = [512, 1], strides = [1, 1]} : vector<4096x1xf32> to vector<512x1xf32>
    %dot_general3A_1247 = arith.constant dense<0.000000e+00> : vector<512x1xf32>
    %dot_general3A_1248 = tpu.matmul %convert_element_type3A_519, %slice3A_1246, %dot_general3A_1247 {dimension_numbers = #tpu.dot_dimension_numbers<[1], [0], [0], [1], [0, 0, 1, 1], [], []>, transpose_lhs_hint = false} : vector<512x512xf32>, vector<512x1xf32>, vector<512x1xf32> -> vector<512x1xf32>
    %slice3A_1249 = vector.extract_strided_slice %dot_general3A_1248 {offsets = [511, 0], sizes = [1, 1], strides = [1, 1]} : vector<512x1xf32> to vector<1x1xf32>
    %min3A_1250 = arith.constant 2.000000e+03 : f32
    %min3A_1251 = vector.broadcast %min3A_1250 : f32 to vector<1x1xf32>
    %min3A_1252 = arith.minimumf %slice3A_1249, %min3A_1251 : vector<1x1xf32>
    %convert_element_type3A_1253 = arith.fptosi %min3A_1252 : vector<1x1xf32> to vector<1x1xi32>
    %swap3A_1254 = arith.constant 7 : index
    %swap3A_1255 = arith.constant 0 : index
    %swap3A_1256 = vector.load %arg41[%swap3A_1254, %swap3A_1255] : memref<8x1xi32, #tpu.memory_space<vmem>>, vector<1x1xi32>
    tpu.vector_store %arg41[%swap3A_1254, %swap3A_1255], %convert_element_type3A_1253 {strides = array<i32>} : memref<8x1xi32, #tpu.memory_space<vmem>>, vector<1x1xi32>,
    %le3A_1257 = vector.broadcast %dot_general3A_1248 : vector<512x1xf32> to vector<512x2048xf32>
    %le3A_1258 = vector.broadcast %convert_element_type3A_521 : vector<1x2048xf32> to vector<512x2048xf32>
    %le3A_1259 = arith.cmpf ole, %le3A_1257, %le3A_1258 : vector<512x2048xf32>
    %convert_element_type3A_1260 = arith.extui %le3A_1259 : vector<512x2048xi1> to vector<512x2048xi32>
    %convert_element_type3A_1261 = arith.sitofp %convert_element_type3A_1260 : vector<512x2048xi32> to vector<512x2048xf32>
    %dot_general3A_1262 = arith.constant dense<0.000000e+00> : vector<1x2048xf32>
    %dot_general3A_1263 = tpu.matmul %broadcast_in_dim3A_528, %convert_element_type3A_1261, %dot_general3A_1262 {dimension_numbers = #tpu.dot_dimension_numbers<[1], [0], [0], [1], [0, 0, 1, 1], [], []>, transpose_lhs_hint = false} : vector<1x512xf32>, vector<512x2048xf32>, vector<1x2048xf32> -> vector<1x2048xf32>
    %lt3A_1264 = vector.broadcast %min3A_1252 : vector<1x1xf32> to vector<1x2048xf32>
    %lt3A_1265 = arith.cmpf olt, %convert_element_type3A_521, %lt3A_1264 : vector<1x2048xf32>
    %add3A_1266 = arith.constant 3.584000e+03 : f32
    %add3A_1267 = vector.broadcast %add3A_1266 : f32 to vector<1x2048xf32>
    %add3A_1268 = arith.addf %dot_general3A_1263, %add3A_1267 : vector<1x2048xf32>
    %convert_element_type3A_1269 = arith.sitofp %and3A_525 : vector<1x2048xi32> to vector<1x2048xf32>
    %add3A_1270 = arith.constant 4.544000e+03 : f32
    %add3A_1271 = vector.broadcast %add3A_1270 : f32 to vector<1x2048xf32>
    %add3A_1272 = arith.addf %add3A_1271, %convert_element_type3A_1269 : vector<1x2048xf32>
    %select_n3A_1273 = arith.select %lt3A_1265, %add3A_1268, %add3A_1272 : vector<1x2048xi1>, vector<1x2048xf32>
    %convert_element_type3A_1274 = arith.fptosi %select_n3A_1273 : vector<1x2048xf32> to vector<1x2048xi32>
    %slice3A_1275 = vector.extract_strided_slice %convert_element_type3A_1274 {offsets = [0, 0], sizes = [1, 512], strides = [1, 1]} : vector<1x2048xi32> to vector<1x512xi32>
    %swap3A_1276 = arith.constant 28 : index
    %swap3A_1277 = arith.constant 0 : index
    %swap3A_1278 = vector.load %arg39[%swap3A_1276, %swap3A_1277] : memref<32x512xi32, #tpu.memory_space<vmem>>, vector<1x512xi32>
    tpu.vector_store %arg39[%swap3A_1276, %swap3A_1277], %slice3A_1275 {strides = array<i32>} : memref<32x512xi32, #tpu.memory_space<vmem>>, vector<1x512xi32>,
    %slice3A_1279 = vector.extract_strided_slice %convert_element_type3A_1274 {offsets = [0, 496], sizes = [1, 512], strides = [1, 1]} : vector<1x2048xi32> to vector<1x512xi32>
    %swap3A_1280 = arith.constant 29 : index
    %swap3A_1281 = arith.constant 0 : index
    %swap3A_1282 = vector.load %arg39[%swap3A_1280, %swap3A_1281] : memref<32x512xi32, #tpu.memory_space<vmem>>, vector<1x512xi32>
    tpu.vector_store %arg39[%swap3A_1280, %swap3A_1281], %slice3A_1279 {strides = array<i32>} : memref<32x512xi32, #tpu.memory_space<vmem>>, vector<1x512xi32>,
    %slice3A_1283 = vector.extract_strided_slice %convert_element_type3A_1274 {offsets = [0, 992], sizes = [1, 512], strides = [1, 1]} : vector<1x2048xi32> to vector<1x512xi32>
    %swap3A_1284 = arith.constant 30 : index
    %swap3A_1285 = arith.constant 0 : index
    %swap3A_1286 = vector.load %arg39[%swap3A_1284, %swap3A_1285] : memref<32x512xi32, #tpu.memory_space<vmem>>, vector<1x512xi32>
    tpu.vector_store %arg39[%swap3A_1284, %swap3A_1285], %slice3A_1283 {strides = array<i32>} : memref<32x512xi32, #tpu.memory_space<vmem>>, vector<1x512xi32>,
    %slice3A_1287 = vector.extract_strided_slice %convert_element_type3A_1274 {offsets = [0, 1488], sizes = [1, 512], strides = [1, 1]} : vector<1x2048xi32> to vector<1x512xi32>
    %swap3A_1288 = arith.constant 31 : index
    %swap3A_1289 = arith.constant 0 : index
    %swap3A_1290 = vector.load %arg39[%swap3A_1288, %swap3A_1289] : memref<32x512xi32, #tpu.memory_space<vmem>>, vector<1x512xi32>
    tpu.vector_store %arg39[%swap3A_1288, %swap3A_1289], %slice3A_1287 {strides = array<i32>} : memref<32x512xi32, #tpu.memory_space<vmem>>, vector<1x512xi32>,
    %ge3A_1291 = vector.broadcast %min3A_1252 : vector<1x1xf32> to vector<1x2048xf32>
    %ge3A_1292 = arith.cmpf oge, %convert_element_type3A_521, %ge3A_1291 : vector<1x2048xf32>
    %convert_element_type3A_1293 = arith.extui %ge3A_1292 : vector<1x2048xi1> to vector<1x2048xi32>
    %slice3A_1294 = vector.extract_strided_slice %convert_element_type3A_1293 {offsets = [0, 0], sizes = [1, 2000], strides = [1, 1]} : vector<1x2048xi32> to vector<1x2000xi32>
    %swap3A_1295 = arith.constant 7 : index
    %swap3A_1296 = arith.constant 0 : index
    %swap3A_1297 = vector.load %arg40[%swap3A_1295, %swap3A_1296] : memref<8x2000xi32, #tpu.memory_space<vmem>>, vector<1x2000xi32>
    tpu.vector_store %arg40[%swap3A_1295, %swap3A_1296], %slice3A_1294 {strides = array<i32>} : memref<8x2000xi32, #tpu.memory_space<vmem>>, vector<1x2000xi32>,
    %slice3A_1298 = vector.extract_strided_slice %mul3A_332 {offsets = [3584, 0], sizes = [512, 1], strides = [1, 1]} : vector<4096x1xf32> to vector<512x1xf32>
    %reduce_sum3A_1299 = vector.shape_cast %slice3A_1298 : vector<512x1xf32> to vector<1x512x1xf32>
    %reduce_sum3A_1300 = arith.constant dense<0.000000e+00> : vector<1xf32>
    %reduce_sum3A_1301 = vector.multi_reduction <add>, %reduce_sum3A_1299, %reduce_sum3A_1300 [1, 2] : vector<1x512x1xf32> to vector<1xf32>
    %reduce_sum3A_1302 = vector.shape_cast %reduce_sum3A_1301 : vector<1xf32> to vector<1x1x1xf32>
    %reduce_sum3A_1303 = vector.extract %reduce_sum3A_1302[0, 0, 0] : f32 from vector<1x1x1xf32>
    %div3A_1304 = arith.constant 5.120000e+02 : f32
    %div3A_1305 = arith.divf %reduce_sum3A_1303, %div3A_1304 : f32
    %convert_element_type3A_1306 = arith.fptosi %div3A_1305 : f32 to i32
    %jit3A_1307 = arith.constant 0 : i32
    %jit3A_1308 = arith.constant 255 : i32
    %max3A_1309 = arith.maxsi %jit3A_1307, %convert_element_type3A_1306 : i32
    %min3A_1310 = arith.minsi %jit3A_1308, %max3A_1309 : i32
    %slice3A_1311 = vector.extract_strided_slice %mul3A_498 {offsets = [3584, 0], sizes = [512, 1], strides = [1, 1]} : vector<4096x1xf32> to vector<512x1xf32>
    %reduce_sum3A_1312 = vector.shape_cast %slice3A_1311 : vector<512x1xf32> to vector<1x512x1xf32>
    %reduce_sum3A_1313 = arith.constant dense<0.000000e+00> : vector<1xf32>
    %reduce_sum3A_1314 = vector.multi_reduction <add>, %reduce_sum3A_1312, %reduce_sum3A_1313 [1, 2] : vector<1x512x1xf32> to vector<1xf32>
    %reduce_sum3A_1315 = vector.shape_cast %reduce_sum3A_1314 : vector<1xf32> to vector<1x1x1xf32>
    %reduce_sum3A_1316 = vector.extract %reduce_sum3A_1315[0, 0, 0] : f32 from vector<1x1x1xf32>
    %div3A_1317 = arith.constant 5.120000e+02 : f32
    %div3A_1318 = arith.divf %reduce_sum3A_1316, %div3A_1317 : f32
    %convert_element_type3A_1319 = arith.fptosi %div3A_1318 : f32 to i32
    %jit3A_1320 = arith.constant 0 : i32
    %jit3A_1321 = arith.constant 255 : i32
    %max3A_1322 = arith.maxsi %jit3A_1320, %convert_element_type3A_1319 : i32
    %min3A_1323 = arith.minsi %jit3A_1321, %max3A_1322 : i32
    %eq3A_1324 = vector.broadcast %min3A_1310 : i32 to vector<1x256xi32>
    %eq3A_1325 = arith.cmpi eq, %iota3A_526, %eq3A_1324 : vector<1x256xi32>
    %convert_element_type3A_1326 = arith.extui %eq3A_1325 : vector<1x256xi1> to vector<1x256xi32>
    %convert_element_type3A_1327 = arith.sitofp %convert_element_type3A_1326 : vector<1x256xi32> to vector<1x256xf32>
    %eq3A_1328 = vector.broadcast %min3A_1323 : i32 to vector<1x256xi32>
    %eq3A_1329 = arith.cmpi eq, %iota3A_526, %eq3A_1328 : vector<1x256xi32>
    %convert_element_type3A_1330 = arith.extui %eq3A_1329 : vector<1x256xi1> to vector<1x256xi32>
    %convert_element_type3A_1331 = arith.sitofp %convert_element_type3A_1330 : vector<1x256xi32> to vector<1x256xf32>
    %dot_general3A_1332 = arith.constant dense<0.000000e+00> : vector<1x256xf32>
    %dot_general3A_1333 = tpu.matmul %convert_element_type3A_1327, %get3A_531, %dot_general3A_1332 {dimension_numbers = #tpu.dot_dimension_numbers<[1], [0], [0], [1], [0, 0, 1, 1], [], []>, transpose_lhs_hint = false} : vector<1x256xf32>, vector<256x256xf32>, vector<1x256xf32> -> vector<1x256xf32>
    %dot_general3A_1334 = arith.constant dense<0.000000e+00> : vector<1x256xf32>
    %dot_general3A_1335 = tpu.matmul %convert_element_type3A_1331, %get3A_534, %dot_general3A_1334 {dimension_numbers = #tpu.dot_dimension_numbers<[1], [0], [0], [1], [0, 0, 1, 1], [], []>, transpose_lhs_hint = false} : vector<1x256xf32>, vector<256x256xf32>, vector<1x256xf32> -> vector<1x256xf32>
    %add3A_1336 = arith.addf %dot_general3A_1333, %dot_general3A_1335 : vector<1x256xf32>
    %slice3A_1337 = vector.extract_strided_slice %get3A_1 {offsets = [3584, 0], sizes = [512, 256], strides = [1, 1]} : vector<4096x256xf32> to vector<512x256xf32>
    %add3A_1338 = vector.broadcast %add3A_1336 : vector<1x256xf32> to vector<512x256xf32>
    %add3A_1339 = arith.addf %slice3A_1337, %add3A_1338 : vector<512x256xf32>
    %swap3A_1340 = arith.constant 3584 : index
    %swap3A_1341 = arith.constant 0 : index
    %swap3A_1342 = vector.load %arg34[%swap3A_1340, %swap3A_1341] : memref<4608x256xf32, #tpu.memory_space<vmem>>, vector<512x256xf32>
    tpu.vector_store %arg34[%swap3A_1340, %swap3A_1341], %add3A_1339 {strides = array<i32>} : memref<4608x256xf32, #tpu.memory_space<vmem>>, vector<512x256xf32>,
    %broadcast_in_dim3A_1343 = vector.shape_cast %add3A_1336 : vector<1x256xf32> to vector<1x256xf32>
    %broadcast_in_dim3A_1344 = vector.broadcast %broadcast_in_dim3A_1343 : vector<1x256xf32> to vector<64x256xf32>
    %swap3A_1345 = arith.constant 4544 : index
    %swap3A_1346 = arith.constant 0 : index
    %swap3A_1347 = vector.load %arg34[%swap3A_1345, %swap3A_1346] : memref<4608x256xf32, #tpu.memory_space<vmem>>, vector<64x256xf32>
    tpu.vector_store %arg34[%swap3A_1345, %swap3A_1346], %broadcast_in_dim3A_1344 {strides = array<i32>} : memref<4608x256xf32, #tpu.memory_space<vmem>>, vector<64x256xf32>,
    return
  }
}

</mosaic_0001>

<sc_bundles>
// kernel: kernel.4.cloned.1.call-start
scs
__scs_entry_jumppad:
0x0: {  	(pc) =	sbr.rel $0x88, $3  }
0x1: {  	(tag) =	ssettag $0x0;
	lr =	simm.s32 $0x1  }
0x2: {  	[smem:$0x3F7F] =	sst lr;
	_ =	strace $0xD0000000  }
0x3: {  	_ = 	snop  }
0x4: {  	_ = 	snop  }
0x5: {  	_ = 	snop  }
0x6: {  	_ = 	snop  }
0x7: {  	_ = 	snop  }
__scs_overlays_trampoline_lowered:
0x8: {  	[smem:$0x3F8E] =	sst s0  }
0x9: {  	[smem:$0x3F8F] =	sst s1  }
0xa: {  	[smem:$0x3F90] =	sst s2  }
0xb: {  	[smem:$0x3F91] =	sst s3  }
0xc: {  	[smem:$0x3F92] =	sst s4  }
0xd: {  	[smem:$0x3F93] =	sst s5  }
0xe: {  	[smem:$0x3F94] =	sst s6  }
0xf: {  	[smem:$0x3F95] =	sst s7  }
0x10: {  	[smem:$0x3F96] =	sst s8  }
0x11: {  	[smem:$0x3F97] =	sst s9;
	s0 =	simm.s32 @!p0 $0x0  }
0x12: {  	s1 =	sld [smem:$0x3F7D];
	s0 =	simm.s32 @p0 $0x1  }
0x13: {  	[smem:$0x3F98] =	sst s0;
	s0 =	simm.s32 @!p1 $0x0  }
0x14: {  	s2 =	sld [smem:$0x3F7C];
	s0 =	simm.s32 @p1 $0x1  }
0x15: {  	[smem:$0x3F99] =	sst s0;
	s0 =	simm.s32 @!p2 $0x0  }
0x16: {  	s3 =	sld [smem:$0x3FDB];
	s0 =	simm.s32 @p2 $0x1  }
0x17: {  	s4 =	simm.s32 $0x1BF5;
	[smem:$0x3F9B] =	sst s0  }
0x18: {  	s0 =	sld [smem:$0x3F7E];
	_ =	swait.ge [sflag:s4], $0x0  }
0x19: {  	s7 =	sld [smem:$0x3F7F]  }
0x1a: {  	s8 =	sadd.s32 $0xFFFFE003, lr  }
0x1b: {  	s9 =	sadd.s32 $0xFFFFFEF7, lr;
	s5 =	simm.s32 $0xFFFFFFFF;
	p2 =	slt.u32 s8, $0xFFFFF086  }
0x1c: {  	p1 =	slt.u32 s9, $0xF7A;
	s5 =	simm.s32 @!p2 $0x0  }
0x1d: {  	s5 =	simm.s32 @p1 $0x1;
	p0 =	seq.s32 s7, s2  }
0x1e: {  	s7 =	smul.u32 @!p0 $0xF7A, s2;
	p2 =	seq.s32 @!p0 s5, $0x0  }
0x1f: {  	s9 =	smul.u32 $0xF7A, s1;
	s8 =	simm.s32 @!p0 $0x1BF5;
	p2 =	por !p2, p0  }
0x20: {  	[sflag:s8] =	ssyncset.s32 @!p0 $0xFFFFF086;
	s6 =	sadd.s32 @!p0 s3, s7;
	s7 =	simm.s32 @!p0 $0x108  }
0x21: {  	s3 =	sadd.s32 s3, s9;
	s6 =	sadd.s32 @!p0 $0x88, s6;
	s7 =	simm.s32 @p2 $0x1082  }
0x22: {  	[simem:s7], [sflag:s8] =	dma.local @!p0 [hbm:s6], $0xF7A  }
0x23: {  	s9 =	sor.u32 $0xD0000000, s2;
	s6 =	simm.s32 $0x108;
	_ =	swait.ge @!p0 [sflag:s8], $0x0  }
0x24: {  	s3 =	sadd.s32 $0x88, s3;
	s6 =	simm.s32 @!p1 $0x1082;
	[sflag:s4] =	ssyncset.s32 $0xFFFFF086  }
0x25: {  	[simem:s6], [sflag:s4] =	dma.local [hbm:s3], $0xF7A  }
0x26: {  	[smem:$0x3F7F] =	sst s1;
	(tag) =	ssettag s2;
	_ =	strace s9  }
0x27: {  	s1 =	sld [smem:$0x3F8F]  }
0x28: {  	s2 =	sld [smem:$0x3F90]  }
0x29: {  	s4 =	sld [smem:$0x3F92]  }
0x2a: {  	p0 =	seq.s32 s5, $0x0;
	s5 =	sld [smem:$0x3F93]  }
0x2b: {  	s6 =	sld [smem:$0x3F94]  }
0x2c: {  	s7 =	sld [smem:$0x3F95]  }
0x2d: {  	s3 =	simm.s32 $0x108;
	s8 =	sld [smem:$0x3F96]  }
0x2e: {  	s3 =	simm.s32 @!p0 $0x1082;
	s9 =	sld [smem:$0x3F97]  }
0x2f: {  	lr =	sadd.s32 s0, s3;
	s0 =	sld [smem:$0x3F8E]  }
0x30: {  	s3 =	sld [smem:$0x3F91]  }
0x31: {  	[smem:$0x3F9A] =	sst s10  }
0x32: {  	s10 =	sld [smem:$0x3F98];
	_ =	sdelay $0x3  }
0x33: {  	p0 =	seq.s32 s10, $0x1;
	s10 =	sld [smem:$0x3F9A];
	_ =	sdelay $0x3  }
0x34: {  	[smem:$0x3F9A] =	sst s10  }
0x35: {  	s10 =	sld [smem:$0x3F99];
	_ =	sdelay $0x3  }
0x36: {  	p1 =	seq.s32 s10, $0x1;
	s10 =	sld [smem:$0x3F9A];
	_ =	sdelay $0x3  }
0x37: {  	[smem:$0x3F9A] =	sst s10  }
0x38: {  	s10 =	sld [smem:$0x3F9B]  }
0x39: {  	_ = 	snop;
	(pc) =	sbr.ind lr, $3  }
0x3a: {  	_ = 	snop  }
0x3b: {  	_ = 	snop  }
0x3c: {  	p2 =	seq.s32 s10, $0x1;
	s10 =	sld [smem:$0x3F9A]  }
0x3d: {  	_ =	shalt  }
0x3e: {  	_ =	shalt  }
0x3f: {  	_ =	shalt  }
0x40: {  	_ =	shalt  }
0x41: {  	_ =	shalt  }
0x42: {  	_ =	shalt  }
0x43: {  	_ =	shalt  }
0x44: {  	_ =	shalt  }
0x45: {  	_ =	shalt  }
0x46: {  	_ =	shalt  }
0x47: {  	_ =	shalt  }
0x48: {  	_ =	shalt  }
0x49: {  	_ =	shalt  }
0x4a: {  	_ =	shalt  }
0x4b: {  	_ =	shalt  }
0x4c: {  	_ =	shalt  }
0x4d: {  	_ =	shalt  }
0x4e: {  	_ =	shalt  }
0x4f: {  	_ =	shalt  }
0x50: {  	_ =	shalt  }
0x51: {  	_ =	shalt  }
0x52: {  	_ =	shalt  }
0x53: {  	_ =	shalt  }
0x54: {  	_ =	shalt  }
0x55: {  	_ =	shalt  }
0x56: {  	_ =	shalt  }
0x57: {  	_ =	shalt  }
0x58: {  	_ =	shalt  }
0x59: {  	_ =	shalt  }
0x5a: {  	_ =	shalt  }
0x5b: {  	_ =	shalt  }
0x5c: {  	_ =	shalt  }
0x5d: {  	_ =	shalt  }
0x5e: {  	_ =	shalt  }
0x5f: {  	_ =	shalt  }
0x60: {  	_ =	shalt  }
0x61: {  	_ =	shalt  }
0x62: {  	_ =	shalt  }
0x63: {  	_ =	shalt  }
0x64: {  	_ =	shalt  }
0x65: {  	_ =	shalt  }
0x66: {  	_ =	shalt  }
0x67: {  	_ =	shalt  }
0x68: {  	_ =	shalt  }
0x69: {  	_ =	shalt  }
0x6a: {  	_ =	shalt  }
0x6b: {  	_ =	shalt  }
0x6c: {  	_ =	shalt  }
0x6d: {  	_ =	shalt  }
0x6e: {  	_ =	shalt  }
0x6f: {  	_ =	shalt  }
0x70: {  	_ =	shalt  }
0x71: {  	_ =	shalt  }
0x72: {  	_ =	shalt  }
0x73: {  	_ =	shalt  }
0x74: {  	_ =	shalt  }
0x75: {  	_ =	shalt  }
0x76: {  	_ =	shalt  }
0x77: {  	_ =	shalt  }
0x78: {  	_ =	shalt  }
0x79: {  	_ =	shalt  }
0x7a: {  	_ =	shalt  }
0x7b: {  	_ =	shalt  }
0x7c: {  	_ =	shalt  }
0x7d: {  	_ =	shalt  }
0x7e: {  	_ =	shalt  }
0x7f: {  	_ =	shalt  }
0x80: {  	_ =	shalt  }
0x81: {  	_ =	shalt  }
0x82: {  	_ =	shalt  }
0x83: {  	_ =	shalt  }
0x84: {  	_ =	shalt  }
0x85: {  	_ =	shalt  }
0x86: {  	_ =	shalt  }
0x87: {  	_ =	shalt  }
.Lfunc_end0:
.L_simem_size_0:
called_computation_lowered:
.L_overlay_start_0:
0x88: {  	s2 =	sld [smem:$0x3FD9]  }
0x89: {  	s3 =	sld [smem:$0x3FFE];
	_ =	sdelay $0x1  }
0x8a: {  	s1 =	srdreg.scid  }
0x8b: {  	s0 =	sand.u32 $0x1, s1  }
0x8c: {  	s14 =	sshll.u32 s0, $0xA;
	s2 =	sadd.s32 s3, s2  }
0x8d: {  	s2 =	sadd.s32 s2, s14  }
0x8e: {  	[smem:$0x3FA6] =	sst s2  }
0x8f: {  	_ = 	snop  }
0x90: {  	s2 =	sld [smem:$0x3FD0];
	_ =	sdelay $0x2  }
0x91: {  	s15 =	simm.s32 $0xA;
	s4 =	simm.s32 $0x10  }
0x92: {  	[smem:s4], [sflag:s15] =	dma.local [hbm:s2], $0x1  }
0x93: {  	_ =	swait.eq [sflag:s15], $0x1  }
0x94: {  	[sflag:s15] =	ssyncset.done $0x0  }
0x95: {  	[sflag:s15] =	ssyncadd.s32 $0xFFFFFFFF  }
0x96: {  	s16 =	sld [smem:$0x10];
	(tm) =	ssettm $0x1  }
0x97: {  	s17 =	sld [smem:$0x3FFB];
	_ =	sdelay $0x3  }
0x98: {  	_ =	strace s17  }
0x99: {  	s3 =	sld [smem:$0x3FFC];
	_ =	sdelay $0x3  }
0x9a: {  	_ =	strace s3  }
0x9b: {  	s3 =	sld [smem:$0x3FFD];
	_ =	sdelay $0x3  }
0x9c: {  	_ =	strace s3  }
0x9d: {  	_ =	strace $0x8FFFFFFF  }
0x9e: {  	s18 =	sld [smem:$0x3FDB];
	_ =	sdelay $0x1  }
0x9f: {  	s19 =	simm.s32 $_scs_section_size  }
0xa0: {  	s5 =	simm.s32 $_size__tile_overlayer_lowered;
	s6 =	simm.s32 $_tile_overlayer_lowered  }
0xa1: {  	s22 =	simm.s32 $0x1BFF;
	s21 =	sshll.u32 s6, $0x1;
	s3 =	sadd.s32 s19, s18  }
0xa2: {  	s7 =	simm.s32 $0x0;
	s20 =	sshll.u32 s5, $0x1;
	s5 =	sadd.s32 s21, s3  }
0xa3: {  	[timem:s7], [sflag:s22] =	dma.local [hbm:s5], s20  }
0xa4: {  	_ =	swait.ge [sflag:s22], s20  }
0xa5: {  	s4 =	ssub.s32 $0x0, s20;
	[sflag:s22] =	ssyncset.done $0x0  }
0xa6: {  	[sflag:s22] =	ssyncadd.s32 s4;
	_ =	sdelay $0x1  }
0xa7: {  	s23 =	simm.s32 $0x1B8B  }
0xa8: {  	_ =	swait.ge [sflag:s23], $0x1  }
0xa9: {  	[sflag:s23] =	ssyncset.done $0x0  }
0xaa: {  	s25 =	simm.s32 $0x1B8E;
	s24 =	sld [smem:$0x3FFE];
	[sflag:s23] =	ssyncadd.s32 $0xFFFFFFFF  }
0xab: {  	s26 =	simm.s32 $execute0_lowered;
	[smem:$0x3FD2] =	sst s25  }
0xac: {  	s5 =	sshll.u32 s26, $0x1;
	_ =	strace $0x80000046;
	[dreg:$0x1] =	wrdreg $0xFFFFFFFF  }
0xad: {  	s28 =	simm.s32 $_size_execute0_lowered;
	s3 =	sadd.s32 s3, s5;
	[dreg:$0x0] =	wrdreg $0x0  }
0xae: {  	s5 =	sshll.u32 s28, $0x1;
	[dreg:$0x2] =	wrdreg s3  }
0xaf: {  	[dreg:$0x3] =	wrdreg s5  }
0xb0: {  	[dreg:$0x4] =	wrdreg $0xC0  }
0xb1: {  	_ =	task [dreg:s7], $0x5FFFF  }
0xb2: {  	[dreg:$0x1] =	wrdreg $0xFFFFFFFF  }
0xb3: {  	[dreg:$0x0] =	wrdreg $0x60  }
0xb4: {  	[dreg:$0x2] =	wrdreg s24  }
0xb5: {  	[dreg:$0x3] =	wrdreg s16  }
0xb6: {  	[dreg:$0x4] =	wrdreg $0x9  }
0xb7: {  	_ =	task.clear_ibuf [dreg:s7], $0x5FFFF;
	_ =	strace $0x90000046  }
0xb8: {  	s29 =	simm.s32 $0x9;
	_ =	strace $0x80000048  }
0xb9: {  	_ =	swait.ge [sflag:s29], $0x1  }
0xba: {  	[sflag:s29] =	ssyncadd.s32 $0xFFFFFFFF  }
0xbb: {  	_ =	strace $0x90000048  }
0xbc: {  	_ =	sfence  }
0xbd: {  	s30 =	sld [smem:$0x0];
	_ =	sdelay $0x2  }
0xbe: {  	s31 =	sshll.u32 s1, $0xD;
	s1 =	sshrl.u32 s1, $0x2  }
0xbf: {  	s3 =	sand.u32 $0x4000, s31;
	s1 =	sadd.s32 s1, s30  }
0xc0: {  	s0 =	sor.u32 s3, s0;
	s1 =	sshll.u32 s1, $0x11  }
0xc1: {  	s0 =	sor.u32 s1, s0  }
0xc2: {  	s0 =	sadd.s32 $0x8F2B, s0  }
0xc3: {  	[sflag:s0] =	ssyncadd.remote.s32 $0x1  }
0xc4: {  	_ =	sfence.sel $0xFFFF  }
0xc5: {  	[dreg:$0x0] =	wrdreg $0xFFFFFFFF;
	(pc) =	sbr.abs _section_cstart, $3  }
0xc6: {  	[dreg:$0x1] =	wrdreg $0xFFFFFFFF  }
0xc7: {  	_ =	task.clear_ibuf [dreg:s7], $0x2FFFF;
	_ =	strace $0x9FFFFFFF  }
0xc8: {  	(tm) =	ssettm $0x7FFFFFFF  }
0xc9: {  	_ =	shalt  }
tec
execute0_lowered:
.L_overlay_start_1:
0x0: {  	(tag) =	ssettag $0x1  }
0x1: {  	s0 =	stileid.u32;
	s4 =	rddreg [dreg:$0x0]  }
0x2: {  	s1 =	srdreg.scid;
	s5 =	rddreg [dreg:$0x1]  }
0x3: {  	s9 =	simm.s32 $0x80;
	s10 =	simm.s32 $0x400;
	s11 =	simm.s32 $0x5  }
0x4: {  	s12 =	simm.s32 $0x200;
	s13 =	simm.s32 $0xA00;
	s14 =	simm.s32 $0x1200  }
0x5: {  	s15 =	simm.s32 $0x1A00;
	s16 =	simm.s32 $0x2200;
	s17 =	simm.s32 $0x2A00  }
0x6: {  	s18 =	simm.s32 $0x3200;
	s19 =	simm.s32 $0x3A00;
	s20 =	simm.s32 $0x4200  }
0x7: {  	s28 =	simm.s32 $0x7A00;
	s29 =	simm.s32 $0x1;
	s30 =	simm.s32 $0x3  }
0x8: {  	s31 =	simm.s32 $0x2;
	s1 =	sand.u32 $0x1, s1;
	s2 =	sshll.u32 s0, $0x1  }
0x9: {  	s21 =	sshrl.u32 s0, $0x1;
	s7 =	sshll.u32 s0, $0x7;
	s3 =	sor.u32 s1, s2  }
0xa: {  	s6 =	smul.u32 $0x7D0, s21;
	s2 =	simm.s32 $0x0;
	s7 =	sand.u32 $0x600, s7  }
0xb: {  	s1 =	ssub.s32 $0x2, s1;
	s21 =	simm.s32 $0x4A00;
	s22 =	sand.u32 $0x3, s3  }
0xc: {  	s3 =	sshll.u32 s3, $0x4;
	s7 =	sadd.s32 s7, s4;
	s8 =	smul.u32 $0x1F0, s22  }
0xd: {  	[smem:$0x7FF] =	sst s2;
	s25 =	sshrl.u32 s1, $0x1;
	s4 =	sadd.s32 $0x2200, s4  }
0xe: {  	s3 =	sand.u32 $0x70, s3;
	_ =	strace $0x80000047;
	s6 =	sadd.s32 s6, s8  }
0xf: {  	s1 =	ssub.s32 s1, s25;
	s3 =	sadd.s32 s3, s7;
	s6 =	sshll.u32 s6, $0x5  }
0x10: {  	s22 =	simm.s32 $0x5200;
	s7 =	sadd.s32 $0x26200, s3;
	s3 =	sadd.s32 s5, s6  }
0x11: {  	s25 =	simm.s32 $0x6A00;
	[dreg:$0x3] =	wrdreg s7;
	s5 =	sadd.s32 $0x800, s3  }
0x12: {  	s8 =	smax.u32 s1, $0x1;
	s23 =	sadd.s32 $0x1000, s3;
	[dreg:$0x4] =	wrdreg s5  }
0x13: {  	s1 =	simm.s32 $0x4;
	s24 =	sadd.s32 $0x1800, s3;
	[dreg:$0x5] =	wrdreg s23  }
0x14: {  	v2 =	vlaneseq.u32;
	s26 =	sadd.s32 $0x2000, s3;
	s6 =	sadd.s32 $0x3000, s3;
	[dreg:$0x6] =	wrdreg s24  }
0x15: {  	vm0 =	vmmov $0xffff;
	v1 =	vshrl.u32 v2, $0x3;
	s7 =	sadd.s32 $0x3800, s3;
	[dreg:$0x7] =	wrdreg s26;
	s5 =	sadd.s32 $0x2800, s3  }
0x16: {  	v0 =	vand.u32 $0x7, v2;
	v2 =	vor.u32 $0x8, v2;
	v1 =	vmul.u32 $0x8, v1;
	s23 =	simm.s32 $0x5A00;
	s24 =	simm.s32 $0x6200;
	s26 =	simm.s32 $0x7200  }
.LBB2_1:
0x17: {  	s0 =	rddreg [dreg:$0x3]  }
0x18: {  	[tilespmem:s2], [sflag:$0x5] =	stream.strided.gather [hbm4b:s0+s9], $0x200, s10, s9, $0x38;
	[tilespmem:$0x8200] =	vst v63  }
0x19: {  	_ =	swait.ge [sflag:s11], $0x200  }
0x1a: {  	[sflag:s11] =	ssyncset.done $0x0  }
0x1b: {  	[sflag:s11] =	ssyncadd.s32 $0xFFFFFE00  }
0x1c: {  	v3 =	vld [tilespmem:$0x0];
	_ =	sdelay $0x4  }
0x1d: {  	v4 =	vshll.u32 v3, $0x1  }
0x1e: {  	v3 =	vand.u32 $0x7, v3;
	v4 =	vand.u32 $0xFFFFFFF0, v4  }
0x1f: {  	v3 =	vor.u32 v3, v4  }
0x20: {  	v4 =	vperm.xlane v3, v0;
	_ =	sdelay $0x1  }
0x21: {  	v3 =	vperm.xlane v3, v2;
	v4 =	vadd.s32 v1, v4;
	_ =	sdelay $0x1  }
0x22: {  	v3 =	vadd.s32 v1, v3;
	_ =	sdelay $0x2  }
0x23: {  	[tilespmem:s12], [sflag:$0x1] =	stream.indirect_vreg.gather [hbm4b:s4+s2], $0x80, v4, vm0, $0xb8;
	[tilespmem:$0x8200] =	vst v63  }
0x24: {  	_ = 	snop  }
0x25: {  	[tilespmem:s13], [sflag:$0x1] =	stream.indirect_vreg.gather [hbm4b:s4+s2], $0x80, v3, vm0, $0xb8;
	[tilespmem:$0x8200] =	vst v63  }
0x26: {  	v3 =	vld [tilespmem:$0x10];
	_ =	sdelay $0x4  }
0x27: {  	v33 =	vshll.u32 v3, $0x1  }
0x28: {  	v3 =	vand.u32 $0x7, v3;
	v4 =	vand.u32 $0xFFFFFFF0, v33  }
0x29: {  	v3 =	vor.u32 v3, v4  }
0x2a: {  	v4 =	vperm.xlane v3, v0;
	_ =	sdelay $0x1  }
0x2b: {  	v3 =	vperm.xlane v3, v2;
	v4 =	vadd.s32 v1, v4;
	_ =	sdelay $0x1  }
0x2c: {  	v3 =	vadd.s32 v1, v3;
	_ =	sdelay $0x2  }
0x2d: {  	[tilespmem:s14], [sflag:$0x1] =	stream.indirect_vreg.gather [hbm4b:s4+s2], $0x80, v4, vm0, $0xb8;
	[tilespmem:$0x8200] =	vst v63  }
0x2e: {  	_ = 	snop  }
0x2f: {  	[tilespmem:s15], [sflag:$0x1] =	stream.indirect_vreg.gather [hbm4b:s4+s2], $0x80, v3, vm0, $0xb8;
	[tilespmem:$0x8200] =	vst v63  }
0x30: {  	v3 =	vld [tilespmem:$0x20];
	_ =	sdelay $0x4  }
0x31: {  	v34 =	vshll.u32 v3, $0x1  }
0x32: {  	v3 =	vand.u32 $0x7, v3;
	v4 =	vand.u32 $0xFFFFFFF0, v34  }
0x33: {  	v3 =	vor.u32 v3, v4  }
0x34: {  	v4 =	vperm.xlane v3, v0;
	_ =	sdelay $0x1  }
0x35: {  	v3 =	vperm.xlane v3, v2;
	v4 =	vadd.s32 v1, v4;
	_ =	sdelay $0x1  }
0x36: {  	v3 =	vadd.s32 v1, v3;
	_ =	sdelay $0x2  }
0x37: {  	[tilespmem:s16], [sflag:$0x1] =	stream.indirect_vreg.gather [hbm4b:s4+s2], $0x80, v4, vm0, $0xb8;
	[tilespmem:$0x8200] =	vst v63  }
0x38: {  	_ = 	snop  }
0x39: {  	[tilespmem:s17], [sflag:$0x1] =	stream.indirect_vreg.gather [hbm4b:s4+s2], $0x80, v3, vm0, $0xb8;
	[tilespmem:$0x8200] =	vst v63  }
0x3a: {  	v3 =	vld [tilespmem:$0x30];
	_ =	sdelay $0x4  }
0x3b: {  	v35 =	vshll.u32 v3, $0x1  }
0x3c: {  	v3 =	vand.u32 $0x7, v3;
	v4 =	vand.u32 $0xFFFFFFF0, v35  }
0x3d: {  	v3 =	vor.u32 v3, v4  }
0x3e: {  	v4 =	vperm.xlane v3, v0;
	_ =	sdelay $0x1  }
0x3f: {  	v3 =	vperm.xlane v3, v2;
	v4 =	vadd.s32 v1, v4;
	_ =	sdelay $0x1  }
0x40: {  	v3 =	vadd.s32 v1, v3;
	_ =	sdelay $0x2  }
0x41: {  	[tilespmem:s18], [sflag:$0x1] =	stream.indirect_vreg.gather [hbm4b:s4+s2], $0x80, v4, vm0, $0xb8;
	[tilespmem:$0x8200] =	vst v63  }
0x42: {  	_ = 	snop  }
0x43: {  	[tilespmem:s19], [sflag:$0x1] =	stream.indirect_vreg.gather [hbm4b:s4+s2], $0x80, v3, vm0, $0xb8;
	[tilespmem:$0x8200] =	vst v63  }
0x44: {  	v3 =	vld [tilespmem:$0x40];
	_ =	sdelay $0x4  }
0x45: {  	v36 =	vshll.u32 v3, $0x1  }
0x46: {  	v3 =	vand.u32 $0x7, v3;
	v4 =	vand.u32 $0xFFFFFFF0, v36  }
0x47: {  	v3 =	vor.u32 v3, v4  }
0x48: {  	v4 =	vperm.xlane v3, v0;
	_ =	sdelay $0x1  }
0x49: {  	v3 =	vperm.xlane v3, v2;
	v4 =	vadd.s32 v1, v4;
	_ =	sdelay $0x1  }
0x4a: {  	v3 =	vadd.s32 v1, v3;
	_ =	sdelay $0x2  }
0x4b: {  	[tilespmem:s20], [sflag:$0x2] =	stream.indirect_vreg.gather [hbm4b:s4+s2], $0x80, v4, vm0, $0xb8;
	[tilespmem:$0x8200] =	vst v63  }
0x4c: {  	_ = 	snop  }
0x4d: {  	[tilespmem:s21], [sflag:$0x2] =	stream.indirect_vreg.gather [hbm4b:s4+s2], $0x80, v3, vm0, $0xb8;
	[tilespmem:$0x8200] =	vst v63  }
0x4e: {  	v3 =	vld [tilespmem:$0x50];
	_ =	sdelay $0x4  }
0x4f: {  	v37 =	vshll.u32 v3, $0x1  }
0x50: {  	v3 =	vand.u32 $0x7, v3;
	v4 =	vand.u32 $0xFFFFFFF0, v37  }
0x51: {  	v3 =	vor.u32 v3, v4  }
0x52: {  	v4 =	vperm.xlane v3, v0;
	_ =	sdelay $0x1  }
0x53: {  	v3 =	vperm.xlane v3, v2;
	v4 =	vadd.s32 v1, v4;
	_ =	sdelay $0x1  }
0x54: {  	v3 =	vadd.s32 v1, v3;
	_ =	sdelay $0x2  }
0x55: {  	[tilespmem:s22], [sflag:$0x2] =	stream.indirect_vreg.gather [hbm4b:s4+s2], $0x80, v4, vm0, $0xb8;
	[tilespmem:$0x8200] =	vst v63  }
0x56: {  	_ = 	snop  }
0x57: {  	[tilespmem:s23], [sflag:$0x2] =	stream.indirect_vreg.gather [hbm4b:s4+s2], $0x80, v3, vm0, $0xb8;
	[tilespmem:$0x8200] =	vst v63  }
0x58: {  	v3 =	vld [tilespmem:$0x60];
	_ =	sdelay $0x4  }
0x59: {  	v38 =	vshll.u32 v3, $0x1  }
0x5a: {  	v3 =	vand.u32 $0x7, v3;
	v4 =	vand.u32 $0xFFFFFFF0, v38  }
0x5b: {  	v3 =	vor.u32 v3, v4  }
0x5c: {  	v4 =	vperm.xlane v3, v0;
	_ =	sdelay $0x1  }
0x5d: {  	v3 =	vperm.xlane v3, v2;
	v4 =	vadd.s32 v1, v4;
	_ =	sdelay $0x1  }
0x5e: {  	v3 =	vadd.s32 v1, v3;
	_ =	sdelay $0x2  }
0x5f: {  	[tilespmem:s24], [sflag:$0x2] =	stream.indirect_vreg.gather [hbm4b:s4+s2], $0x80, v4, vm0, $0xb8;
	[tilespmem:$0x8200] =	vst v63  }
0x60: {  	_ = 	snop  }
0x61: {  	[tilespmem:s25], [sflag:$0x2] =	stream.indirect_vreg.gather [hbm4b:s4+s2], $0x80, v3, vm0, $0xb8;
	[tilespmem:$0x8200] =	vst v63  }
0x62: {  	v3 =	vld [tilespmem:$0x70];
	_ =	sdelay $0x4  }
0x63: {  	v39 =	vshll.u32 v3, $0x1  }
0x64: {  	v3 =	vand.u32 $0x7, v3;
	v4 =	vand.u32 $0xFFFFFFF0, v39  }
0x65: {  	v3 =	vor.u32 v3, v4  }
0x66: {  	v4 =	vperm.xlane v3, v0;
	_ =	sdelay $0x1  }
0x67: {  	v3 =	vperm.xlane v3, v2;
	v4 =	vadd.s32 v1, v4;
	_ =	sdelay $0x1  }
0x68: {  	v3 =	vadd.s32 v1, v3;
	_ =	sdelay $0x2  }
0x69: {  	[tilespmem:s26], [sflag:$0x2] =	stream.indirect_vreg.gather [hbm4b:s4+s2], $0x80, v4, vm0, $0xb8;
	[tilespmem:$0x8200] =	vst v63  }
0x6a: {  	_ = 	snop  }
0x6b: {  	[tilespmem:s28], [sflag:$0x2] =	stream.indirect_vreg.gather [hbm4b:s4+s2], $0x80, v3, vm0, $0xb8;
	[tilespmem:$0x8200] =	vst v63  }
0x6c: {  	_ =	swait.ge [sflag:s29], $0x4000  }
0x6d: {  	[sflag:s29] =	ssyncset.done $0x0  }
0x6e: {  	[sflag:s29] =	ssyncadd.s32 $0xFFFFC000  }
0x6f: {  	[hbm4b:s3+s2] =	stream.linear.scatter [tilespmem:s12], [sflag:$0x3], $0x4000, $0x38;
	[tilespmem:$0x8200] =	vst v63  }
0x70: {  	_ =	swait.ge [sflag:s30], $0x4000  }
0x71: {  	[sflag:s30] =	ssyncset.done $0x0  }
0x72: {  	[sflag:s30] =	ssyncadd.s32 $0xFFFFC000  }
0x73: {  	v3 =	vld [tilespmem:$0x80];
	_ =	sdelay $0x4  }
0x74: {  	v40 =	vshll.u32 v3, $0x1  }
0x75: {  	v3 =	vand.u32 $0x7, v3;
	v4 =	vand.u32 $0xFFFFFFF0, v40  }
0x76: {  	v3 =	vor.u32 v3, v4  }
0x77: {  	v4 =	vperm.xlane v3, v0;
	_ =	sdelay $0x1  }
0x78: {  	v3 =	vperm.xlane v3, v2;
	v4 =	vadd.s32 v1, v4;
	_ =	sdelay $0x1  }
0x79: {  	v3 =	vadd.s32 v1, v3;
	_ =	sdelay $0x2  }
0x7a: {  	[tilespmem:s12], [sflag:$0x1] =	stream.indirect_vreg.gather [hbm4b:s4+s2], $0x80, v4, vm0, $0xb8;
	[tilespmem:$0x8200] =	vst v63  }
0x7b: {  	_ = 	snop  }
0x7c: {  	[tilespmem:s13], [sflag:$0x1] =	stream.indirect_vreg.gather [hbm4b:s4+s2], $0x80, v3, vm0, $0xb8;
	[tilespmem:$0x8200] =	vst v63  }
0x7d: {  	v3 =	vld [tilespmem:$0x90];
	_ =	sdelay $0x4  }
0x7e: {  	v41 =	vshll.u32 v3, $0x1  }
0x7f: {  	v3 =	vand.u32 $0x7, v3;
	v4 =	vand.u32 $0xFFFFFFF0, v41  }
0x80: {  	v3 =	vor.u32 v3, v4  }
0x81: {  	v4 =	vperm.xlane v3, v0;
	_ =	sdelay $0x1  }
0x82: {  	v3 =	vperm.xlane v3, v2;
	v4 =	vadd.s32 v1, v4;
	_ =	sdelay $0x1  }
0x83: {  	v3 =	vadd.s32 v1, v3;
	_ =	sdelay $0x2  }
0x84: {  	[tilespmem:s14], [sflag:$0x1] =	stream.indirect_vreg.gather [hbm4b:s4+s2], $0x80, v4, vm0, $0xb8;
	[tilespmem:$0x8200] =	vst v63  }
0x85: {  	_ = 	snop  }
0x86: {  	[tilespmem:s15], [sflag:$0x1] =	stream.indirect_vreg.gather [hbm4b:s4+s2], $0x80, v3, vm0, $0xb8;
	[tilespmem:$0x8200] =	vst v63  }
0x87: {  	v3 =	vld [tilespmem:$0xA0];
	_ =	sdelay $0x4  }
0x88: {  	v42 =	vshll.u32 v3, $0x1  }
0x89: {  	v3 =	vand.u32 $0x7, v3;
	v4 =	vand.u32 $0xFFFFFFF0, v42  }
0x8a: {  	v3 =	vor.u32 v3, v4  }
0x8b: {  	v4 =	vperm.xlane v3, v0;
	_ =	sdelay $0x1  }
0x8c: {  	v3 =	vperm.xlane v3, v2;
	v4 =	vadd.s32 v1, v4;
	_ =	sdelay $0x1  }
0x8d: {  	v3 =	vadd.s32 v1, v3;
	_ =	sdelay $0x2  }
0x8e: {  	[tilespmem:s16], [sflag:$0x1] =	stream.indirect_vreg.gather [hbm4b:s4+s2], $0x80, v4, vm0, $0xb8;
	[tilespmem:$0x8200] =	vst v63  }
0x8f: {  	_ = 	snop  }
0x90: {  	[tilespmem:s17], [sflag:$0x1] =	stream.indirect_vreg.gather [hbm4b:s4+s2], $0x80, v3, vm0, $0xb8;
	[tilespmem:$0x8200] =	vst v63  }
0x91: {  	v3 =	vld [tilespmem:$0xB0];
	_ =	sdelay $0x4  }
0x92: {  	v43 =	vshll.u32 v3, $0x1  }
0x93: {  	v3 =	vand.u32 $0x7, v3;
	v4 =	vand.u32 $0xFFFFFFF0, v43  }
0x94: {  	v3 =	vor.u32 v3, v4  }
0x95: {  	v4 =	vperm.xlane v3, v0;
	_ =	sdelay $0x1  }
0x96: {  	v3 =	vperm.xlane v3, v2;
	v4 =	vadd.s32 v1, v4;
	_ =	sdelay $0x1  }
0x97: {  	v3 =	vadd.s32 v1, v3;
	_ =	sdelay $0x2  }
0x98: {  	[tilespmem:s18], [sflag:$0x1] =	stream.indirect_vreg.gather [hbm4b:s4+s2], $0x80, v4, vm0, $0xb8;
	[tilespmem:$0x8200] =	vst v63  }
0x99: {  	_ = 	snop  }
0x9a: {  	[tilespmem:s19], [sflag:$0x1] =	stream.indirect_vreg.gather [hbm4b:s4+s2], $0x80, v3, vm0, $0xb8;
	[tilespmem:$0x8200] =	vst v63  }
0x9b: {  	_ =	swait.ge [sflag:s31], $0x4000  }
0x9c: {  	[sflag:s31] =	ssyncset.done $0x0  }
0x9d: {  	s0 =	rddreg [dreg:$0x4];
	[sflag:s31] =	ssyncadd.s32 $0xFFFFC000  }
0x9e: {  	[hbm4b:s0+s2] =	stream.linear.scatter [tilespmem:s20], [sflag:$0x4], $0x4000, $0x38;
	[tilespmem:$0x8200] =	vst v63  }
0x9f: {  	_ =	swait.ge [sflag:s1], $0x4000  }
0xa0: {  	[sflag:s1] =	ssyncset.done $0x0  }
0xa1: {  	[sflag:s1] =	ssyncadd.s32 $0xFFFFC000  }
0xa2: {  	v3 =	vld [tilespmem:$0xC0];
	_ =	sdelay $0x4  }
0xa3: {  	v44 =	vshll.u32 v3, $0x1  }
0xa4: {  	v3 =	vand.u32 $0x7, v3;
	v4 =	vand.u32 $0xFFFFFFF0, v44  }
0xa5: {  	v3 =	vor.u32 v3, v4  }
0xa6: {  	v4 =	vperm.xlane v3, v0;
	_ =	sdelay $0x1  }
0xa7: {  	v3 =	vperm.xlane v3, v2;
	v4 =	vadd.s32 v1, v4;
	_ =	sdelay $0x1  }
0xa8: {  	v3 =	vadd.s32 v1, v3;
	_ =	sdelay $0x2  }
0xa9: {  	[tilespmem:s20], [sflag:$0x2] =	stream.indirect_vreg.gather [hbm4b:s4+s2], $0x80, v4, vm0, $0xb8;
	[tilespmem:$0x8200] =	vst v63  }
0xaa: {  	_ = 	snop  }
0xab: {  	[tilespmem:s21], [sflag:$0x2] =	stream.indirect_vreg.gather [hbm4b:s4+s2], $0x80, v3, vm0, $0xb8;
	[tilespmem:$0x8200] =	vst v63  }
0xac: {  	v3 =	vld [tilespmem:$0xD0];
	_ =	sdelay $0x4  }
0xad: {  	v45 =	vshll.u32 v3, $0x1  }
0xae: {  	v3 =	vand.u32 $0x7, v3;
	v4 =	vand.u32 $0xFFFFFFF0, v45  }
0xaf: {  	v3 =	vor.u32 v3, v4  }
0xb0: {  	v4 =	vperm.xlane v3, v0;
	_ =	sdelay $0x1  }
0xb1: {  	v3 =	vperm.xlane v3, v2;
	v4 =	vadd.s32 v1, v4;
	_ =	sdelay $0x1  }
0xb2: {  	v3 =	vadd.s32 v1, v3;
	_ =	sdelay $0x2  }
0xb3: {  	[tilespmem:s22], [sflag:$0x2] =	stream.indirect_vreg.gather [hbm4b:s4+s2], $0x80, v4, vm0, $0xb8;
	[tilespmem:$0x8200] =	vst v63  }
0xb4: {  	_ = 	snop  }
0xb5: {  	[tilespmem:s23], [sflag:$0x2] =	stream.indirect_vreg.gather [hbm4b:s4+s2], $0x80, v3, vm0, $0xb8;
	[tilespmem:$0x8200] =	vst v63  }
0xb6: {  	v3 =	vld [tilespmem:$0xE0];
	_ =	sdelay $0x4  }
0xb7: {  	v46 =	vshll.u32 v3, $0x1  }
0xb8: {  	v3 =	vand.u32 $0x7, v3;
	v4 =	vand.u32 $0xFFFFFFF0, v46  }
0xb9: {  	v3 =	vor.u32 v3, v4  }
0xba: {  	v4 =	vperm.xlane v3, v0;
	_ =	sdelay $0x1  }
0xbb: {  	v3 =	vperm.xlane v3, v2;
	v4 =	vadd.s32 v1, v4;
	_ =	sdelay $0x1  }
0xbc: {  	v3 =	vadd.s32 v1, v3;
	_ =	sdelay $0x2  }
0xbd: {  	[tilespmem:s24], [sflag:$0x2] =	stream.indirect_vreg.gather [hbm4b:s4+s2], $0x80, v4, vm0, $0xb8;
	[tilespmem:$0x8200] =	vst v63  }
0xbe: {  	_ = 	snop  }
0xbf: {  	[tilespmem:s25], [sflag:$0x2] =	stream.indirect_vreg.gather [hbm4b:s4+s2], $0x80, v3, vm0, $0xb8;
	[tilespmem:$0x8200] =	vst v63  }
0xc0: {  	v3 =	vld [tilespmem:$0xF0];
	_ =	sdelay $0x4  }
0xc1: {  	v47 =	vshll.u32 v3, $0x1  }
0xc2: {  	v3 =	vand.u32 $0x7, v3;
	v4 =	vand.u32 $0xFFFFFFF0, v47  }
0xc3: {  	v3 =	vor.u32 v3, v4  }
0xc4: {  	v4 =	vperm.xlane v3, v0;
	_ =	sdelay $0x1  }
0xc5: {  	v3 =	vperm.xlane v3, v2;
	v4 =	vadd.s32 v1, v4;
	_ =	sdelay $0x1  }
0xc6: {  	v3 =	vadd.s32 v1, v3;
	_ =	sdelay $0x2  }
0xc7: {  	[tilespmem:s26], [sflag:$0x2] =	stream.indirect_vreg.gather [hbm4b:s4+s2], $0x80, v4, vm0, $0xb8;
	[tilespmem:$0x8200] =	vst v63  }
0xc8: {  	_ = 	snop  }
0xc9: {  	[tilespmem:s28], [sflag:$0x2] =	stream.indirect_vreg.gather [hbm4b:s4+s2], $0x80, v3, vm0, $0xb8;
	[tilespmem:$0x8200] =	vst v63  }
0xca: {  	_ =	swait.ge [sflag:s29], $0x4000  }
0xcb: {  	[sflag:s29] =	ssyncset.done $0x0  }
0xcc: {  	s0 =	rddreg [dreg:$0x5];
	[sflag:s29] =	ssyncadd.s32 $0xFFFFC000  }
0xcd: {  	[hbm4b:s0+s2] =	stream.linear.scatter [tilespmem:s12], [sflag:$0x3], $0x4000, $0x38;
	[tilespmem:$0x8200] =	vst v63  }
0xce: {  	_ =	swait.ge [sflag:s30], $0x4000  }
0xcf: {  	[sflag:s30] =	ssyncset.done $0x0  }
0xd0: {  	[sflag:s30] =	ssyncadd.s32 $0xFFFFC000  }
0xd1: {  	v3 =	vld [tilespmem:$0x100];
	_ =	sdelay $0x4  }
0xd2: {  	v48 =	vshll.u32 v3, $0x1  }
0xd3: {  	v3 =	vand.u32 $0x7, v3;
	v4 =	vand.u32 $0xFFFFFFF0, v48  }
0xd4: {  	v3 =	vor.u32 v3, v4  }
0xd5: {  	v4 =	vperm.xlane v3, v0;
	_ =	sdelay $0x1  }
0xd6: {  	v3 =	vperm.xlane v3, v2;
	v4 =	vadd.s32 v1, v4;
	_ =	sdelay $0x1  }
0xd7: {  	v3 =	vadd.s32 v1, v3;
	_ =	sdelay $0x2  }
0xd8: {  	[tilespmem:s12], [sflag:$0x1] =	stream.indirect_vreg.gather [hbm4b:s4+s2], $0x80, v4, vm0, $0xb8;
	[tilespmem:$0x8200] =	vst v63  }
0xd9: {  	_ = 	snop  }
0xda: {  	[tilespmem:s13], [sflag:$0x1] =	stream.indirect_vreg.gather [hbm4b:s4+s2], $0x80, v3, vm0, $0xb8;
	[tilespmem:$0x8200] =	vst v63  }
0xdb: {  	v3 =	vld [tilespmem:$0x110];
	_ =	sdelay $0x4  }
0xdc: {  	v49 =	vshll.u32 v3, $0x1  }
0xdd: {  	v3 =	vand.u32 $0x7, v3;
	v4 =	vand.u32 $0xFFFFFFF0, v49  }
0xde: {  	v3 =	vor.u32 v3, v4  }
0xdf: {  	v4 =	vperm.xlane v3, v0;
	_ =	sdelay $0x1  }
0xe0: {  	v3 =	vperm.xlane v3, v2;
	v4 =	vadd.s32 v1, v4;
	_ =	sdelay $0x1  }
0xe1: {  	v3 =	vadd.s32 v1, v3;
	_ =	sdelay $0x2  }
0xe2: {  	[tilespmem:s14], [sflag:$0x1] =	stream.indirect_vreg.gather [hbm4b:s4+s2], $0x80, v4, vm0, $0xb8;
	[tilespmem:$0x8200] =	vst v63  }
0xe3: {  	_ = 	snop  }
0xe4: {  	[tilespmem:s15], [sflag:$0x1] =	stream.indirect_vreg.gather [hbm4b:s4+s2], $0x80, v3, vm0, $0xb8;
	[tilespmem:$0x8200] =	vst v63  }
0xe5: {  	v3 =	vld [tilespmem:$0x120];
	_ =	sdelay $0x4  }
0xe6: {  	v50 =	vshll.u32 v3, $0x1  }
0xe7: {  	v3 =	vand.u32 $0x7, v3;
	v4 =	vand.u32 $0xFFFFFFF0, v50  }
0xe8: {  	v3 =	vor.u32 v3, v4  }
0xe9: {  	v4 =	vperm.xlane v3, v0;
	_ =	sdelay $0x1  }
0xea: {  	v3 =	vperm.xlane v3, v2;
	v4 =	vadd.s32 v1, v4;
	_ =	sdelay $0x1  }
0xeb: {  	v3 =	vadd.s32 v1, v3;
	_ =	sdelay $0x2  }
0xec: {  	[tilespmem:s16], [sflag:$0x1] =	stream.indirect_vreg.gather [hbm4b:s4+s2], $0x80, v4, vm0, $0xb8;
	[tilespmem:$0x8200] =	vst v63  }
0xed: {  	_ = 	snop  }
0xee: {  	[tilespmem:s17], [sflag:$0x1] =	stream.indirect_vreg.gather [hbm4b:s4+s2], $0x80, v3, vm0, $0xb8;
	[tilespmem:$0x8200] =	vst v63  }
0xef: {  	v3 =	vld [tilespmem:$0x130];
	_ =	sdelay $0x4  }
0xf0: {  	v51 =	vshll.u32 v3, $0x1  }
0xf1: {  	v3 =	vand.u32 $0x7, v3;
	v4 =	vand.u32 $0xFFFFFFF0, v51  }
0xf2: {  	v3 =	vor.u32 v3, v4  }
0xf3: {  	v4 =	vperm.xlane v3, v0;
	_ =	sdelay $0x1  }
0xf4: {  	v3 =	vperm.xlane v3, v2;
	v4 =	vadd.s32 v1, v4;
	_ =	sdelay $0x1  }
0xf5: {  	v3 =	vadd.s32 v1, v3;
	_ =	sdelay $0x2  }
0xf6: {  	[tilespmem:s18], [sflag:$0x1] =	stream.indirect_vreg.gather [hbm4b:s4+s2], $0x80, v4, vm0, $0xb8;
	[tilespmem:$0x8200] =	vst v63  }
0xf7: {  	_ = 	snop  }
0xf8: {  	[tilespmem:s19], [sflag:$0x1] =	stream.indirect_vreg.gather [hbm4b:s4+s2], $0x80, v3, vm0, $0xb8;
	[tilespmem:$0x8200] =	vst v63  }
0xf9: {  	_ =	swait.ge [sflag:s31], $0x4000  }
0xfa: {  	[sflag:s31] =	ssyncset.done $0x0  }
0xfb: {  	s0 =	rddreg [dreg:$0x6];
	[sflag:s31] =	ssyncadd.s32 $0xFFFFC000  }
0xfc: {  	[hbm4b:s0+s2] =	stream.linear.scatter [tilespmem:s20], [sflag:$0x4], $0x4000, $0x38;
	[tilespmem:$0x8200] =	vst v63  }
0xfd: {  	_ =	swait.ge [sflag:s1], $0x4000  }
0xfe: {  	[sflag:s1] =	ssyncset.done $0x0  }
0xff: {  	[sflag:s1] =	ssyncadd.s32 $0xFFFFC000  }
0x100: {  	v3 =	vld [tilespmem:$0x140];
	_ =	sdelay $0x4  }
0x101: {  	v52 =	vshll.u32 v3, $0x1  }
0x102: {  	v3 =	vand.u32 $0x7, v3;
	v4 =	vand.u32 $0xFFFFFFF0, v52  }
0x103: {  	v3 =	vor.u32 v3, v4  }
0x104: {  	v4 =	vperm.xlane v3, v0;
	_ =	sdelay $0x1  }
0x105: {  	v3 =	vperm.xlane v3, v2;
	v4 =	vadd.s32 v1, v4;
	_ =	sdelay $0x1  }
0x106: {  	v3 =	vadd.s32 v1, v3;
	_ =	sdelay $0x2  }
0x107: {  	[tilespmem:s20], [sflag:$0x2] =	stream.indirect_vreg.gather [hbm4b:s4+s2], $0x80, v4, vm0, $0xb8;
	[tilespmem:$0x8200] =	vst v63  }
0x108: {  	_ = 	snop  }
0x109: {  	[tilespmem:s21], [sflag:$0x2] =	stream.indirect_vreg.gather [hbm4b:s4+s2], $0x80, v3, vm0, $0xb8;
	[tilespmem:$0x8200] =	vst v63  }
0x10a: {  	v3 =	vld [tilespmem:$0x150];
	_ =	sdelay $0x4  }
0x10b: {  	v53 =	vshll.u32 v3, $0x1  }
0x10c: {  	v3 =	vand.u32 $0x7, v3;
	v4 =	vand.u32 $0xFFFFFFF0, v53  }
0x10d: {  	v3 =	vor.u32 v3, v4  }
0x10e: {  	v4 =	vperm.xlane v3, v0;
	_ =	sdelay $0x1  }
0x10f: {  	v3 =	vperm.xlane v3, v2;
	v4 =	vadd.s32 v1, v4;
	_ =	sdelay $0x1  }
0x110: {  	v3 =	vadd.s32 v1, v3;
	_ =	sdelay $0x2  }
0x111: {  	[tilespmem:s22], [sflag:$0x2] =	stream.indirect_vreg.gather [hbm4b:s4+s2], $0x80, v4, vm0, $0xb8;
	[tilespmem:$0x8200] =	vst v63  }
0x112: {  	_ = 	snop  }
0x113: {  	[tilespmem:s23], [sflag:$0x2] =	stream.indirect_vreg.gather [hbm4b:s4+s2], $0x80, v3, vm0, $0xb8;
	[tilespmem:$0x8200] =	vst v63  }
0x114: {  	v3 =	vld [tilespmem:$0x160];
	_ =	sdelay $0x4  }
0x115: {  	v54 =	vshll.u32 v3, $0x1  }
0x116: {  	v3 =	vand.u32 $0x7, v3;
	v4 =	vand.u32 $0xFFFFFFF0, v54  }
0x117: {  	v3 =	vor.u32 v3, v4  }
0x118: {  	v4 =	vperm.xlane v3, v0;
	_ =	sdelay $0x1  }
0x119: {  	v3 =	vperm.xlane v3, v2;
	v4 =	vadd.s32 v1, v4;
	_ =	sdelay $0x1  }
0x11a: {  	v3 =	vadd.s32 v1, v3;
	_ =	sdelay $0x2  }
0x11b: {  	[tilespmem:s24], [sflag:$0x2] =	stream.indirect_vreg.gather [hbm4b:s4+s2], $0x80, v4, vm0, $0xb8;
	[tilespmem:$0x8200] =	vst v63  }
0x11c: {  	_ = 	snop  }
0x11d: {  	[tilespmem:s25], [sflag:$0x2] =	stream.indirect_vreg.gather [hbm4b:s4+s2], $0x80, v3, vm0, $0xb8;
	[tilespmem:$0x8200] =	vst v63  }
0x11e: {  	v3 =	vld [tilespmem:$0x170];
	_ =	sdelay $0x4  }
0x11f: {  	v55 =	vshll.u32 v3, $0x1  }
0x120: {  	v3 =	vand.u32 $0x7, v3;
	v4 =	vand.u32 $0xFFFFFFF0, v55  }
0x121: {  	v3 =	vor.u32 v3, v4  }
0x122: {  	v4 =	vperm.xlane v3, v0;
	_ =	sdelay $0x1  }
0x123: {  	v3 =	vperm.xlane v3, v2;
	v4 =	vadd.s32 v1, v4;
	_ =	sdelay $0x1  }
0x124: {  	v3 =	vadd.s32 v1, v3;
	_ =	sdelay $0x2  }
0x125: {  	[tilespmem:s26], [sflag:$0x2] =	stream.indirect_vreg.gather [hbm4b:s4+s2], $0x80, v4, vm0, $0xb8;
	[tilespmem:$0x8200] =	vst v63  }
0x126: {  	_ = 	snop  }
0x127: {  	[tilespmem:s28], [sflag:$0x2] =	stream.indirect_vreg.gather [hbm4b:s4+s2], $0x80, v3, vm0, $0xb8;
	[tilespmem:$0x8200] =	vst v63  }
0x128: {  	_ =	swait.ge [sflag:s29], $0x4000  }
0x129: {  	[sflag:s29] =	ssyncset.done $0x0  }
0x12a: {  	s0 =	rddreg [dreg:$0x7];
	[sflag:s29] =	ssyncadd.s32 $0xFFFFC000  }
0x12b: {  	[hbm4b:s0+s2] =	stream.linear.scatter [tilespmem:s12], [sflag:$0x3], $0x4000, $0x38;
	[tilespmem:$0x8200] =	vst v63  }
0x12c: {  	_ =	swait.ge [sflag:s30], $0x4000  }
0x12d: {  	[sflag:s30] =	ssyncset.done $0x0  }
0x12e: {  	[sflag:s30] =	ssyncadd.s32 $0xFFFFC000  }
0x12f: {  	v3 =	vld [tilespmem:$0x180];
	_ =	sdelay $0x4  }
0x130: {  	v56 =	vshll.u32 v3, $0x1  }
0x131: {  	v3 =	vand.u32 $0x7, v3;
	v4 =	vand.u32 $0xFFFFFFF0, v56  }
0x132: {  	v3 =	vor.u32 v3, v4  }
0x133: {  	v4 =	vperm.xlane v3, v0;
	_ =	sdelay $0x1  }
0x134: {  	v3 =	vperm.xlane v3, v2;
	v4 =	vadd.s32 v1, v4;
	_ =	sdelay $0x1  }
0x135: {  	v3 =	vadd.s32 v1, v3;
	_ =	sdelay $0x2  }
0x136: {  	[tilespmem:s12], [sflag:$0x1] =	stream.indirect_vreg.gather [hbm4b:s4+s2], $0x80, v4, vm0, $0xb8;
	[tilespmem:$0x8200] =	vst v63  }
0x137: {  	_ = 	snop  }
0x138: {  	[tilespmem:s13], [sflag:$0x1] =	stream.indirect_vreg.gather [hbm4b:s4+s2], $0x80, v3, vm0, $0xb8;
	[tilespmem:$0x8200] =	vst v63  }
0x139: {  	v3 =	vld [tilespmem:$0x190];
	_ =	sdelay $0x4  }
0x13a: {  	v57 =	vshll.u32 v3, $0x1  }
0x13b: {  	v3 =	vand.u32 $0x7, v3;
	v4 =	vand.u32 $0xFFFFFFF0, v57  }
0x13c: {  	v3 =	vor.u32 v3, v4  }
0x13d: {  	v4 =	vperm.xlane v3, v0;
	_ =	sdelay $0x1  }
0x13e: {  	v3 =	vperm.xlane v3, v2;
	v4 =	vadd.s32 v1, v4;
	_ =	sdelay $0x1  }
0x13f: {  	v3 =	vadd.s32 v1, v3;
	_ =	sdelay $0x2  }
0x140: {  	[tilespmem:s14], [sflag:$0x1] =	stream.indirect_vreg.gather [hbm4b:s4+s2], $0x80, v4, vm0, $0xb8;
	[tilespmem:$0x8200] =	vst v63  }
0x141: {  	_ = 	snop  }
0x142: {  	[tilespmem:s15], [sflag:$0x1] =	stream.indirect_vreg.gather [hbm4b:s4+s2], $0x80, v3, vm0, $0xb8;
	[tilespmem:$0x8200] =	vst v63  }
0x143: {  	v3 =	vld [tilespmem:$0x1A0];
	_ =	sdelay $0x4  }
0x144: {  	v58 =	vshll.u32 v3, $0x1  }
0x145: {  	v3 =	vand.u32 $0x7, v3;
	v4 =	vand.u32 $0xFFFFFFF0, v58  }
0x146: {  	v3 =	vor.u32 v3, v4  }
0x147: {  	v4 =	vperm.xlane v3, v0;
	_ =	sdelay $0x1  }
0x148: {  	v3 =	vperm.xlane v3, v2;
	v4 =	vadd.s32 v1, v4;
	_ =	sdelay $0x1  }
0x149: {  	v3 =	vadd.s32 v1, v3;
	_ =	sdelay $0x2  }
0x14a: {  	[tilespmem:s16], [sflag:$0x1] =	stream.indirect_vreg.gather [hbm4b:s4+s2], $0x80, v4, vm0, $0xb8;
	[tilespmem:$0x8200] =	vst v63  }
0x14b: {  	_ = 	snop  }
0x14c: {  	[tilespmem:s17], [sflag:$0x1] =	stream.indirect_vreg.gather [hbm4b:s4+s2], $0x80, v3, vm0, $0xb8;
	[tilespmem:$0x8200] =	vst v63  }
0x14d: {  	v3 =	vld [tilespmem:$0x1B0];
	_ =	sdelay $0x4  }
0x14e: {  	v59 =	vshll.u32 v3, $0x1  }
0x14f: {  	v3 =	vand.u32 $0x7, v3;
	v4 =	vand.u32 $0xFFFFFFF0, v59  }
0x150: {  	v3 =	vor.u32 v3, v4  }
0x151: {  	v4 =	vperm.xlane v3, v0;
	_ =	sdelay $0x1  }
0x152: {  	v3 =	vperm.xlane v3, v2;
	v4 =	vadd.s32 v1, v4;
	_ =	sdelay $0x1  }
0x153: {  	v3 =	vadd.s32 v1, v3;
	_ =	sdelay $0x2  }
0x154: {  	[tilespmem:s18], [sflag:$0x1] =	stream.indirect_vreg.gather [hbm4b:s4+s2], $0x80, v4, vm0, $0xb8;
	[tilespmem:$0x8200] =	vst v63  }
0x155: {  	_ = 	snop  }
0x156: {  	[tilespmem:s19], [sflag:$0x1] =	stream.indirect_vreg.gather [hbm4b:s4+s2], $0x80, v3, vm0, $0xb8;
	[tilespmem:$0x8200] =	vst v63  }
0x157: {  	_ =	swait.ge [sflag:s31], $0x4000  }
0x158: {  	[sflag:s31] =	ssyncset.done $0x0  }
0x159: {  	[sflag:s31] =	ssyncadd.s32 $0xFFFFC000  }
0x15a: {  	[hbm4b:s5+s2] =	stream.linear.scatter [tilespmem:s20], [sflag:$0x4], $0x4000, $0x38;
	[tilespmem:$0x8200] =	vst v63  }
0x15b: {  	_ =	swait.ge [sflag:s1], $0x4000  }
0x15c: {  	[sflag:s1] =	ssyncset.done $0x0  }
0x15d: {  	[sflag:s1] =	ssyncadd.s32 $0xFFFFC000  }
0x15e: {  	v3 =	vld [tilespmem:$0x1C0];
	_ =	sdelay $0x4  }
0x15f: {  	v60 =	vshll.u32 v3, $0x1  }
0x160: {  	v3 =	vand.u32 $0x7, v3;
	v4 =	vand.u32 $0xFFFFFFF0, v60  }
0x161: {  	v3 =	vor.u32 v3, v4  }
0x162: {  	v4 =	vperm.xlane v3, v0;
	_ =	sdelay $0x1  }
0x163: {  	v3 =	vperm.xlane v3, v2;
	v4 =	vadd.s32 v1, v4;
	_ =	sdelay $0x1  }
0x164: {  	v3 =	vadd.s32 v1, v3;
	_ =	sdelay $0x2  }
0x165: {  	[tilespmem:s20], [sflag:$0x2] =	stream.indirect_vreg.gather [hbm4b:s4+s2], $0x80, v4, vm0, $0xb8;
	[tilespmem:$0x8200] =	vst v63  }
0x166: {  	_ = 	snop  }
0x167: {  	[tilespmem:s21], [sflag:$0x2] =	stream.indirect_vreg.gather [hbm4b:s4+s2], $0x80, v3, vm0, $0xb8;
	[tilespmem:$0x8200] =	vst v63  }
0x168: {  	v3 =	vld [tilespmem:$0x1D0];
	_ =	sdelay $0x4  }
0x169: {  	v61 =	vshll.u32 v3, $0x1  }
0x16a: {  	v3 =	vand.u32 $0x7, v3;
	v4 =	vand.u32 $0xFFFFFFF0, v61  }
0x16b: {  	v3 =	vor.u32 v3, v4  }
0x16c: {  	v4 =	vperm.xlane v3, v0;
	_ =	sdelay $0x1  }
0x16d: {  	v3 =	vperm.xlane v3, v2;
	v4 =	vadd.s32 v1, v4;
	_ =	sdelay $0x1  }
0x16e: {  	v3 =	vadd.s32 v1, v3;
	_ =	sdelay $0x2  }
0x16f: {  	[tilespmem:s22], [sflag:$0x2] =	stream.indirect_vreg.gather [hbm4b:s4+s2], $0x80, v4, vm0, $0xb8;
	[tilespmem:$0x8200] =	vst v63  }
0x170: {  	_ = 	snop  }
0x171: {  	[tilespmem:s23], [sflag:$0x2] =	stream.indirect_vreg.gather [hbm4b:s4+s2], $0x80, v3, vm0, $0xb8;
	[tilespmem:$0x8200] =	vst v63  }
0x172: {  	v3 =	vld [tilespmem:$0x1E0];
	_ =	sdelay $0x4  }
0x173: {  	v62 =	vshll.u32 v3, $0x1  }
0x174: {  	v3 =	vand.u32 $0x7, v3;
	v4 =	vand.u32 $0xFFFFFFF0, v62  }
0x175: {  	v3 =	vor.u32 v3, v4  }
0x176: {  	v4 =	vperm.xlane v3, v0;
	_ =	sdelay $0x1  }
0x177: {  	v3 =	vperm.xlane v3, v2;
	v4 =	vadd.s32 v1, v4;
	_ =	sdelay $0x1  }
0x178: {  	v3 =	vadd.s32 v1, v3;
	_ =	sdelay $0x2  }
0x179: {  	[tilespmem:s24], [sflag:$0x2] =	stream.indirect_vreg.gather [hbm4b:s4+s2], $0x80, v4, vm0, $0xb8;
	[tilespmem:$0x8200] =	vst v63  }
0x17a: {  	_ = 	snop  }
0x17b: {  	[tilespmem:s25], [sflag:$0x2] =	stream.indirect_vreg.gather [hbm4b:s4+s2], $0x80, v3, vm0, $0xb8;
	[tilespmem:$0x8200] =	vst v63  }
0x17c: {  	v3 =	vld [tilespmem:$0x1F0];
	_ =	sdelay $0x4  }
0x17d: {  	v63 =	vshll.u32 v3, $0x1  }
0x17e: {  	v3 =	vand.u32 $0x7, v3;
	v4 =	vand.u32 $0xFFFFFFF0, v63  }
0x17f: {  	v3 =	vor.u32 v3, v4  }
0x180: {  	v4 =	vperm.xlane v3, v0;
	_ =	sdelay $0x1  }
0x181: {  	v3 =	vperm.xlane v3, v2;
	v4 =	vadd.s32 v1, v4;
	_ =	sdelay $0x1  }
0x182: {  	v3 =	vadd.s32 v1, v3;
	_ =	sdelay $0x2  }
0x183: {  	[tilespmem:s26], [sflag:$0x2] =	stream.indirect_vreg.gather [hbm4b:s4+s2], $0x80, v4, vm0, $0xb8;
	[tilespmem:$0x8200] =	vst v63  }
0x184: {  	_ = 	snop  }
0x185: {  	[tilespmem:s28], [sflag:$0x2] =	stream.indirect_vreg.gather [hbm4b:s4+s2], $0x80, v3, vm0, $0xb8;
	[tilespmem:$0x8200] =	vst v63  }
0x186: {  	_ =	swait.ge [sflag:s29], $0x4000  }
0x187: {  	[sflag:s29] =	ssyncset.done $0x0  }
0x188: {  	[sflag:s29] =	ssyncadd.s32 $0xFFFFC000  }
0x189: {  	[hbm4b:s6+s2] =	stream.linear.scatter [tilespmem:s12], [sflag:$0x3], $0x4000, $0x38;
	[tilespmem:$0x8200] =	vst v63  }
0x18a: {  	_ =	swait.ge [sflag:s31], $0x4000  }
0x18b: {  	[sflag:s31] =	ssyncset.done $0x0  }
0x18c: {  	[sflag:s31] =	ssyncadd.s32 $0xFFFFC000  }
0x18d: {  	[hbm4b:s7+s2] =	stream.linear.scatter [tilespmem:s20], [sflag:$0x4], $0x4000, $0x38;
	[tilespmem:$0x8200] =	vst v63  }
0x18e: {  	p0 =	sne.s32 s8, $0x1;
	_ =	swait.ge [sflag:s30], $0x4000  }
.Ltmp0:
0x18f: {  	[sflag:s30] =	ssyncset.done $0x0;
	(pc) =	sbr.rel @p0 .LBB2_1-.Ltmp0, $4  }
0x190: {  	[sflag:s30] =	ssyncadd.s32 $0xFFFFC000  }
0x191: {  	_ =	swait.ge [sflag:s1], $0x4000  }
0x192: {  	[sflag:s1] =	ssyncset.done $0x0  }
0x193: {  	s8 =	sadd.s32 $0xFFFFFFFF, s8;
	[sflag:s1] =	ssyncadd.s32 $0xFFFFC000  }
0x194: {  	_ =	sfence.sel $0x180000  }
0x195: {  	[bflag:$0x0] =	sbarrier.arrive $0xFFFF  }
0x196: {  	_ =	strace $0x90000047  }
0x197: {  	s0 =	stileid.u32;
	[bflag:$0x2] =	sbarrier.arrive $0xFFFF  }
0x198: {  	p0 =	sne.s32 s0, $0x0;
	s0 =	rddreg [dreg:$0x2]  }
0x199: {  	s0 =	sadd.s32 @!p0 $0x100000, s0  }
0x19a: {  	[sflag:s0] =	ssyncadd.tile.s32 @!p0 $0x1;
	_ =	shalt  }
.Lfunc_end2:
_tile_overlayer_lowered:
.L_overlay_start_2:
0x19b: {  	(tag) =	ssettag $0x2  }
0x19c: {  	s0 =	rddreg [dreg:$0x0];
	s2 =	stileid.u32  }
0x19d: {  	s1 =	rddreg [dreg:$0x1];
	p0 =	sne.s32 s2, $0x0  }
0x19e: {  	s3 =	rddreg [dreg:$0x2];
	[bflag:$0x3] =	sbarrier.arrive $0xFFFF;
	s2 =	simm.s32 @!p0 $0x1C05  }
0x19f: {  	[timem:s3], [sflag:s2] =	dma.local @!p0 [hbm:s0], s1  }
0x1a0: {  	s0 =	simm.s32 @!p0 $0x5  }
0x1a1: {  	_ =	swait.ge @!p0 [sflag:s0], s1  }
0x1a2: {  	s1 =	ssub.s32 @!p0 $0x0, s1;
	[sflag:s0] =	ssyncset.done @!p0 $0x0  }
0x1a3: {  	[sflag:s0] =	ssyncadd.s32 @!p0 s1  }
0x1a4: {  	[bflag:$0x3] =	sbarrier.arrive $0xFFFF  }
0x1a5: {  	_ =	shalt  }

</sc_bundles>
